<compile_context>
chip_gen: v7x
topology: tpu7x:2x2x1
jax: 0.10.2.dev20260603
libtpu: 0.0.44.dev20260713+nightly
codegen_flags: <defaults>
</compile_context>

<pallas_src>
import functools

import jax
import jax.numpy as jnp
from jax import lax
from jax.experimental import pallas as pl
from jax.experimental.pallas import tpu as pltpu
from jax.experimental.pallas import tpu_sc as plsc

KNN = 16
NPTS = 10000
CH = 64
NPAD = 10240
RB = 512
NSTEP = NPAD // RB

NWORK = 32
PTS_PER_W = NPAD // NWORK
CHUNK_PTS = 64
NCHUNK = PTS_PER_W // CHUNK_PTS
CHUNK_ROWS = CHUNK_PTS * KNN
IDX_SB = CHUNK_ROWS // 128

CB1 = 400
CB2 = 512


def _topk_body(xp_ref, xtp_ref, w1t_ref, wdt_ref, idx_ref, ut_ref, wt_ref,
               xx_ref):
    i = pl.program_id(0)

    @pl.when(i == 0)
    def _():
        xpv = xp_ref[...]
        xx = jnp.sum(xpv * xpv, axis=0, keepdims=True)
        lane = lax.broadcasted_iota(jnp.int32, (1, NPAD), 1)
        xx_ref[...] = jnp.where(lane >= NPTS, jnp.float32(jnp.inf), xx)

    xt = xtp_ref[...]
    dot = jnp.dot(xt, xp_ref[...], preferred_element_type=jnp.float32)
    s0 = 2.0 * dot - xx_ref[...]
    colf = lax.broadcasted_iota(jnp.int32, (RB, NPAD), 1).astype(jnp.float32)
    lane16 = lax.broadcasted_iota(jnp.int32, (RB, KNN), 1)
    neg = jnp.float32(-jnp.inf)
    big = jnp.float32(NPAD)

    m0 = jnp.max(s0, axis=1, keepdims=True)

    def kbody(k, carry):
        m, acc = carry
        idc = jnp.where(s0 == m, colf, big)
        j = jnp.min(idc, axis=1, keepdims=True).astype(jnp.int32)
        acc = jnp.where(lane16 == k, j, acc)
        m = jnp.max(jnp.where(s0 < m, s0, neg), axis=1, keepdims=True)
        return m, acc

    _, idxacc = lax.fori_loop(
        0, KNN, kbody, (m0, jnp.zeros((RB, KNN), jnp.int32)), unroll=4)
    idx_ref[...] = idxacc
    ut_ref[...] = jnp.dot(xt, w1t_ref[...], preferred_element_type=jnp.float32)
    wt_ref[...] = jnp.dot(xt, wdt_ref[...], preferred_element_type=jnp.float32)


_topk_call = pl.pallas_call(
    _topk_body,
    grid=(NSTEP,),
    in_specs=[
        pl.BlockSpec((CH, NPAD), lambda i: (0, 0)),
        pl.BlockSpec((RB, CH), lambda i: (i, 0)),
        pl.BlockSpec((CH, CH), lambda i: (0, 0)),
        pl.BlockSpec((CH, CH), lambda i: (0, 0)),
    ],
    out_specs=[
        pl.BlockSpec((RB, KNN), lambda i: (i, 0)),
        pl.BlockSpec((RB, CH), lambda i: (i, 0)),
        pl.BlockSpec((RB, CH), lambda i: (i, 0)),
    ],
    out_shape=[
        jax.ShapeDtypeStruct((NPAD, KNN), jnp.int32),
        jax.ShapeDtypeStruct((NPAD, CH), jnp.float32),
        jax.ShapeDtypeStruct((NPAD, CH), jnp.float32),
    ],
    scratch_shapes=[pltpu.VMEM((1, NPAD), jnp.float32)],
)


def _sc_body(ut_hbm, idx_hbm, s1_hbm, s2_hbm, m_hbm,
             idx_v, g_v, s1_v, s2_v, m_v, sem):
    wid = lax.axis_index("s") * 2 + lax.axis_index("c")

    def chunk_body(ci, carry):
        rowbase = wid * (PTS_PER_W * KNN // 128) + ci * IDX_SB
        pltpu.sync_copy(idx_hbm.at[pl.ds(rowbase, IDX_SB)], idx_v)
        for h in range(2):
            cps = [
                pltpu.async_copy(ut_hbm.at[idx_v.at[h * 4 + sb]],
                                 g_v.at[pl.ds(sb * 128, 128)], sem)
                for sb in range(4)
            ]
            for cp in cps:
                cp.wait()

            def pt_body(p, c2):
                r0 = p * KNN
                for c in range(4):
                    cs = pl.ds(c * 16, 16)
                    v = g_v[r0, cs]
                    s1 = v
                    s2 = v * v
                    mx = v
                    for r in range(1, KNN):
                        vv = g_v[r0 + r, cs]
                        s1 = s1 + vv
                        s2 = s2 + vv * vv
                        mx = jnp.maximum(mx, vv)
                    s1_v[p, cs] = s1
                    s2_v[p, cs] = s2
                    m_v[p, cs] = mx
                return c2

            lax.fori_loop(0, CHUNK_PTS // 2, pt_body, 0)
            pt0 = wid * PTS_PER_W + ci * CHUNK_PTS + h * (CHUNK_PTS // 2)
            pltpu.sync_copy(s1_v, s1_hbm.at[pl.ds(pt0, CHUNK_PTS // 2)])
            pltpu.sync_copy(s2_v, s2_hbm.at[pl.ds(pt0, CHUNK_PTS // 2)])
            pltpu.sync_copy(m_v, m_hbm.at[pl.ds(pt0, CHUNK_PTS // 2)])
        return carry

    lax.fori_loop(0, NCHUNK, chunk_body, 0)


@functools.lru_cache(maxsize=1)
def _get_sc_call():
    return functools.partial(
        pl.kernel,
        mesh=plsc.VectorSubcoreMesh(core_axis_name="c", subcore_axis_name="s"),
        out_type=[jax.ShapeDtypeStruct((NPAD, CH), jnp.float32)] * 3,
        scratch_types=[
            pltpu.VMEM((IDX_SB, 128), jnp.int32),
            pltpu.VMEM((CHUNK_ROWS // 2, 128), jnp.float32),
            pltpu.VMEM((CHUNK_PTS // 2, CH), jnp.float32),
            pltpu.VMEM((CHUNK_PTS // 2, CH), jnp.float32),
            pltpu.VMEM((CHUNK_PTS // 2, CH), jnp.float32),
            pltpu.SemaphoreType.DMA,
        ],
    )(_sc_body)


def _c1_body(s1_ref, s2_ref, wt_ref, acc_ref):
    i = pl.program_id(0)
    s1 = s1_ref[...]
    s2 = s2_ref[...]
    wt = wt_ref[...]
    p = jnp.concatenate([
        jnp.sum(s1, axis=0, keepdims=True),
        jnp.sum(s2, axis=0, keepdims=True),
        jnp.sum(wt * s1, axis=0, keepdims=True),
        jnp.sum(wt, axis=0, keepdims=True),
        jnp.sum(wt * wt, axis=0, keepdims=True),
        jnp.zeros((3, CH), jnp.float32),
    ], axis=0)

    @pl.when(i == 0)
    def _():
        acc_ref[...] = p

    @pl.when(i > 0)
    def _():
        acc_ref[...] = acc_ref[...] + p


_c1_call = pl.pallas_call(
    _c1_body,
    grid=(NPTS // CB1,),
    in_specs=[
        pl.BlockSpec((CB1, CH), lambda i: (i, 0)),
        pl.BlockSpec((CB1, CH), lambda i: (i, 0)),
        pl.BlockSpec((CB1, CH), lambda i: (i, 0)),
    ],
    out_specs=pl.BlockSpec((8, CH), lambda i: (0, 0)),
    out_shape=jax.ShapeDtypeStruct((8, CH), jnp.float32),
)


def _c2_body(m_ref, wt_ref, sums_ref, gam_ref, bet_ref, out_ref):
    sums = sums_ref[...]
    cnt = jnp.float32(NPTS * KNN)
    mean = (sums[0:1] + KNN * sums[3:4]) / cnt
    ey2 = (sums[1:2] + 2.0 * sums[2:3] + KNN * sums[4:5]) / cnt
    var = ey2 - mean * mean
    rstd = lax.rsqrt(var + 1e-5)
    z = (m_ref[...] + wt_ref[...] - mean) * (rstd * gam_ref[...]) + bet_ref[...]
    act = jnp.where(z > 0, z, 0.2 * z)
    out_ref[...] = act.T


_c2_call = pl.pallas_call(
    _c2_body,
    grid=(NPAD // CB2,),
    in_specs=[
        pl.BlockSpec((CB2, CH), lambda i: (i, 0)),
        pl.BlockSpec((CB2, CH), lambda i: (i, 0)),
        pl.BlockSpec((8, CH), lambda i: (0, 0)),
        pl.BlockSpec((1, CH), lambda i: (0, 0)),
        pl.BlockSpec((1, CH), lambda i: (0, 0)),
    ],
    out_specs=pl.BlockSpec((CH, CB2), lambda i: (0, i)),
    out_shape=jax.ShapeDtypeStruct((CH, NPAD), jnp.float32),
)


def kernel(x, W, gamma, beta):
    _, c, n = x.shape
    x2 = x[0]
    xp = jnp.pad(x2, ((0, 0), (0, NPAD - n)))
    xtp = xp.T
    w1t = W[:, :c].T
    wdt = (W[:, c:] - W[:, :c]).T

    idx, ut, wt = _topk_call(xp, xtp, w1t, wdt)
    idx2 = idx.reshape(-1, 128)
    utp = jnp.pad(ut, ((0, 0), (0, 128 - CH)))
    s1, s2, m = _get_sc_call()(utp, idx2)

    sums = _c1_call(s1, s2, wt)
    out = _c2_call(m, wt, sums, gamma.reshape(1, -1), beta.reshape(1, -1))
    return out[None, :, :n]

# --- scband reference (transcript-rebuilt; emitter-appended) ---
"""Pipeline reference for scband-edge-conv-33998961115888 (READ-ONLY COPY).

The authoritative reference and input builder live on the scoring server;
editing this copy changes nothing except your own understanding.
"""

import jax, jax.numpy as jnp
import numpy as np

K = 16
IN_CH = 64
OUT_CH = 64
N_POINTS = 10000
BATCH = 1

def setup_inputs(seed: int = 0) -> dict:
    key = jax.random.key(seed)
    k1, k2 = jax.random.split(key, 2)
    x = jax.random.normal(k1, (BATCH, IN_CH, N_POINTS), dtype=jnp.float32)
    W = jax.random.normal(k2, (OUT_CH, 2 * IN_CH), dtype=jnp.float32) * (1.0 / np.sqrt(2 * IN_CH))
    gamma = jnp.ones((OUT_CH,), dtype=jnp.float32)
    beta = jnp.zeros((OUT_CH,), dtype=jnp.float32)
    return {"x": x, "W": W, "gamma": gamma, "beta": beta}

def _edgeconv(x, W, gamma, beta):
    B, C, N = x.shape
    # knn: negative squared pairwise distances, topk indices
    xt = jnp.swapaxes(x, 2, 1)  # [B, N, C]
    inner = -2.0 * jnp.matmul(xt, x)  # [B, N, N]
    xx = jnp.sum(x * x, axis=1, keepdims=True)  # [B, 1, N]
    pair = -xx - inner - jnp.swapaxes(xx, 2, 1)  # [B, N, N]
    _, idx = jax.lax.top_k(pair, K)  # [B, N, K]
    # get_graph_feature: gather neighbor features
    idx_base = jnp.arange(B).reshape(-1, 1, 1) * N
    idx_flat = (idx + idx_base).reshape(-1)
    feat_nb = jnp.take(xt.reshape(B * N, C), idx_flat, axis=0).reshape(B, N, K, C)
    xc = jnp.broadcast_to(xt.reshape(B, N, 1, C), (B, N, K, C))
    feat = jnp.concatenate([feat_nb - xc, xc], axis=3)  # [B, N, K, 2C]
    # 1x1 Conv2d (no bias): weight [out_ch, 2C]
    y = jnp.einsum('bnkc,oc->bonk', feat, W)  # [B, O, N, K]
    # BatchNorm2d (training-mode batch statistics, eps=1e-5)
    mean = jnp.mean(y, axis=(0, 2, 3), keepdims=True)
    var = jnp.var(y, axis=(0, 2, 3), keepdims=True)
    yn = (y - mean) / jnp.sqrt(var + 1e-5)
    yn = yn * gamma.reshape(1, -1, 1, 1) + beta.reshape(1, -1, 1, 1)
    # LeakyReLU(0.2)
    act = jnp.where(yn > 0, yn, 0.2 * yn)
    # max over k neighbors
    return jnp.max(act, axis=-1)  # [B, O, N]

def reference(x, W, gamma, beta):
    return _edgeconv(x, W, gamma, beta)

if __name__ == "__main__":
    import jax
    _d = setup_inputs()
    print(jax.jit(kernel)(*tuple(_d.values())))

</pallas_src>

<mosaic_0001>
#map = affine_map<(d0, d1) -> (0, 0)>
module attributes {stable_mosaic.version = 14 : i64} {
  func.func @_sc_body(%arg0: i32, %arg1: i32, %arg2: memref<10240x128xf32, #tpu.memory_space<hbm>>, %arg3: memref<1280x128xi32, #tpu.memory_space<hbm>>, %arg4: memref<10240x64xf32, #tpu.memory_space<hbm>>, %arg5: memref<10240x64xf32, #tpu.memory_space<hbm>>, %arg6: memref<10240x64xf32, #tpu.memory_space<hbm>>, %arg7: memref<8x128xi32, #tpu.memory_space<vmem>>, %arg8: memref<512x128xf32, #tpu.memory_space<vmem>>, %arg9: memref<32x64xf32, #tpu.memory_space<vmem>>, %arg10: memref<32x64xf32, #tpu.memory_space<vmem>>, %arg11: memref<32x64xf32, #tpu.memory_space<vmem>>, %arg12: memref<!tpu.dma_semaphore, #tpu.memory_space<semaphore_mem>>) attributes {dimension_semantics = [#tpu.dimension_semantics<core_parallel>, #tpu.dimension_semantics<subcore_parallel>], iteration_bounds = array<i64: 2, 16>, scalar_prefetch = 0 : i64, scratch_operands = 6 : i64, tpu.core_type = #tpu.core_type<sc_vector_subcore>, window_params = [{transform_indices = #map}, {transform_indices = #map}, {transform_indices = #map}, {transform_indices = #map}, {transform_indices = #map}]} {
    %mul3A = arith.constant 2 : i32
    %mul3A_0 = arith.muli %arg1, %mul3A : i32
    %add3A = arith.addi %mul3A_0, %arg0 : i32
    %scan3A = arith.constant 0 : i32
    %scan3A_1 = arith.constant 0 : i32
    %scan3A_2 = arith.constant 5 : i32
    %scan3A_3 = arith.addi %scan3A_1, %scan3A_2 : i32
    %scan3A_4 = arith.constant 1 : i32
    scf.for %scan3A_6 = %scan3A_1 to %scan3A_3 step %scan3A_4  : i32 {
      %mul3A_7 = arith.constant 40 : i32
      %mul3A_8 = arith.muli %add3A, %mul3A_7 : i32
      %mul3A_9 = arith.constant 8 : i32
      %mul3A_10 = arith.muli %scan3A_6, %mul3A_9 : i32
      %add3A_11 = arith.addi %mul3A_8, %mul3A_10 : i32
      "tpu.region"() ({
        %run_scoped3A = tpu.sem_alloc : memref<!tpu.dma_semaphore, #tpu.memory_space<semaphore_mem>>
        %dma_start3A_196 = arith.constant 0 : i32
        %dma_start3A_197 = tpu.memref_slice %arg3[%add3A_11, %dma_start3A_196] : memref<1280x128xi32, #tpu.memory_space<hbm>> -> memref<8x128xi32, #tpu.memory_space<hbm>>
        %dma_start3A_198 = arith.constant 0 : i32
        %dma_start3A_199 = tpu.memref_slice %arg3[%add3A_11, %dma_start3A_198] : memref<1280x128xi32, #tpu.memory_space<hbm>> -> memref<8x128xi32, #tpu.memory_space<hbm>>
        tpu.enqueue_dma source(%dma_start3A_199 : memref<8x128xi32, #tpu.memory_space<hbm>>) target(%arg7 : memref<8x128xi32, #tpu.memory_space<vmem>>) target_semaphore(%run_scoped3A : memref<!tpu.dma_semaphore, #tpu.memory_space<semaphore_mem>>)
        %dma_wait3A_200 = arith.constant 0 : i32
        %dma_wait3A_201 = tpu.memref_slice %arg3[%add3A_11, %dma_wait3A_200] : memref<1280x128xi32, #tpu.memory_space<hbm>> -> memref<8x128xi32, #tpu.memory_space<hbm>>
        %dma_wait3A_202 = arith.constant 0 : i32
        %dma_wait3A_203 = tpu.memref_slice %arg3[%add3A_11, %dma_wait3A_202] : memref<1280x128xi32, #tpu.memory_space<hbm>> -> memref<8x128xi32, #tpu.memory_space<hbm>>
        tpu.wait_dma2 semaphore(%run_scoped3A : memref<!tpu.dma_semaphore, #tpu.memory_space<semaphore_mem>>) src(%dma_wait3A_203 : memref<8x128xi32, #tpu.memory_space<hbm>>) dst(%arg7 : memref<8x128xi32, #tpu.memory_space<vmem>>)
        tpu.yield
      }) : () -> ()
      %dma_start3A = arith.constant 0 : i32
      %dma_start3A_12 = arith.constant 0 : i32
      %dma_start3A_13 = arith.constant 0 : i32
      %dma_start3A_14 = tpu.memref_slice %arg8[%dma_start3A_12, %dma_start3A_13] : memref<512x128xf32, #tpu.memory_space<vmem>> -> memref<128x128xf32, #tpu.memory_space<vmem>>
      %dma_start3A_15 = arith.constant 0 : i32
      %dma_start3A_16 = tpu.memref_slice %arg7[%dma_start3A, %dma_start3A_15] : memref<8x128xi32, #tpu.memory_space<vmem>> -> memref<1x128xi32, #tpu.memory_space<vmem>>
      %dma_start3A_17 = tpu.memref_squeeze %dma_start3A_16 : memref<1x128xi32, #tpu.memory_space<vmem>> -> memref<128xi32, #tpu.memory_space<vmem>>
      %dma_start3A_18 = arith.constant 0 : i32
      %dma_start3A_19 = arith.constant 0 : i32
      %dma_start3A_20 = tpu.memref_slice %arg2[%dma_start3A_18, %dma_start3A_19] : memref<10240x128xf32, #tpu.memory_space<hbm>> -> memref<10240x128xf32, #tpu.memory_space<hbm>>
      tpu.enqueue_indirect_dma source(%dma_start3A_20 : memref<10240x128xf32, #tpu.memory_space<hbm>>) target(%dma_start3A_14 : memref<128x128xf32, #tpu.memory_space<vmem>>) offsets(%dma_start3A_17 : memref<128xi32, #tpu.memory_space<vmem>>) semaphore(%arg12 : memref<!tpu.dma_semaphore, #tpu.memory_space<semaphore_mem>>)
      %dma_start3A_21 = arith.constant 1 : i32
      %dma_start3A_22 = arith.constant 128 : i32
      %dma_start3A_23 = arith.constant 0 : i32
      %dma_start3A_24 = tpu.memref_slice %arg8[%dma_start3A_22, %dma_start3A_23] : memref<512x128xf32, #tpu.memory_space<vmem>> -> memref<128x128xf32, #tpu.memory_space<vmem>>
      %dma_start3A_25 = arith.constant 0 : i32
      %dma_start3A_26 = tpu.memref_slice %arg7[%dma_start3A_21, %dma_start3A_25] : memref<8x128xi32, #tpu.memory_space<vmem>> -> memref<1x128xi32, #tpu.memory_space<vmem>>
      %dma_start3A_27 = tpu.memref_squeeze %dma_start3A_26 : memref<1x128xi32, #tpu.memory_space<vmem>> -> memref<128xi32, #tpu.memory_space<vmem>>
      %dma_start3A_28 = arith.constant 0 : i32
      %dma_start3A_29 = arith.constant 0 : i32
      %dma_start3A_30 = tpu.memref_slice %arg2[%dma_start3A_28, %dma_start3A_29] : memref<10240x128xf32, #tpu.memory_space<hbm>> -> memref<10240x128xf32, #tpu.memory_space<hbm>>
      tpu.enqueue_indirect_dma source(%dma_start3A_30 : memref<10240x128xf32, #tpu.memory_space<hbm>>) target(%dma_start3A_24 : memref<128x128xf32, #tpu.memory_space<vmem>>) offsets(%dma_start3A_27 : memref<128xi32, #tpu.memory_space<vmem>>) semaphore(%arg12 : memref<!tpu.dma_semaphore, #tpu.memory_space<semaphore_mem>>)
      %dma_start3A_31 = arith.constant 2 : i32
      %dma_start3A_32 = arith.constant 256 : i32
      %dma_start3A_33 = arith.constant 0 : i32
      %dma_start3A_34 = tpu.memref_slice %arg8[%dma_start3A_32, %dma_start3A_33] : memref<512x128xf32, #tpu.memory_space<vmem>> -> memref<128x128xf32, #tpu.memory_space<vmem>>
      %dma_start3A_35 = arith.constant 0 : i32
      %dma_start3A_36 = tpu.memref_slice %arg7[%dma_start3A_31, %dma_start3A_35] : memref<8x128xi32, #tpu.memory_space<vmem>> -> memref<1x128xi32, #tpu.memory_space<vmem>>
      %dma_start3A_37 = tpu.memref_squeeze %dma_start3A_36 : memref<1x128xi32, #tpu.memory_space<vmem>> -> memref<128xi32, #tpu.memory_space<vmem>>
      %dma_start3A_38 = arith.constant 0 : i32
      %dma_start3A_39 = arith.constant 0 : i32
      %dma_start3A_40 = tpu.memref_slice %arg2[%dma_start3A_38, %dma_start3A_39] : memref<10240x128xf32, #tpu.memory_space<hbm>> -> memref<10240x128xf32, #tpu.memory_space<hbm>>
      tpu.enqueue_indirect_dma source(%dma_start3A_40 : memref<10240x128xf32, #tpu.memory_space<hbm>>) target(%dma_start3A_34 : memref<128x128xf32, #tpu.memory_space<vmem>>) offsets(%dma_start3A_37 : memref<128xi32, #tpu.memory_space<vmem>>) semaphore(%arg12 : memref<!tpu.dma_semaphore, #tpu.memory_space<semaphore_mem>>)
      %dma_start3A_41 = arith.constant 3 : i32
      %dma_start3A_42 = arith.constant 384 : i32
      %dma_start3A_43 = arith.constant 0 : i32
      %dma_start3A_44 = tpu.memref_slice %arg8[%dma_start3A_42, %dma_start3A_43] : memref<512x128xf32, #tpu.memory_space<vmem>> -> memref<128x128xf32, #tpu.memory_space<vmem>>
      %dma_start3A_45 = arith.constant 0 : i32
      %dma_start3A_46 = tpu.memref_slice %arg7[%dma_start3A_41, %dma_start3A_45] : memref<8x128xi32, #tpu.memory_space<vmem>> -> memref<1x128xi32, #tpu.memory_space<vmem>>
      %dma_start3A_47 = tpu.memref_squeeze %dma_start3A_46 : memref<1x128xi32, #tpu.memory_space<vmem>> -> memref<128xi32, #tpu.memory_space<vmem>>
      %dma_start3A_48 = arith.constant 0 : i32
      %dma_start3A_49 = arith.constant 0 : i32
      %dma_start3A_50 = tpu.memref_slice %arg2[%dma_start3A_48, %dma_start3A_49] : memref<10240x128xf32, #tpu.memory_space<hbm>> -> memref<10240x128xf32, #tpu.memory_space<hbm>>
      tpu.enqueue_indirect_dma source(%dma_start3A_50 : memref<10240x128xf32, #tpu.memory_space<hbm>>) target(%dma_start3A_44 : memref<128x128xf32, #tpu.memory_space<vmem>>) offsets(%dma_start3A_47 : memref<128xi32, #tpu.memory_space<vmem>>) semaphore(%arg12 : memref<!tpu.dma_semaphore, #tpu.memory_space<semaphore_mem>>)
      %dma_wait3A = arith.constant 0 : i32
      %dma_wait3A_51 = arith.constant 0 : i32
      %dma_wait3A_52 = arith.constant 0 : i32
      %dma_wait3A_53 = tpu.memref_slice %arg8[%dma_wait3A_51, %dma_wait3A_52] : memref<512x128xf32, #tpu.memory_space<vmem>> -> memref<128x128xf32, #tpu.memory_space<vmem>>
      %dma_wait3A_54 = arith.constant 0 : i32
      %dma_wait3A_55 = tpu.memref_slice %arg7[%dma_wait3A, %dma_wait3A_54] : memref<8x128xi32, #tpu.memory_space<vmem>> -> memref<1x128xi32, #tpu.memory_space<vmem>>
      %dma_wait3A_56 = tpu.memref_squeeze %dma_wait3A_55 : memref<1x128xi32, #tpu.memory_space<vmem>> -> memref<128xi32, #tpu.memory_space<vmem>>
      %dma_wait3A_57 = arith.constant 0 : i32
      %dma_wait3A_58 = arith.constant 0 : i32
      %dma_wait3A_59 = tpu.memref_slice %arg2[%dma_wait3A_57, %dma_wait3A_58] : memref<10240x128xf32, #tpu.memory_space<hbm>> -> memref<10240x128xf32, #tpu.memory_space<hbm>>
      tpu.wait_indirect_dma semaphore(%arg12 : memref<!tpu.dma_semaphore, #tpu.memory_space<semaphore_mem>>) src(%dma_wait3A_59 : memref<10240x128xf32, #tpu.memory_space<hbm>>) dst(%dma_wait3A_53 : memref<128x128xf32, #tpu.memory_space<vmem>>)
      %dma_wait3A_60 = arith.constant 1 : i32
      %dma_wait3A_61 = arith.constant 128 : i32
      %dma_wait3A_62 = arith.constant 0 : i32
      %dma_wait3A_63 = tpu.memref_slice %arg8[%dma_wait3A_61, %dma_wait3A_62] : memref<512x128xf32, #tpu.memory_space<vmem>> -> memref<128x128xf32, #tpu.memory_space<vmem>>
      %dma_wait3A_64 = arith.constant 0 : i32
      %dma_wait3A_65 = tpu.memref_slice %arg7[%dma_wait3A_60, %dma_wait3A_64] : memref<8x128xi32, #tpu.memory_space<vmem>> -> memref<1x128xi32, #tpu.memory_space<vmem>>
      %dma_wait3A_66 = tpu.memref_squeeze %dma_wait3A_65 : memref<1x128xi32, #tpu.memory_space<vmem>> -> memref<128xi32, #tpu.memory_space<vmem>>
      %dma_wait3A_67 = arith.constant 0 : i32
      %dma_wait3A_68 = arith.constant 0 : i32
      %dma_wait3A_69 = tpu.memref_slice %arg2[%dma_wait3A_67, %dma_wait3A_68] : memref<10240x128xf32, #tpu.memory_space<hbm>> -> memref<10240x128xf32, #tpu.memory_space<hbm>>
      tpu.wait_indirect_dma semaphore(%arg12 : memref<!tpu.dma_semaphore, #tpu.memory_space<semaphore_mem>>) src(%dma_wait3A_69 : memref<10240x128xf32, #tpu.memory_space<hbm>>) dst(%dma_wait3A_63 : memref<128x128xf32, #tpu.memory_space<vmem>>)
      %dma_wait3A_70 = arith.constant 2 : i32
      %dma_wait3A_71 = arith.constant 256 : i32
      %dma_wait3A_72 = arith.constant 0 : i32
      %dma_wait3A_73 = tpu.memref_slice %arg8[%dma_wait3A_71, %dma_wait3A_72] : memref<512x128xf32, #tpu.memory_space<vmem>> -> memref<128x128xf32, #tpu.memory_space<vmem>>
      %dma_wait3A_74 = arith.constant 0 : i32
      %dma_wait3A_75 = tpu.memref_slice %arg7[%dma_wait3A_70, %dma_wait3A_74] : memref<8x128xi32, #tpu.memory_space<vmem>> -> memref<1x128xi32, #tpu.memory_space<vmem>>
      %dma_wait3A_76 = tpu.memref_squeeze %dma_wait3A_75 : memref<1x128xi32, #tpu.memory_space<vmem>> -> memref<128xi32, #tpu.memory_space<vmem>>
      %dma_wait3A_77 = arith.constant 0 : i32
      %dma_wait3A_78 = arith.constant 0 : i32
      %dma_wait3A_79 = tpu.memref_slice %arg2[%dma_wait3A_77, %dma_wait3A_78] : memref<10240x128xf32, #tpu.memory_space<hbm>> -> memref<10240x128xf32, #tpu.memory_space<hbm>>
      tpu.wait_indirect_dma semaphore(%arg12 : memref<!tpu.dma_semaphore, #tpu.memory_space<semaphore_mem>>) src(%dma_wait3A_79 : memref<10240x128xf32, #tpu.memory_space<hbm>>) dst(%dma_wait3A_73 : memref<128x128xf32, #tpu.memory_space<vmem>>)
      %dma_wait3A_80 = arith.constant 3 : i32
      %dma_wait3A_81 = arith.constant 384 : i32
      %dma_wait3A_82 = arith.constant 0 : i32
      %dma_wait3A_83 = tpu.memref_slice %arg8[%dma_wait3A_81, %dma_wait3A_82] : memref<512x128xf32, #tpu.memory_space<vmem>> -> memref<128x128xf32, #tpu.memory_space<vmem>>
      %dma_wait3A_84 = arith.constant 0 : i32
      %dma_wait3A_85 = tpu.memref_slice %arg7[%dma_wait3A_80, %dma_wait3A_84] : memref<8x128xi32, #tpu.memory_space<vmem>> -> memref<1x128xi32, #tpu.memory_space<vmem>>
      %dma_wait3A_86 = tpu.memref_squeeze %dma_wait3A_85 : memref<1x128xi32, #tpu.memory_space<vmem>> -> memref<128xi32, #tpu.memory_space<vmem>>
      %dma_wait3A_87 = arith.constant 0 : i32
      %dma_wait3A_88 = arith.constant 0 : i32
      %dma_wait3A_89 = tpu.memref_slice %arg2[%dma_wait3A_87, %dma_wait3A_88] : memref<10240x128xf32, #tpu.memory_space<hbm>> -> memref<10240x128xf32, #tpu.memory_space<hbm>>
      tpu.wait_indirect_dma semaphore(%arg12 : memref<!tpu.dma_semaphore, #tpu.memory_space<semaphore_mem>>) src(%dma_wait3A_89 : memref<10240x128xf32, #tpu.memory_space<hbm>>) dst(%dma_wait3A_83 : memref<128x128xf32, #tpu.memory_space<vmem>>)
      %scan3A_90 = arith.constant 0 : i32
      %scan3A_91 = arith.constant 0 : i32
      %scan3A_92 = arith.constant 32 : i32
      %scan3A_93 = arith.addi %scan3A_91, %scan3A_92 : i32
      %scan3A_94 = arith.constant 1 : i32
      scf.for %scan3A_196 = %scan3A_91 to %scan3A_93 step %scan3A_94  : i32 {
        %mul3A_197 = arith.constant 16 : i32
        %mul3A_198 = arith.muli %scan3A_196, %mul3A_197 : i32
        %get3A = arith.index_cast %mul3A_198 : i32 to index
        %get3A_199 = arith.constant 0 : index
        %get3A_200 = tpu.vector_load %arg8[%get3A, %get3A_199] {strides = array<i32>} : memref<512x128xf32, #tpu.memory_space<vmem>>, vector<1x16xf32>,
        %get3A_201 = vector.shape_cast %get3A_200 : vector<1x16xf32> to vector<16xf32>
        %mul3A_202 = arith.mulf %get3A_201, %get3A_201 : vector<16xf32>
        %add3A_203 = arith.constant 1 : i32
        %add3A_204 = arith.addi %mul3A_198, %add3A_203 : i32
        %get3A_205 = arith.index_cast %add3A_204 : i32 to index
        %get3A_206 = arith.constant 0 : index
        %get3A_207 = tpu.vector_load %arg8[%get3A_205, %get3A_206] {strides = array<i32>} : memref<512x128xf32, #tpu.memory_space<vmem>>, vector<1x16xf32>,
        %get3A_208 = vector.shape_cast %get3A_207 : vector<1x16xf32> to vector<16xf32>
        %add3A_209 = arith.addf %get3A_201, %get3A_208 : vector<16xf32>
        %mul3A_210 = arith.mulf %get3A_208, %get3A_208 : vector<16xf32>
        %add3A_211 = arith.addf %mul3A_202, %mul3A_210 : vector<16xf32>
        %max3A = arith.maximumf %get3A_201, %get3A_208 : vector<16xf32>
        %add3A_212 = arith.constant 2 : i32
        %add3A_213 = arith.addi %mul3A_198, %add3A_212 : i32
        %get3A_214 = arith.index_cast %add3A_213 : i32 to index
        %get3A_215 = arith.constant 0 : index
        %get3A_216 = tpu.vector_load %arg8[%get3A_214, %get3A_215] {strides = array<i32>} : memref<512x128xf32, #tpu.memory_space<vmem>>, vector<1x16xf32>,
        %get3A_217 = vector.shape_cast %get3A_216 : vector<1x16xf32> to vector<16xf32>
        %add3A_218 = arith.addf %add3A_209, %get3A_217 : vector<16xf32>
        %mul3A_219 = arith.mulf %get3A_217, %get3A_217 : vector<16xf32>
        %add3A_220 = arith.addf %add3A_211, %mul3A_219 : vector<16xf32>
        %max3A_221 = arith.maximumf %max3A, %get3A_217 : vector<16xf32>
        %add3A_222 = arith.constant 3 : i32
        %add3A_223 = arith.addi %mul3A_198, %add3A_222 : i32
        %get3A_224 = arith.index_cast %add3A_223 : i32 to index
        %get3A_225 = arith.constant 0 : index
        %get3A_226 = tpu.vector_load %arg8[%get3A_224, %get3A_225] {strides = array<i32>} : memref<512x128xf32, #tpu.memory_space<vmem>>, vector<1x16xf32>,
        %get3A_227 = vector.shape_cast %get3A_226 : vector<1x16xf32> to vector<16xf32>
        %add3A_228 = arith.addf %add3A_218, %get3A_227 : vector<16xf32>
        %mul3A_229 = arith.mulf %get3A_227, %get3A_227 : vector<16xf32>
        %add3A_230 = arith.addf %add3A_220, %mul3A_229 : vector<16xf32>
        %max3A_231 = arith.maximumf %max3A_221, %get3A_227 : vector<16xf32>
        %add3A_232 = arith.constant 4 : i32
        %add3A_233 = arith.addi %mul3A_198, %add3A_232 : i32
        %get3A_234 = arith.index_cast %add3A_233 : i32 to index
        %get3A_235 = arith.constant 0 : index
        %get3A_236 = tpu.vector_load %arg8[%get3A_234, %get3A_235] {strides = array<i32>} : memref<512x128xf32, #tpu.memory_space<vmem>>, vector<1x16xf32>,
        %get3A_237 = vector.shape_cast %get3A_236 : vector<1x16xf32> to vector<16xf32>
        %add3A_238 = arith.addf %add3A_228, %get3A_237 : vector<16xf32>
        %mul3A_239 = arith.mulf %get3A_237, %get3A_237 : vector<16xf32>
        %add3A_240 = arith.addf %add3A_230, %mul3A_239 : vector<16xf32>
        %max3A_241 = arith.maximumf %max3A_231, %get3A_237 : vector<16xf32>
        %add3A_242 = arith.constant 5 : i32
        %add3A_243 = arith.addi %mul3A_198, %add3A_242 : i32
        %get3A_244 = arith.index_cast %add3A_243 : i32 to index
        %get3A_245 = arith.constant 0 : index
        %get3A_246 = tpu.vector_load %arg8[%get3A_244, %get3A_245] {strides = array<i32>} : memref<512x128xf32, #tpu.memory_space<vmem>>, vector<1x16xf32>,
        %get3A_247 = vector.shape_cast %get3A_246 : vector<1x16xf32> to vector<16xf32>
        %add3A_248 = arith.addf %add3A_238, %get3A_247 : vector<16xf32>
        %mul3A_249 = arith.mulf %get3A_247, %get3A_247 : vector<16xf32>
        %add3A_250 = arith.addf %add3A_240, %mul3A_249 : vector<16xf32>
        %max3A_251 = arith.maximumf %max3A_241, %get3A_247 : vector<16xf32>
        %add3A_252 = arith.constant 6 : i32
        %add3A_253 = arith.addi %mul3A_198, %add3A_252 : i32
        %get3A_254 = arith.index_cast %add3A_253 : i32 to index
        %get3A_255 = arith.constant 0 : index
        %get3A_256 = tpu.vector_load %arg8[%get3A_254, %get3A_255] {strides = array<i32>} : memref<512x128xf32, #tpu.memory_space<vmem>>, vector<1x16xf32>,
        %get3A_257 = vector.shape_cast %get3A_256 : vector<1x16xf32> to vector<16xf32>
        %add3A_258 = arith.addf %add3A_248, %get3A_257 : vector<16xf32>
        %mul3A_259 = arith.mulf %get3A_257, %get3A_257 : vector<16xf32>
        %add3A_260 = arith.addf %add3A_250, %mul3A_259 : vector<16xf32>
        %max3A_261 = arith.maximumf %max3A_251, %get3A_257 : vector<16xf32>
        %add3A_262 = arith.constant 7 : i32
        %add3A_263 = arith.addi %mul3A_198, %add3A_262 : i32
        %get3A_264 = arith.index_cast %add3A_263 : i32 to index
        %get3A_265 = arith.constant 0 : index
        %get3A_266 = tpu.vector_load %arg8[%get3A_264, %get3A_265] {strides = array<i32>} : memref<512x128xf32, #tpu.memory_space<vmem>>, vector<1x16xf32>,
        %get3A_267 = vector.shape_cast %get3A_266 : vector<1x16xf32> to vector<16xf32>
        %add3A_268 = arith.addf %add3A_258, %get3A_267 : vector<16xf32>
        %mul3A_269 = arith.mulf %get3A_267, %get3A_267 : vector<16xf32>
        %add3A_270 = arith.addf %add3A_260, %mul3A_269 : vector<16xf32>
        %max3A_271 = arith.maximumf %max3A_261, %get3A_267 : vector<16xf32>
        %add3A_272 = arith.constant 8 : i32
        %add3A_273 = arith.addi %mul3A_198, %add3A_272 : i32
        %get3A_274 = arith.index_cast %add3A_273 : i32 to index
        %get3A_275 = arith.constant 0 : index
        %get3A_276 = tpu.vector_load %arg8[%get3A_274, %get3A_275] {strides = array<i32>} : memref<512x128xf32, #tpu.memory_space<vmem>>, vector<1x16xf32>,
        %get3A_277 = vector.shape_cast %get3A_276 : vector<1x16xf32> to vector<16xf32>
        %add3A_278 = arith.addf %add3A_268, %get3A_277 : vector<16xf32>
        %mul3A_279 = arith.mulf %get3A_277, %get3A_277 : vector<16xf32>
        %add3A_280 = arith.addf %add3A_270, %mul3A_279 : vector<16xf32>
        %max3A_281 = arith.maximumf %max3A_271, %get3A_277 : vector<16xf32>
        %add3A_282 = arith.constant 9 : i32
        %add3A_283 = arith.addi %mul3A_198, %add3A_282 : i32
        %get3A_284 = arith.index_cast %add3A_283 : i32 to index
        %get3A_285 = arith.constant 0 : index
        %get3A_286 = tpu.vector_load %arg8[%get3A_284, %get3A_285] {strides = array<i32>} : memref<512x128xf32, #tpu.memory_space<vmem>>, vector<1x16xf32>,
        %get3A_287 = vector.shape_cast %get3A_286 : vector<1x16xf32> to vector<16xf32>
        %add3A_288 = arith.addf %add3A_278, %get3A_287 : vector<16xf32>
        %mul3A_289 = arith.mulf %get3A_287, %get3A_287 : vector<16xf32>
        %add3A_290 = arith.addf %add3A_280, %mul3A_289 : vector<16xf32>
        %max3A_291 = arith.maximumf %max3A_281, %get3A_287 : vector<16xf32>
        %add3A_292 = arith.constant 10 : i32
        %add3A_293 = arith.addi %mul3A_198, %add3A_292 : i32
        %get3A_294 = arith.index_cast %add3A_293 : i32 to index
        %get3A_295 = arith.constant 0 : index
        %get3A_296 = tpu.vector_load %arg8[%get3A_294, %get3A_295] {strides = array<i32>} : memref<512x128xf32, #tpu.memory_space<vmem>>, vector<1x16xf32>,
        %get3A_297 = vector.shape_cast %get3A_296 : vector<1x16xf32> to vector<16xf32>
        %add3A_298 = arith.addf %add3A_288, %get3A_297 : vector<16xf32>
        %mul3A_299 = arith.mulf %get3A_297, %get3A_297 : vector<16xf32>
        %add3A_300 = arith.addf %add3A_290, %mul3A_299 : vector<16xf32>
        %max3A_301 = arith.maximumf %max3A_291, %get3A_297 : vector<16xf32>
        %add3A_302 = arith.constant 11 : i32
        %add3A_303 = arith.addi %mul3A_198, %add3A_302 : i32
        %get3A_304 = arith.index_cast %add3A_303 : i32 to index
        %get3A_305 = arith.constant 0 : index
        %get3A_306 = tpu.vector_load %arg8[%get3A_304, %get3A_305] {strides = array<i32>} : memref<512x128xf32, #tpu.memory_space<vmem>>, vector<1x16xf32>,
        %get3A_307 = vector.shape_cast %get3A_306 : vector<1x16xf32> to vector<16xf32>
        %add3A_308 = arith.addf %add3A_298, %get3A_307 : vector<16xf32>
        %mul3A_309 = arith.mulf %get3A_307, %get3A_307 : vector<16xf32>
        %add3A_310 = arith.addf %add3A_300, %mul3A_309 : vector<16xf32>
        %max3A_311 = arith.maximumf %max3A_301, %get3A_307 : vector<16xf32>
        %add3A_312 = arith.constant 12 : i32
        %add3A_313 = arith.addi %mul3A_198, %add3A_312 : i32
        %get3A_314 = arith.index_cast %add3A_313 : i32 to index
        %get3A_315 = arith.constant 0 : index
        %get3A_316 = tpu.vector_load %arg8[%get3A_314, %get3A_315] {strides = array<i32>} : memref<512x128xf32, #tpu.memory_space<vmem>>, vector<1x16xf32>,
        %get3A_317 = vector.shape_cast %get3A_316 : vector<1x16xf32> to vector<16xf32>
        %add3A_318 = arith.addf %add3A_308, %get3A_317 : vector<16xf32>
        %mul3A_319 = arith.mulf %get3A_317, %get3A_317 : vector<16xf32>
        %add3A_320 = arith.addf %add3A_310, %mul3A_319 : vector<16xf32>
        %max3A_321 = arith.maximumf %max3A_311, %get3A_317 : vector<16xf32>
        %add3A_322 = arith.constant 13 : i32
        %add3A_323 = arith.addi %mul3A_198, %add3A_322 : i32
        %get3A_324 = arith.index_cast %add3A_323 : i32 to index
        %get3A_325 = arith.constant 0 : index
        %get3A_326 = tpu.vector_load %arg8[%get3A_324, %get3A_325] {strides = array<i32>} : memref<512x128xf32, #tpu.memory_space<vmem>>, vector<1x16xf32>,
        %get3A_327 = vector.shape_cast %get3A_326 : vector<1x16xf32> to vector<16xf32>
        %add3A_328 = arith.addf %add3A_318, %get3A_327 : vector<16xf32>
        %mul3A_329 = arith.mulf %get3A_327, %get3A_327 : vector<16xf32>
        %add3A_330 = arith.addf %add3A_320, %mul3A_329 : vector<16xf32>
        %max3A_331 = arith.maximumf %max3A_321, %get3A_327 : vector<16xf32>
        %add3A_332 = arith.constant 14 : i32
        %add3A_333 = arith.addi %mul3A_198, %add3A_332 : i32
        %get3A_334 = arith.index_cast %add3A_333 : i32 to index
        %get3A_335 = arith.constant 0 : index
        %get3A_336 = tpu.vector_load %arg8[%get3A_334, %get3A_335] {strides = array<i32>} : memref<512x128xf32, #tpu.memory_space<vmem>>, vector<1x16xf32>,
        %get3A_337 = vector.shape_cast %get3A_336 : vector<1x16xf32> to vector<16xf32>
        %add3A_338 = arith.addf %add3A_328, %get3A_337 : vector<16xf32>
        %mul3A_339 = arith.mulf %get3A_337, %get3A_337 : vector<16xf32>
        %add3A_340 = arith.addf %add3A_330, %mul3A_339 : vector<16xf32>
        %max3A_341 = arith.maximumf %max3A_331, %get3A_337 : vector<16xf32>
        %add3A_342 = arith.constant 15 : i32
        %add3A_343 = arith.addi %mul3A_198, %add3A_342 : i32
        %get3A_344 = arith.index_cast %add3A_343 : i32 to index
        %get3A_345 = arith.constant 0 : index
        %get3A_346 = tpu.vector_load %arg8[%get3A_344, %get3A_345] {strides = array<i32>} : memref<512x128xf32, #tpu.memory_space<vmem>>, vector<1x16xf32>,
        %get3A_347 = vector.shape_cast %get3A_346 : vector<1x16xf32> to vector<16xf32>
        %add3A_348 = arith.addf %add3A_338, %get3A_347 : vector<16xf32>
        %mul3A_349 = arith.mulf %get3A_347, %get3A_347 : vector<16xf32>
        %add3A_350 = arith.addf %add3A_340, %mul3A_349 : vector<16xf32>
        %max3A_351 = arith.maximumf %max3A_341, %get3A_347 : vector<16xf32>
        %swap3A = arith.index_cast %scan3A_196 : i32 to index
        %swap3A_352 = arith.constant 0 : index
        %swap3A_353 = tpu.vector_load %arg9[%swap3A, %swap3A_352] {strides = array<i32>} : memref<32x64xf32, #tpu.memory_space<vmem>>, vector<1x16xf32>,
        %swap3A_354 = vector.shape_cast %swap3A_353 : vector<1x16xf32> to vector<16xf32>
        %swap3A_355 = vector.shape_cast %add3A_348 : vector<16xf32> to vector<1x16xf32>
        tpu.vector_store %arg9[%swap3A, %swap3A_352], %swap3A_355 {strides = array<i32>} : memref<32x64xf32, #tpu.memory_space<vmem>>, vector<1x16xf32>,
        %swap3A_356 = arith.index_cast %scan3A_196 : i32 to index
        %swap3A_357 = arith.constant 0 : index
        %swap3A_358 = tpu.vector_load %arg10[%swap3A_356, %swap3A_357] {strides = array<i32>} : memref<32x64xf32, #tpu.memory_space<vmem>>, vector<1x16xf32>,
        %swap3A_359 = vector.shape_cast %swap3A_358 : vector<1x16xf32> to vector<16xf32>
        %swap3A_360 = vector.shape_cast %add3A_350 : vector<16xf32> to vector<1x16xf32>
        tpu.vector_store %arg10[%swap3A_356, %swap3A_357], %swap3A_360 {strides = array<i32>} : memref<32x64xf32, #tpu.memory_space<vmem>>, vector<1x16xf32>,
        %swap3A_361 = arith.index_cast %scan3A_196 : i32 to index
        %swap3A_362 = arith.constant 0 : index
        %swap3A_363 = tpu.vector_load %arg11[%swap3A_361, %swap3A_362] {strides = array<i32>} : memref<32x64xf32, #tpu.memory_space<vmem>>, vector<1x16xf32>,
        %swap3A_364 = vector.shape_cast %swap3A_363 : vector<1x16xf32> to vector<16xf32>
        %swap3A_365 = vector.shape_cast %max3A_351 : vector<16xf32> to vector<1x16xf32>
        tpu.vector_store %arg11[%swap3A_361, %swap3A_362], %swap3A_365 {strides = array<i32>} : memref<32x64xf32, #tpu.memory_space<vmem>>, vector<1x16xf32>,
        %get3A_366 = arith.index_cast %mul3A_198 : i32 to index
        %get3A_367 = arith.constant 16 : index
        %get3A_368 = tpu.vector_load %arg8[%get3A_366, %get3A_367] {strides = array<i32>} : memref<512x128xf32, #tpu.memory_space<vmem>>, vector<1x16xf32>,
        %get3A_369 = vector.shape_cast %get3A_368 : vector<1x16xf32> to vector<16xf32>
        %mul3A_370 = arith.mulf %get3A_369, %get3A_369 : vector<16xf32>
        %add3A_371 = arith.constant 1 : i32
        %add3A_372 = arith.addi %mul3A_198, %add3A_371 : i32
        %get3A_373 = arith.index_cast %add3A_372 : i32 to index
        %get3A_374 = arith.constant 16 : index
        %get3A_375 = tpu.vector_load %arg8[%get3A_373, %get3A_374] {strides = array<i32>} : memref<512x128xf32, #tpu.memory_space<vmem>>, vector<1x16xf32>,
        %get3A_376 = vector.shape_cast %get3A_375 : vector<1x16xf32> to vector<16xf32>
        %add3A_377 = arith.addf %get3A_369, %get3A_376 : vector<16xf32>
        %mul3A_378 = arith.mulf %get3A_376, %get3A_376 : vector<16xf32>
        %add3A_379 = arith.addf %mul3A_370, %mul3A_378 : vector<16xf32>
        %max3A_380 = arith.maximumf %get3A_369, %get3A_376 : vector<16xf32>
        %add3A_381 = arith.constant 2 : i32
        %add3A_382 = arith.addi %mul3A_198, %add3A_381 : i32
        %get3A_383 = arith.index_cast %add3A_382 : i32 to index
        %get3A_384 = arith.constant 16 : index
        %get3A_385 = tpu.vector_load %arg8[%get3A_383, %get3A_384] {strides = array<i32>} : memref<512x128xf32, #tpu.memory_space<vmem>>, vector<1x16xf32>,
        %get3A_386 = vector.shape_cast %get3A_385 : vector<1x16xf32> to vector<16xf32>
        %add3A_387 = arith.addf %add3A_377, %get3A_386 : vector<16xf32>
        %mul3A_388 = arith.mulf %get3A_386, %get3A_386 : vector<16xf32>
        %add3A_389 = arith.addf %add3A_379, %mul3A_388 : vector<16xf32>
        %max3A_390 = arith.maximumf %max3A_380, %get3A_386 : vector<16xf32>
        %add3A_391 = arith.constant 3 : i32
        %add3A_392 = arith.addi %mul3A_198, %add3A_391 : i32
        %get3A_393 = arith.index_cast %add3A_392 : i32 to index
        %get3A_394 = arith.constant 16 : index
        %get3A_395 = tpu.vector_load %arg8[%get3A_393, %get3A_394] {strides = array<i32>} : memref<512x128xf32, #tpu.memory_space<vmem>>, vector<1x16xf32>,
        %get3A_396 = vector.shape_cast %get3A_395 : vector<1x16xf32> to vector<16xf32>
        %add3A_397 = arith.addf %add3A_387, %get3A_396 : vector<16xf32>
        %mul3A_398 = arith.mulf %get3A_396, %get3A_396 : vector<16xf32>
        %add3A_399 = arith.addf %add3A_389, %mul3A_398 : vector<16xf32>
        %max3A_400 = arith.maximumf %max3A_390, %get3A_396 : vector<16xf32>
        %add3A_401 = arith.constant 4 : i32
        %add3A_402 = arith.addi %mul3A_198, %add3A_401 : i32
        %get3A_403 = arith.index_cast %add3A_402 : i32 to index
        %get3A_404 = arith.constant 16 : index
        %get3A_405 = tpu.vector_load %arg8[%get3A_403, %get3A_404] {strides = array<i32>} : memref<512x128xf32, #tpu.memory_space<vmem>>, vector<1x16xf32>,
        %get3A_406 = vector.shape_cast %get3A_405 : vector<1x16xf32> to vector<16xf32>
        %add3A_407 = arith.addf %add3A_397, %get3A_406 : vector<16xf32>
        %mul3A_408 = arith.mulf %get3A_406, %get3A_406 : vector<16xf32>
        %add3A_409 = arith.addf %add3A_399, %mul3A_408 : vector<16xf32>
        %max3A_410 = arith.maximumf %max3A_400, %get3A_406 : vector<16xf32>
        %add3A_411 = arith.constant 5 : i32
        %add3A_412 = arith.addi %mul3A_198, %add3A_411 : i32
        %get3A_413 = arith.index_cast %add3A_412 : i32 to index
        %get3A_414 = arith.constant 16 : index
        %get3A_415 = tpu.vector_load %arg8[%get3A_413, %get3A_414] {strides = array<i32>} : memref<512x128xf32, #tpu.memory_space<vmem>>, vector<1x16xf32>,
        %get3A_416 = vector.shape_cast %get3A_415 : vector<1x16xf32> to vector<16xf32>
        %add3A_417 = arith.addf %add3A_407, %get3A_416 : vector<16xf32>
        %mul3A_418 = arith.mulf %get3A_416, %get3A_416 : vector<16xf32>
        %add3A_419 = arith.addf %add3A_409, %mul3A_418 : vector<16xf32>
        %max3A_420 = arith.maximumf %max3A_410, %get3A_416 : vector<16xf32>
        %add3A_421 = arith.constant 6 : i32
        %add3A_422 = arith.addi %mul3A_198, %add3A_421 : i32
        %get3A_423 = arith.index_cast %add3A_422 : i32 to index
        %get3A_424 = arith.constant 16 : index
        %get3A_425 = tpu.vector_load %arg8[%get3A_423, %get3A_424] {strides = array<i32>} : memref<512x128xf32, #tpu.memory_space<vmem>>, vector<1x16xf32>,
        %get3A_426 = vector.shape_cast %get3A_425 : vector<1x16xf32> to vector<16xf32>
        %add3A_427 = arith.addf %add3A_417, %get3A_426 : vector<16xf32>
        %mul3A_428 = arith.mulf %get3A_426, %get3A_426 : vector<16xf32>
        %add3A_429 = arith.addf %add3A_419, %mul3A_428 : vector<16xf32>
        %max3A_430 = arith.maximumf %max3A_420, %get3A_426 : vector<16xf32>
        %add3A_431 = arith.constant 7 : i32
        %add3A_432 = arith.addi %mul3A_198, %add3A_431 : i32
        %get3A_433 = arith.index_cast %add3A_432 : i32 to index
        %get3A_434 = arith.constant 16 : index
        %get3A_435 = tpu.vector_load %arg8[%get3A_433, %get3A_434] {strides = array<i32>} : memref<512x128xf32, #tpu.memory_space<vmem>>, vector<1x16xf32>,
        %get3A_436 = vector.shape_cast %get3A_435 : vector<1x16xf32> to vector<16xf32>
        %add3A_437 = arith.addf %add3A_427, %get3A_436 : vector<16xf32>
        %mul3A_438 = arith.mulf %get3A_436, %get3A_436 : vector<16xf32>
        %add3A_439 = arith.addf %add3A_429, %mul3A_438 : vector<16xf32>
        %max3A_440 = arith.maximumf %max3A_430, %get3A_436 : vector<16xf32>
        %add3A_441 = arith.constant 8 : i32
        %add3A_442 = arith.addi %mul3A_198, %add3A_441 : i32
        %get3A_443 = arith.index_cast %add3A_442 : i32 to index
        %get3A_444 = arith.constant 16 : index
        %get3A_445 = tpu.vector_load %arg8[%get3A_443, %get3A_444] {strides = array<i32>} : memref<512x128xf32, #tpu.memory_space<vmem>>, vector<1x16xf32>,
        %get3A_446 = vector.shape_cast %get3A_445 : vector<1x16xf32> to vector<16xf32>
        %add3A_447 = arith.addf %add3A_437, %get3A_446 : vector<16xf32>
        %mul3A_448 = arith.mulf %get3A_446, %get3A_446 : vector<16xf32>
        %add3A_449 = arith.addf %add3A_439, %mul3A_448 : vector<16xf32>
        %max3A_450 = arith.maximumf %max3A_440, %get3A_446 : vector<16xf32>
        %add3A_451 = arith.constant 9 : i32
        %add3A_452 = arith.addi %mul3A_198, %add3A_451 : i32
        %get3A_453 = arith.index_cast %add3A_452 : i32 to index
        %get3A_454 = arith.constant 16 : index
        %get3A_455 = tpu.vector_load %arg8[%get3A_453, %get3A_454] {strides = array<i32>} : memref<512x128xf32, #tpu.memory_space<vmem>>, vector<1x16xf32>,
        %get3A_456 = vector.shape_cast %get3A_455 : vector<1x16xf32> to vector<16xf32>
        %add3A_457 = arith.addf %add3A_447, %get3A_456 : vector<16xf32>
        %mul3A_458 = arith.mulf %get3A_456, %get3A_456 : vector<16xf32>
        %add3A_459 = arith.addf %add3A_449, %mul3A_458 : vector<16xf32>
        %max3A_460 = arith.maximumf %max3A_450, %get3A_456 : vector<16xf32>
        %add3A_461 = arith.constant 10 : i32
        %add3A_462 = arith.addi %mul3A_198, %add3A_461 : i32
        %get3A_463 = arith.index_cast %add3A_462 : i32 to index
        %get3A_464 = arith.constant 16 : index
        %get3A_465 = tpu.vector_load %arg8[%get3A_463, %get3A_464] {strides = array<i32>} : memref<512x128xf32, #tpu.memory_space<vmem>>, vector<1x16xf32>,
        %get3A_466 = vector.shape_cast %get3A_465 : vector<1x16xf32> to vector<16xf32>
        %add3A_467 = arith.addf %add3A_457, %get3A_466 : vector<16xf32>
        %mul3A_468 = arith.mulf %get3A_466, %get3A_466 : vector<16xf32>
        %add3A_469 = arith.addf %add3A_459, %mul3A_468 : vector<16xf32>
        %max3A_470 = arith.maximumf %max3A_460, %get3A_466 : vector<16xf32>
        %add3A_471 = arith.constant 11 : i32
        %add3A_472 = arith.addi %mul3A_198, %add3A_471 : i32
        %get3A_473 = arith.index_cast %add3A_472 : i32 to index
        %get3A_474 = arith.constant 16 : index
        %get3A_475 = tpu.vector_load %arg8[%get3A_473, %get3A_474] {strides = array<i32>} : memref<512x128xf32, #tpu.memory_space<vmem>>, vector<1x16xf32>,
        %get3A_476 = vector.shape_cast %get3A_475 : vector<1x16xf32> to vector<16xf32>
        %add3A_477 = arith.addf %add3A_467, %get3A_476 : vector<16xf32>
        %mul3A_478 = arith.mulf %get3A_476, %get3A_476 : vector<16xf32>
        %add3A_479 = arith.addf %add3A_469, %mul3A_478 : vector<16xf32>
        %max3A_480 = arith.maximumf %max3A_470, %get3A_476 : vector<16xf32>
        %add3A_481 = arith.constant 12 : i32
        %add3A_482 = arith.addi %mul3A_198, %add3A_481 : i32
        %get3A_483 = arith.index_cast %add3A_482 : i32 to index
        %get3A_484 = arith.constant 16 : index
        %get3A_485 = tpu.vector_load %arg8[%get3A_483, %get3A_484] {strides = array<i32>} : memref<512x128xf32, #tpu.memory_space<vmem>>, vector<1x16xf32>,
        %get3A_486 = vector.shape_cast %get3A_485 : vector<1x16xf32> to vector<16xf32>
        %add3A_487 = arith.addf %add3A_477, %get3A_486 : vector<16xf32>
        %mul3A_488 = arith.mulf %get3A_486, %get3A_486 : vector<16xf32>
        %add3A_489 = arith.addf %add3A_479, %mul3A_488 : vector<16xf32>
        %max3A_490 = arith.maximumf %max3A_480, %get3A_486 : vector<16xf32>
        %add3A_491 = arith.constant 13 : i32
        %add3A_492 = arith.addi %mul3A_198, %add3A_491 : i32
        %get3A_493 = arith.index_cast %add3A_492 : i32 to index
        %get3A_494 = arith.constant 16 : index
        %get3A_495 = tpu.vector_load %arg8[%get3A_493, %get3A_494] {strides = array<i32>} : memref<512x128xf32, #tpu.memory_space<vmem>>, vector<1x16xf32>,
        %get3A_496 = vector.shape_cast %get3A_495 : vector<1x16xf32> to vector<16xf32>
        %add3A_497 = arith.addf %add3A_487, %get3A_496 : vector<16xf32>
        %mul3A_498 = arith.mulf %get3A_496, %get3A_496 : vector<16xf32>
        %add3A_499 = arith.addf %add3A_489, %mul3A_498 : vector<16xf32>
        %max3A_500 = arith.maximumf %max3A_490, %get3A_496 : vector<16xf32>
        %add3A_501 = arith.constant 14 : i32
        %add3A_502 = arith.addi %mul3A_198, %add3A_501 : i32
        %get3A_503 = arith.index_cast %add3A_502 : i32 to index
        %get3A_504 = arith.constant 16 : index
        %get3A_505 = tpu.vector_load %arg8[%get3A_503, %get3A_504] {strides = array<i32>} : memref<512x128xf32, #tpu.memory_space<vmem>>, vector<1x16xf32>,
        %get3A_506 = vector.shape_cast %get3A_505 : vector<1x16xf32> to vector<16xf32>
        %add3A_507 = arith.addf %add3A_497, %get3A_506 : vector<16xf32>
        %mul3A_508 = arith.mulf %get3A_506, %get3A_506 : vector<16xf32>
        %add3A_509 = arith.addf %add3A_499, %mul3A_508 : vector<16xf32>
        %max3A_510 = arith.maximumf %max3A_500, %get3A_506 : vector<16xf32>
        %add3A_511 = arith.constant 15 : i32
        %add3A_512 = arith.addi %mul3A_198, %add3A_511 : i32
        %get3A_513 = arith.index_cast %add3A_512 : i32 to index
        %get3A_514 = arith.constant 16 : index
        %get3A_515 = tpu.vector_load %arg8[%get3A_513, %get3A_514] {strides = array<i32>} : memref<512x128xf32, #tpu.memory_space<vmem>>, vector<1x16xf32>,
        %get3A_516 = vector.shape_cast %get3A_515 : vector<1x16xf32> to vector<16xf32>
        %add3A_517 = arith.addf %add3A_507, %get3A_516 : vector<16xf32>
        %mul3A_518 = arith.mulf %get3A_516, %get3A_516 : vector<16xf32>
        %add3A_519 = arith.addf %add3A_509, %mul3A_518 : vector<16xf32>
        %max3A_520 = arith.maximumf %max3A_510, %get3A_516 : vector<16xf32>
        %swap3A_521 = arith.index_cast %scan3A_196 : i32 to index
        %swap3A_522 = arith.constant 16 : index
        %swap3A_523 = tpu.vector_load %arg9[%swap3A_521, %swap3A_522] {strides = array<i32>} : memref<32x64xf32, #tpu.memory_space<vmem>>, vector<1x16xf32>,
        %swap3A_524 = vector.shape_cast %swap3A_523 : vector<1x16xf32> to vector<16xf32>
        %swap3A_525 = vector.shape_cast %add3A_517 : vector<16xf32> to vector<1x16xf32>
        tpu.vector_store %arg9[%swap3A_521, %swap3A_522], %swap3A_525 {strides = array<i32>} : memref<32x64xf32, #tpu.memory_space<vmem>>, vector<1x16xf32>,
        %swap3A_526 = arith.index_cast %scan3A_196 : i32 to index
        %swap3A_527 = arith.constant 16 : index
        %swap3A_528 = tpu.vector_load %arg10[%swap3A_526, %swap3A_527] {strides = array<i32>} : memref<32x64xf32, #tpu.memory_space<vmem>>, vector<1x16xf32>,
        %swap3A_529 = vector.shape_cast %swap3A_528 : vector<1x16xf32> to vector<16xf32>
        %swap3A_530 = vector.shape_cast %add3A_519 : vector<16xf32> to vector<1x16xf32>
        tpu.vector_store %arg10[%swap3A_526, %swap3A_527], %swap3A_530 {strides = array<i32>} : memref<32x64xf32, #tpu.memory_space<vmem>>, vector<1x16xf32>,
        %swap3A_531 = arith.index_cast %scan3A_196 : i32 to index
        %swap3A_532 = arith.constant 16 : index
        %swap3A_533 = tpu.vector_load %arg11[%swap3A_531, %swap3A_532] {strides = array<i32>} : memref<32x64xf32, #tpu.memory_space<vmem>>, vector<1x16xf32>,
        %swap3A_534 = vector.shape_cast %swap3A_533 : vector<1x16xf32> to vector<16xf32>
        %swap3A_535 = vector.shape_cast %max3A_520 : vector<16xf32> to vector<1x16xf32>
        tpu.vector_store %arg11[%swap3A_531, %swap3A_532], %swap3A_535 {strides = array<i32>} : memref<32x64xf32, #tpu.memory_space<vmem>>, vector<1x16xf32>,
        %get3A_536 = arith.index_cast %mul3A_198 : i32 to index
        %get3A_537 = arith.constant 32 : index
        %get3A_538 = tpu.vector_load %arg8[%get3A_536, %get3A_537] {strides = array<i32>} : memref<512x128xf32, #tpu.memory_space<vmem>>, vector<1x16xf32>,
        %get3A_539 = vector.shape_cast %get3A_538 : vector<1x16xf32> to vector<16xf32>
        %mul3A_540 = arith.mulf %get3A_539, %get3A_539 : vector<16xf32>
        %add3A_541 = arith.constant 1 : i32
        %add3A_542 = arith.addi %mul3A_198, %add3A_541 : i32
        %get3A_543 = arith.index_cast %add3A_542 : i32 to index
        %get3A_544 = arith.constant 32 : index
        %get3A_545 = tpu.vector_load %arg8[%get3A_543, %get3A_544] {strides = array<i32>} : memref<512x128xf32, #tpu.memory_space<vmem>>, vector<1x16xf32>,
        %get3A_546 = vector.shape_cast %get3A_545 : vector<1x16xf32> to vector<16xf32>
        %add3A_547 = arith.addf %get3A_539, %get3A_546 : vector<16xf32>
        %mul3A_548 = arith.mulf %get3A_546, %get3A_546 : vector<16xf32>
        %add3A_549 = arith.addf %mul3A_540, %mul3A_548 : vector<16xf32>
        %max3A_550 = arith.maximumf %get3A_539, %get3A_546 : vector<16xf32>
        %add3A_551 = arith.constant 2 : i32
        %add3A_552 = arith.addi %mul3A_198, %add3A_551 : i32
        %get3A_553 = arith.index_cast %add3A_552 : i32 to index
        %get3A_554 = arith.constant 32 : index
        %get3A_555 = tpu.vector_load %arg8[%get3A_553, %get3A_554] {strides = array<i32>} : memref<512x128xf32, #tpu.memory_space<vmem>>, vector<1x16xf32>,
        %get3A_556 = vector.shape_cast %get3A_555 : vector<1x16xf32> to vector<16xf32>
        %add3A_557 = arith.addf %add3A_547, %get3A_556 : vector<16xf32>
        %mul3A_558 = arith.mulf %get3A_556, %get3A_556 : vector<16xf32>
        %add3A_559 = arith.addf %add3A_549, %mul3A_558 : vector<16xf32>
        %max3A_560 = arith.maximumf %max3A_550, %get3A_556 : vector<16xf32>
        %add3A_561 = arith.constant 3 : i32
        %add3A_562 = arith.addi %mul3A_198, %add3A_561 : i32
        %get3A_563 = arith.index_cast %add3A_562 : i32 to index
        %get3A_564 = arith.constant 32 : index
        %get3A_565 = tpu.vector_load %arg8[%get3A_563, %get3A_564] {strides = array<i32>} : memref<512x128xf32, #tpu.memory_space<vmem>>, vector<1x16xf32>,
        %get3A_566 = vector.shape_cast %get3A_565 : vector<1x16xf32> to vector<16xf32>
        %add3A_567 = arith.addf %add3A_557, %get3A_566 : vector<16xf32>
        %mul3A_568 = arith.mulf %get3A_566, %get3A_566 : vector<16xf32>
        %add3A_569 = arith.addf %add3A_559, %mul3A_568 : vector<16xf32>
        %max3A_570 = arith.maximumf %max3A_560, %get3A_566 : vector<16xf32>
        %add3A_571 = arith.constant 4 : i32
        %add3A_572 = arith.addi %mul3A_198, %add3A_571 : i32
        %get3A_573 = arith.index_cast %add3A_572 : i32 to index
        %get3A_574 = arith.constant 32 : index
        %get3A_575 = tpu.vector_load %arg8[%get3A_573, %get3A_574] {strides = array<i32>} : memref<512x128xf32, #tpu.memory_space<vmem>>, vector<1x16xf32>,
        %get3A_576 = vector.shape_cast %get3A_575 : vector<1x16xf32> to vector<16xf32>
        %add3A_577 = arith.addf %add3A_567, %get3A_576 : vector<16xf32>
        %mul3A_578 = arith.mulf %get3A_576, %get3A_576 : vector<16xf32>
        %add3A_579 = arith.addf %add3A_569, %mul3A_578 : vector<16xf32>
        %max3A_580 = arith.maximumf %max3A_570, %get3A_576 : vector<16xf32>
        %add3A_581 = arith.constant 5 : i32
        %add3A_582 = arith.addi %mul3A_198, %add3A_581 : i32
        %get3A_583 = arith.index_cast %add3A_582 : i32 to index
        %get3A_584 = arith.constant 32 : index
        %get3A_585 = tpu.vector_load %arg8[%get3A_583, %get3A_584] {strides = array<i32>} : memref<512x128xf32, #tpu.memory_space<vmem>>, vector<1x16xf32>,
        %get3A_586 = vector.shape_cast %get3A_585 : vector<1x16xf32> to vector<16xf32>
        %add3A_587 = arith.addf %add3A_577, %get3A_586 : vector<16xf32>
        %mul3A_588 = arith.mulf %get3A_586, %get3A_586 : vector<16xf32>
        %add3A_589 = arith.addf %add3A_579, %mul3A_588 : vector<16xf32>
        %max3A_590 = arith.maximumf %max3A_580, %get3A_586 : vector<16xf32>
        %add3A_591 = arith.constant 6 : i32
        %add3A_592 = arith.addi %mul3A_198, %add3A_591 : i32
        %get3A_593 = arith.index_cast %add3A_592 : i32 to index
        %get3A_594 = arith.constant 32 : index
        %get3A_595 = tpu.vector_load %arg8[%get3A_593, %get3A_594] {strides = array<i32>} : memref<512x128xf32, #tpu.memory_space<vmem>>, vector<1x16xf32>,
        %get3A_596 = vector.shape_cast %get3A_595 : vector<1x16xf32> to vector<16xf32>
        %add3A_597 = arith.addf %add3A_587, %get3A_596 : vector<16xf32>
        %mul3A_598 = arith.mulf %get3A_596, %get3A_596 : vector<16xf32>
        %add3A_599 = arith.addf %add3A_589, %mul3A_598 : vector<16xf32>
        %max3A_600 = arith.maximumf %max3A_590, %get3A_596 : vector<16xf32>
        %add3A_601 = arith.constant 7 : i32
        %add3A_602 = arith.addi %mul3A_198, %add3A_601 : i32
        %get3A_603 = arith.index_cast %add3A_602 : i32 to index
        %get3A_604 = arith.constant 32 : index
        %get3A_605 = tpu.vector_load %arg8[%get3A_603, %get3A_604] {strides = array<i32>} : memref<512x128xf32, #tpu.memory_space<vmem>>, vector<1x16xf32>,
        %get3A_606 = vector.shape_cast %get3A_605 : vector<1x16xf32> to vector<16xf32>
        %add3A_607 = arith.addf %add3A_597, %get3A_606 : vector<16xf32>
        %mul3A_608 = arith.mulf %get3A_606, %get3A_606 : vector<16xf32>
        %add3A_609 = arith.addf %add3A_599, %mul3A_608 : vector<16xf32>
        %max3A_610 = arith.maximumf %max3A_600, %get3A_606 : vector<16xf32>
        %add3A_611 = arith.constant 8 : i32
        %add3A_612 = arith.addi %mul3A_198, %add3A_611 : i32
        %get3A_613 = arith.index_cast %add3A_612 : i32 to index
        %get3A_614 = arith.constant 32 : index
        %get3A_615 = tpu.vector_load %arg8[%get3A_613, %get3A_614] {strides = array<i32>} : memref<512x128xf32, #tpu.memory_space<vmem>>, vector<1x16xf32>,
        %get3A_616 = vector.shape_cast %get3A_615 : vector<1x16xf32> to vector<16xf32>
        %add3A_617 = arith.addf %add3A_607, %get3A_616 : vector<16xf32>
        %mul3A_618 = arith.mulf %get3A_616, %get3A_616 : vector<16xf32>
        %add3A_619 = arith.addf %add3A_609, %mul3A_618 : vector<16xf32>
        %max3A_620 = arith.maximumf %max3A_610, %get3A_616 : vector<16xf32>
        %add3A_621 = arith.constant 9 : i32
        %add3A_622 = arith.addi %mul3A_198, %add3A_621 : i32
        %get3A_623 = arith.index_cast %add3A_622 : i32 to index
        %get3A_624 = arith.constant 32 : index
        %get3A_625 = tpu.vector_load %arg8[%get3A_623, %get3A_624] {strides = array<i32>} : memref<512x128xf32, #tpu.memory_space<vmem>>, vector<1x16xf32>,
        %get3A_626 = vector.shape_cast %get3A_625 : vector<1x16xf32> to vector<16xf32>
        %add3A_627 = arith.addf %add3A_617, %get3A_626 : vector<16xf32>
        %mul3A_628 = arith.mulf %get3A_626, %get3A_626 : vector<16xf32>
        %add3A_629 = arith.addf %add3A_619, %mul3A_628 : vector<16xf32>
        %max3A_630 = arith.maximumf %max3A_620, %get3A_626 : vector<16xf32>
        %add3A_631 = arith.constant 10 : i32
        %add3A_632 = arith.addi %mul3A_198, %add3A_631 : i32
        %get3A_633 = arith.index_cast %add3A_632 : i32 to index
        %get3A_634 = arith.constant 32 : index
        %get3A_635 = tpu.vector_load %arg8[%get3A_633, %get3A_634] {strides = array<i32>} : memref<512x128xf32, #tpu.memory_space<vmem>>, vector<1x16xf32>,
        %get3A_636 = vector.shape_cast %get3A_635 : vector<1x16xf32> to vector<16xf32>
        %add3A_637 = arith.addf %add3A_627, %get3A_636 : vector<16xf32>
        %mul3A_638 = arith.mulf %get3A_636, %get3A_636 : vector<16xf32>
        %add3A_639 = arith.addf %add3A_629, %mul3A_638 : vector<16xf32>
        %max3A_640 = arith.maximumf %max3A_630, %get3A_636 : vector<16xf32>
        %add3A_641 = arith.constant 11 : i32
        %add3A_642 = arith.addi %mul3A_198, %add3A_641 : i32
        %get3A_643 = arith.index_cast %add3A_642 : i32 to index
        %get3A_644 = arith.constant 32 : index
        %get3A_645 = tpu.vector_load %arg8[%get3A_643, %get3A_644] {strides = array<i32>} : memref<512x128xf32, #tpu.memory_space<vmem>>, vector<1x16xf32>,
        %get3A_646 = vector.shape_cast %get3A_645 : vector<1x16xf32> to vector<16xf32>
        %add3A_647 = arith.addf %add3A_637, %get3A_646 : vector<16xf32>
        %mul3A_648 = arith.mulf %get3A_646, %get3A_646 : vector<16xf32>
        %add3A_649 = arith.addf %add3A_639, %mul3A_648 : vector<16xf32>
        %max3A_650 = arith.maximumf %max3A_640, %get3A_646 : vector<16xf32>
        %add3A_651 = arith.constant 12 : i32
        %add3A_652 = arith.addi %mul3A_198, %add3A_651 : i32
        %get3A_653 = arith.index_cast %add3A_652 : i32 to index
        %get3A_654 = arith.constant 32 : index
        %get3A_655 = tpu.vector_load %arg8[%get3A_653, %get3A_654] {strides = array<i32>} : memref<512x128xf32, #tpu.memory_space<vmem>>, vector<1x16xf32>,
        %get3A_656 = vector.shape_cast %get3A_655 : vector<1x16xf32> to vector<16xf32>
        %add3A_657 = arith.addf %add3A_647, %get3A_656 : vector<16xf32>
        %mul3A_658 = arith.mulf %get3A_656, %get3A_656 : vector<16xf32>
        %add3A_659 = arith.addf %add3A_649, %mul3A_658 : vector<16xf32>
        %max3A_660 = arith.maximumf %max3A_650, %get3A_656 : vector<16xf32>
        %add3A_661 = arith.constant 13 : i32
        %add3A_662 = arith.addi %mul3A_198, %add3A_661 : i32
        %get3A_663 = arith.index_cast %add3A_662 : i32 to index
        %get3A_664 = arith.constant 32 : index
        %get3A_665 = tpu.vector_load %arg8[%get3A_663, %get3A_664] {strides = array<i32>} : memref<512x128xf32, #tpu.memory_space<vmem>>, vector<1x16xf32>,
        %get3A_666 = vector.shape_cast %get3A_665 : vector<1x16xf32> to vector<16xf32>
        %add3A_667 = arith.addf %add3A_657, %get3A_666 : vector<16xf32>
        %mul3A_668 = arith.mulf %get3A_666, %get3A_666 : vector<16xf32>
        %add3A_669 = arith.addf %add3A_659, %mul3A_668 : vector<16xf32>
        %max3A_670 = arith.maximumf %max3A_660, %get3A_666 : vector<16xf32>
        %add3A_671 = arith.constant 14 : i32
        %add3A_672 = arith.addi %mul3A_198, %add3A_671 : i32
        %get3A_673 = arith.index_cast %add3A_672 : i32 to index
        %get3A_674 = arith.constant 32 : index
        %get3A_675 = tpu.vector_load %arg8[%get3A_673, %get3A_674] {strides = array<i32>} : memref<512x128xf32, #tpu.memory_space<vmem>>, vector<1x16xf32>,
        %get3A_676 = vector.shape_cast %get3A_675 : vector<1x16xf32> to vector<16xf32>
        %add3A_677 = arith.addf %add3A_667, %get3A_676 : vector<16xf32>
        %mul3A_678 = arith.mulf %get3A_676, %get3A_676 : vector<16xf32>
        %add3A_679 = arith.addf %add3A_669, %mul3A_678 : vector<16xf32>
        %max3A_680 = arith.maximumf %max3A_670, %get3A_676 : vector<16xf32>
        %add3A_681 = arith.constant 15 : i32
        %add3A_682 = arith.addi %mul3A_198, %add3A_681 : i32
        %get3A_683 = arith.index_cast %add3A_682 : i32 to index
        %get3A_684 = arith.constant 32 : index
        %get3A_685 = tpu.vector_load %arg8[%get3A_683, %get3A_684] {strides = array<i32>} : memref<512x128xf32, #tpu.memory_space<vmem>>, vector<1x16xf32>,
        %get3A_686 = vector.shape_cast %get3A_685 : vector<1x16xf32> to vector<16xf32>
        %add3A_687 = arith.addf %add3A_677, %get3A_686 : vector<16xf32>
        %mul3A_688 = arith.mulf %get3A_686, %get3A_686 : vector<16xf32>
        %add3A_689 = arith.addf %add3A_679, %mul3A_688 : vector<16xf32>
        %max3A_690 = arith.maximumf %max3A_680, %get3A_686 : vector<16xf32>
        %swap3A_691 = arith.index_cast %scan3A_196 : i32 to index
        %swap3A_692 = arith.constant 32 : index
        %swap3A_693 = tpu.vector_load %arg9[%swap3A_691, %swap3A_692] {strides = array<i32>} : memref<32x64xf32, #tpu.memory_space<vmem>>, vector<1x16xf32>,
        %swap3A_694 = vector.shape_cast %swap3A_693 : vector<1x16xf32> to vector<16xf32>
        %swap3A_695 = vector.shape_cast %add3A_687 : vector<16xf32> to vector<1x16xf32>
        tpu.vector_store %arg9[%swap3A_691, %swap3A_692], %swap3A_695 {strides = array<i32>} : memref<32x64xf32, #tpu.memory_space<vmem>>, vector<1x16xf32>,
        %swap3A_696 = arith.index_cast %scan3A_196 : i32 to index
        %swap3A_697 = arith.constant 32 : index
        %swap3A_698 = tpu.vector_load %arg10[%swap3A_696, %swap3A_697] {strides = array<i32>} : memref<32x64xf32, #tpu.memory_space<vmem>>, vector<1x16xf32>,
        %swap3A_699 = vector.shape_cast %swap3A_698 : vector<1x16xf32> to vector<16xf32>
        %swap3A_700 = vector.shape_cast %add3A_689 : vector<16xf32> to vector<1x16xf32>
        tpu.vector_store %arg10[%swap3A_696, %swap3A_697], %swap3A_700 {strides = array<i32>} : memref<32x64xf32, #tpu.memory_space<vmem>>, vector<1x16xf32>,
        %swap3A_701 = arith.index_cast %scan3A_196 : i32 to index
        %swap3A_702 = arith.constant 32 : index
        %swap3A_703 = tpu.vector_load %arg11[%swap3A_701, %swap3A_702] {strides = array<i32>} : memref<32x64xf32, #tpu.memory_space<vmem>>, vector<1x16xf32>,
        %swap3A_704 = vector.shape_cast %swap3A_703 : vector<1x16xf32> to vector<16xf32>
        %swap3A_705 = vector.shape_cast %max3A_690 : vector<16xf32> to vector<1x16xf32>
        tpu.vector_store %arg11[%swap3A_701, %swap3A_702], %swap3A_705 {strides = array<i32>} : memref<32x64xf32, #tpu.memory_space<vmem>>, vector<1x16xf32>,
        %get3A_706 = arith.index_cast %mul3A_198 : i32 to index
        %get3A_707 = arith.constant 48 : index
        %get3A_708 = tpu.vector_load %arg8[%get3A_706, %get3A_707] {strides = array<i32>} : memref<512x128xf32, #tpu.memory_space<vmem>>, vector<1x16xf32>,
        %get3A_709 = vector.shape_cast %get3A_708 : vector<1x16xf32> to vector<16xf32>
        %mul3A_710 = arith.mulf %get3A_709, %get3A_709 : vector<16xf32>
        %add3A_711 = arith.constant 1 : i32
        %add3A_712 = arith.addi %mul3A_198, %add3A_711 : i32
        %get3A_713 = arith.index_cast %add3A_712 : i32 to index
        %get3A_714 = arith.constant 48 : index
        %get3A_715 = tpu.vector_load %arg8[%get3A_713, %get3A_714] {strides = array<i32>} : memref<512x128xf32, #tpu.memory_space<vmem>>, vector<1x16xf32>,
        %get3A_716 = vector.shape_cast %get3A_715 : vector<1x16xf32> to vector<16xf32>
        %add3A_717 = arith.addf %get3A_709, %get3A_716 : vector<16xf32>
        %mul3A_718 = arith.mulf %get3A_716, %get3A_716 : vector<16xf32>
        %add3A_719 = arith.addf %mul3A_710, %mul3A_718 : vector<16xf32>
        %max3A_720 = arith.maximumf %get3A_709, %get3A_716 : vector<16xf32>
        %add3A_721 = arith.constant 2 : i32
        %add3A_722 = arith.addi %mul3A_198, %add3A_721 : i32
        %get3A_723 = arith.index_cast %add3A_722 : i32 to index
        %get3A_724 = arith.constant 48 : index
        %get3A_725 = tpu.vector_load %arg8[%get3A_723, %get3A_724] {strides = array<i32>} : memref<512x128xf32, #tpu.memory_space<vmem>>, vector<1x16xf32>,
        %get3A_726 = vector.shape_cast %get3A_725 : vector<1x16xf32> to vector<16xf32>
        %add3A_727 = arith.addf %add3A_717, %get3A_726 : vector<16xf32>
        %mul3A_728 = arith.mulf %get3A_726, %get3A_726 : vector<16xf32>
        %add3A_729 = arith.addf %add3A_719, %mul3A_728 : vector<16xf32>
        %max3A_730 = arith.maximumf %max3A_720, %get3A_726 : vector<16xf32>
        %add3A_731 = arith.constant 3 : i32
        %add3A_732 = arith.addi %mul3A_198, %add3A_731 : i32
        %get3A_733 = arith.index_cast %add3A_732 : i32 to index
        %get3A_734 = arith.constant 48 : index
        %get3A_735 = tpu.vector_load %arg8[%get3A_733, %get3A_734] {strides = array<i32>} : memref<512x128xf32, #tpu.memory_space<vmem>>, vector<1x16xf32>,
        %get3A_736 = vector.shape_cast %get3A_735 : vector<1x16xf32> to vector<16xf32>
        %add3A_737 = arith.addf %add3A_727, %get3A_736 : vector<16xf32>
        %mul3A_738 = arith.mulf %get3A_736, %get3A_736 : vector<16xf32>
        %add3A_739 = arith.addf %add3A_729, %mul3A_738 : vector<16xf32>
        %max3A_740 = arith.maximumf %max3A_730, %get3A_736 : vector<16xf32>
        %add3A_741 = arith.constant 4 : i32
        %add3A_742 = arith.addi %mul3A_198, %add3A_741 : i32
        %get3A_743 = arith.index_cast %add3A_742 : i32 to index
        %get3A_744 = arith.constant 48 : index
        %get3A_745 = tpu.vector_load %arg8[%get3A_743, %get3A_744] {strides = array<i32>} : memref<512x128xf32, #tpu.memory_space<vmem>>, vector<1x16xf32>,
        %get3A_746 = vector.shape_cast %get3A_745 : vector<1x16xf32> to vector<16xf32>
        %add3A_747 = arith.addf %add3A_737, %get3A_746 : vector<16xf32>
        %mul3A_748 = arith.mulf %get3A_746, %get3A_746 : vector<16xf32>
        %add3A_749 = arith.addf %add3A_739, %mul3A_748 : vector<16xf32>
        %max3A_750 = arith.maximumf %max3A_740, %get3A_746 : vector<16xf32>
        %add3A_751 = arith.constant 5 : i32
        %add3A_752 = arith.addi %mul3A_198, %add3A_751 : i32
        %get3A_753 = arith.index_cast %add3A_752 : i32 to index
        %get3A_754 = arith.constant 48 : index
        %get3A_755 = tpu.vector_load %arg8[%get3A_753, %get3A_754] {strides = array<i32>} : memref<512x128xf32, #tpu.memory_space<vmem>>, vector<1x16xf32>,
        %get3A_756 = vector.shape_cast %get3A_755 : vector<1x16xf32> to vector<16xf32>
        %add3A_757 = arith.addf %add3A_747, %get3A_756 : vector<16xf32>
        %mul3A_758 = arith.mulf %get3A_756, %get3A_756 : vector<16xf32>
        %add3A_759 = arith.addf %add3A_749, %mul3A_758 : vector<16xf32>
        %max3A_760 = arith.maximumf %max3A_750, %get3A_756 : vector<16xf32>
        %add3A_761 = arith.constant 6 : i32
        %add3A_762 = arith.addi %mul3A_198, %add3A_761 : i32
        %get3A_763 = arith.index_cast %add3A_762 : i32 to index
        %get3A_764 = arith.constant 48 : index
        %get3A_765 = tpu.vector_load %arg8[%get3A_763, %get3A_764] {strides = array<i32>} : memref<512x128xf32, #tpu.memory_space<vmem>>, vector<1x16xf32>,
        %get3A_766 = vector.shape_cast %get3A_765 : vector<1x16xf32> to vector<16xf32>
        %add3A_767 = arith.addf %add3A_757, %get3A_766 : vector<16xf32>
        %mul3A_768 = arith.mulf %get3A_766, %get3A_766 : vector<16xf32>
        %add3A_769 = arith.addf %add3A_759, %mul3A_768 : vector<16xf32>
        %max3A_770 = arith.maximumf %max3A_760, %get3A_766 : vector<16xf32>
        %add3A_771 = arith.constant 7 : i32
        %add3A_772 = arith.addi %mul3A_198, %add3A_771 : i32
        %get3A_773 = arith.index_cast %add3A_772 : i32 to index
        %get3A_774 = arith.constant 48 : index
        %get3A_775 = tpu.vector_load %arg8[%get3A_773, %get3A_774] {strides = array<i32>} : memref<512x128xf32, #tpu.memory_space<vmem>>, vector<1x16xf32>,
        %get3A_776 = vector.shape_cast %get3A_775 : vector<1x16xf32> to vector<16xf32>
        %add3A_777 = arith.addf %add3A_767, %get3A_776 : vector<16xf32>
        %mul3A_778 = arith.mulf %get3A_776, %get3A_776 : vector<16xf32>
        %add3A_779 = arith.addf %add3A_769, %mul3A_778 : vector<16xf32>
        %max3A_780 = arith.maximumf %max3A_770, %get3A_776 : vector<16xf32>
        %add3A_781 = arith.constant 8 : i32
        %add3A_782 = arith.addi %mul3A_198, %add3A_781 : i32
        %get3A_783 = arith.index_cast %add3A_782 : i32 to index
        %get3A_784 = arith.constant 48 : index
        %get3A_785 = tpu.vector_load %arg8[%get3A_783, %get3A_784] {strides = array<i32>} : memref<512x128xf32, #tpu.memory_space<vmem>>, vector<1x16xf32>,
        %get3A_786 = vector.shape_cast %get3A_785 : vector<1x16xf32> to vector<16xf32>
        %add3A_787 = arith.addf %add3A_777, %get3A_786 : vector<16xf32>
        %mul3A_788 = arith.mulf %get3A_786, %get3A_786 : vector<16xf32>
        %add3A_789 = arith.addf %add3A_779, %mul3A_788 : vector<16xf32>
        %max3A_790 = arith.maximumf %max3A_780, %get3A_786 : vector<16xf32>
        %add3A_791 = arith.constant 9 : i32
        %add3A_792 = arith.addi %mul3A_198, %add3A_791 : i32
        %get3A_793 = arith.index_cast %add3A_792 : i32 to index
        %get3A_794 = arith.constant 48 : index
        %get3A_795 = tpu.vector_load %arg8[%get3A_793, %get3A_794] {strides = array<i32>} : memref<512x128xf32, #tpu.memory_space<vmem>>, vector<1x16xf32>,
        %get3A_796 = vector.shape_cast %get3A_795 : vector<1x16xf32> to vector<16xf32>
        %add3A_797 = arith.addf %add3A_787, %get3A_796 : vector<16xf32>
        %mul3A_798 = arith.mulf %get3A_796, %get3A_796 : vector<16xf32>
        %add3A_799 = arith.addf %add3A_789, %mul3A_798 : vector<16xf32>
        %max3A_800 = arith.maximumf %max3A_790, %get3A_796 : vector<16xf32>
        %add3A_801 = arith.constant 10 : i32
        %add3A_802 = arith.addi %mul3A_198, %add3A_801 : i32
        %get3A_803 = arith.index_cast %add3A_802 : i32 to index
        %get3A_804 = arith.constant 48 : index
        %get3A_805 = tpu.vector_load %arg8[%get3A_803, %get3A_804] {strides = array<i32>} : memref<512x128xf32, #tpu.memory_space<vmem>>, vector<1x16xf32>,
        %get3A_806 = vector.shape_cast %get3A_805 : vector<1x16xf32> to vector<16xf32>
        %add3A_807 = arith.addf %add3A_797, %get3A_806 : vector<16xf32>
        %mul3A_808 = arith.mulf %get3A_806, %get3A_806 : vector<16xf32>
        %add3A_809 = arith.addf %add3A_799, %mul3A_808 : vector<16xf32>
        %max3A_810 = arith.maximumf %max3A_800, %get3A_806 : vector<16xf32>
        %add3A_811 = arith.constant 11 : i32
        %add3A_812 = arith.addi %mul3A_198, %add3A_811 : i32
        %get3A_813 = arith.index_cast %add3A_812 : i32 to index
        %get3A_814 = arith.constant 48 : index
        %get3A_815 = tpu.vector_load %arg8[%get3A_813, %get3A_814] {strides = array<i32>} : memref<512x128xf32, #tpu.memory_space<vmem>>, vector<1x16xf32>,
        %get3A_816 = vector.shape_cast %get3A_815 : vector<1x16xf32> to vector<16xf32>
        %add3A_817 = arith.addf %add3A_807, %get3A_816 : vector<16xf32>
        %mul3A_818 = arith.mulf %get3A_816, %get3A_816 : vector<16xf32>
        %add3A_819 = arith.addf %add3A_809, %mul3A_818 : vector<16xf32>
        %max3A_820 = arith.maximumf %max3A_810, %get3A_816 : vector<16xf32>
        %add3A_821 = arith.constant 12 : i32
        %add3A_822 = arith.addi %mul3A_198, %add3A_821 : i32
        %get3A_823 = arith.index_cast %add3A_822 : i32 to index
        %get3A_824 = arith.constant 48 : index
        %get3A_825 = tpu.vector_load %arg8[%get3A_823, %get3A_824] {strides = array<i32>} : memref<512x128xf32, #tpu.memory_space<vmem>>, vector<1x16xf32>,
        %get3A_826 = vector.shape_cast %get3A_825 : vector<1x16xf32> to vector<16xf32>
        %add3A_827 = arith.addf %add3A_817, %get3A_826 : vector<16xf32>
        %mul3A_828 = arith.mulf %get3A_826, %get3A_826 : vector<16xf32>
        %add3A_829 = arith.addf %add3A_819, %mul3A_828 : vector<16xf32>
        %max3A_830 = arith.maximumf %max3A_820, %get3A_826 : vector<16xf32>
        %add3A_831 = arith.constant 13 : i32
        %add3A_832 = arith.addi %mul3A_198, %add3A_831 : i32
        %get3A_833 = arith.index_cast %add3A_832 : i32 to index
        %get3A_834 = arith.constant 48 : index
        %get3A_835 = tpu.vector_load %arg8[%get3A_833, %get3A_834] {strides = array<i32>} : memref<512x128xf32, #tpu.memory_space<vmem>>, vector<1x16xf32>,
        %get3A_836 = vector.shape_cast %get3A_835 : vector<1x16xf32> to vector<16xf32>
        %add3A_837 = arith.addf %add3A_827, %get3A_836 : vector<16xf32>
        %mul3A_838 = arith.mulf %get3A_836, %get3A_836 : vector<16xf32>
        %add3A_839 = arith.addf %add3A_829, %mul3A_838 : vector<16xf32>
        %max3A_840 = arith.maximumf %max3A_830, %get3A_836 : vector<16xf32>
        %add3A_841 = arith.constant 14 : i32
        %add3A_842 = arith.addi %mul3A_198, %add3A_841 : i32
        %get3A_843 = arith.index_cast %add3A_842 : i32 to index
        %get3A_844 = arith.constant 48 : index
        %get3A_845 = tpu.vector_load %arg8[%get3A_843, %get3A_844] {strides = array<i32>} : memref<512x128xf32, #tpu.memory_space<vmem>>, vector<1x16xf32>,
        %get3A_846 = vector.shape_cast %get3A_845 : vector<1x16xf32> to vector<16xf32>
        %add3A_847 = arith.addf %add3A_837, %get3A_846 : vector<16xf32>
        %mul3A_848 = arith.mulf %get3A_846, %get3A_846 : vector<16xf32>
        %add3A_849 = arith.addf %add3A_839, %mul3A_848 : vector<16xf32>
        %max3A_850 = arith.maximumf %max3A_840, %get3A_846 : vector<16xf32>
        %add3A_851 = arith.constant 15 : i32
        %add3A_852 = arith.addi %mul3A_198, %add3A_851 : i32
        %get3A_853 = arith.index_cast %add3A_852 : i32 to index
        %get3A_854 = arith.constant 48 : index
        %get3A_855 = tpu.vector_load %arg8[%get3A_853, %get3A_854] {strides = array<i32>} : memref<512x128xf32, #tpu.memory_space<vmem>>, vector<1x16xf32>,
        %get3A_856 = vector.shape_cast %get3A_855 : vector<1x16xf32> to vector<16xf32>
        %add3A_857 = arith.addf %add3A_847, %get3A_856 : vector<16xf32>
        %mul3A_858 = arith.mulf %get3A_856, %get3A_856 : vector<16xf32>
        %add3A_859 = arith.addf %add3A_849, %mul3A_858 : vector<16xf32>
        %max3A_860 = arith.maximumf %max3A_850, %get3A_856 : vector<16xf32>
        %swap3A_861 = arith.index_cast %scan3A_196 : i32 to index
        %swap3A_862 = arith.constant 48 : index
        %swap3A_863 = tpu.vector_load %arg9[%swap3A_861, %swap3A_862] {strides = array<i32>} : memref<32x64xf32, #tpu.memory_space<vmem>>, vector<1x16xf32>,
        %swap3A_864 = vector.shape_cast %swap3A_863 : vector<1x16xf32> to vector<16xf32>
        %swap3A_865 = vector.shape_cast %add3A_857 : vector<16xf32> to vector<1x16xf32>
        tpu.vector_store %arg9[%swap3A_861, %swap3A_862], %swap3A_865 {strides = array<i32>} : memref<32x64xf32, #tpu.memory_space<vmem>>, vector<1x16xf32>,
        %swap3A_866 = arith.index_cast %scan3A_196 : i32 to index
        %swap3A_867 = arith.constant 48 : index
        %swap3A_868 = tpu.vector_load %arg10[%swap3A_866, %swap3A_867] {strides = array<i32>} : memref<32x64xf32, #tpu.memory_space<vmem>>, vector<1x16xf32>,
        %swap3A_869 = vector.shape_cast %swap3A_868 : vector<1x16xf32> to vector<16xf32>
        %swap3A_870 = vector.shape_cast %add3A_859 : vector<16xf32> to vector<1x16xf32>
        tpu.vector_store %arg10[%swap3A_866, %swap3A_867], %swap3A_870 {strides = array<i32>} : memref<32x64xf32, #tpu.memory_space<vmem>>, vector<1x16xf32>,
        %swap3A_871 = arith.index_cast %scan3A_196 : i32 to index
        %swap3A_872 = arith.constant 48 : index
        %swap3A_873 = tpu.vector_load %arg11[%swap3A_871, %swap3A_872] {strides = array<i32>} : memref<32x64xf32, #tpu.memory_space<vmem>>, vector<1x16xf32>,
        %swap3A_874 = vector.shape_cast %swap3A_873 : vector<1x16xf32> to vector<16xf32>
        %swap3A_875 = vector.shape_cast %max3A_860 : vector<16xf32> to vector<1x16xf32>
        tpu.vector_store %arg11[%swap3A_871, %swap3A_872], %swap3A_875 {strides = array<i32>} : memref<32x64xf32, #tpu.memory_space<vmem>>, vector<1x16xf32>,
      }
      %scan3A_95 = arith.constant 32 : i32
      %mul3A_96 = arith.constant 320 : i32
      %mul3A_97 = arith.muli %add3A, %mul3A_96 : i32
      %mul3A_98 = arith.constant 64 : i32
      %mul3A_99 = arith.muli %scan3A_6, %mul3A_98 : i32
      %add3A_100 = arith.addi %mul3A_97, %mul3A_99 : i32
      %add3A_101 = arith.constant 0 : i32
      %add3A_102 = arith.addi %add3A_100, %add3A_101 : i32
      "tpu.region"() ({
        %run_scoped3A = tpu.sem_alloc : memref<!tpu.dma_semaphore, #tpu.memory_space<semaphore_mem>>
        %dma_start3A_196 = arith.constant 0 : i32
        %dma_start3A_197 = tpu.memref_slice %arg4[%add3A_102, %dma_start3A_196] : memref<10240x64xf32, #tpu.memory_space<hbm>> -> memref<32x64xf32, #tpu.memory_space<hbm>>
        %dma_start3A_198 = arith.constant 0 : i32
        %dma_start3A_199 = tpu.memref_slice %arg4[%add3A_102, %dma_start3A_198] : memref<10240x64xf32, #tpu.memory_space<hbm>> -> memref<32x64xf32, #tpu.memory_space<hbm>>
        tpu.enqueue_dma source(%arg9 : memref<32x64xf32, #tpu.memory_space<vmem>>) target(%dma_start3A_199 : memref<32x64xf32, #tpu.memory_space<hbm>>) target_semaphore(%run_scoped3A : memref<!tpu.dma_semaphore, #tpu.memory_space<semaphore_mem>>)
        %dma_wait3A_200 = arith.constant 0 : i32
        %dma_wait3A_201 = tpu.memref_slice %arg4[%add3A_102, %dma_wait3A_200] : memref<10240x64xf32, #tpu.memory_space<hbm>> -> memref<32x64xf32, #tpu.memory_space<hbm>>
        %dma_wait3A_202 = arith.constant 0 : i32
        %dma_wait3A_203 = tpu.memref_slice %arg4[%add3A_102, %dma_wait3A_202] : memref<10240x64xf32, #tpu.memory_space<hbm>> -> memref<32x64xf32, #tpu.memory_space<hbm>>
        tpu.wait_dma2 semaphore(%run_scoped3A : memref<!tpu.dma_semaphore, #tpu.memory_space<semaphore_mem>>) src(%arg9 : memref<32x64xf32, #tpu.memory_space<vmem>>) dst(%dma_wait3A_203 : memref<32x64xf32, #tpu.memory_space<hbm>>)
        tpu.yield
      }) : () -> ()
      "tpu.region"() ({
        %run_scoped3A = tpu.sem_alloc : memref<!tpu.dma_semaphore, #tpu.memory_space<semaphore_mem>>
        %dma_start3A_196 = arith.constant 0 : i32
        %dma_start3A_197 = tpu.memref_slice %arg5[%add3A_102, %dma_start3A_196] : memref<10240x64xf32, #tpu.memory_space<hbm>> -> memref<32x64xf32, #tpu.memory_space<hbm>>
        %dma_start3A_198 = arith.constant 0 : i32
        %dma_start3A_199 = tpu.memref_slice %arg5[%add3A_102, %dma_start3A_198] : memref<10240x64xf32, #tpu.memory_space<hbm>> -> memref<32x64xf32, #tpu.memory_space<hbm>>
        tpu.enqueue_dma source(%arg10 : memref<32x64xf32, #tpu.memory_space<vmem>>) target(%dma_start3A_199 : memref<32x64xf32, #tpu.memory_space<hbm>>) target_semaphore(%run_scoped3A : memref<!tpu.dma_semaphore, #tpu.memory_space<semaphore_mem>>)
        %dma_wait3A_200 = arith.constant 0 : i32
        %dma_wait3A_201 = tpu.memref_slice %arg5[%add3A_102, %dma_wait3A_200] : memref<10240x64xf32, #tpu.memory_space<hbm>> -> memref<32x64xf32, #tpu.memory_space<hbm>>
        %dma_wait3A_202 = arith.constant 0 : i32
        %dma_wait3A_203 = tpu.memref_slice %arg5[%add3A_102, %dma_wait3A_202] : memref<10240x64xf32, #tpu.memory_space<hbm>> -> memref<32x64xf32, #tpu.memory_space<hbm>>
        tpu.wait_dma2 semaphore(%run_scoped3A : memref<!tpu.dma_semaphore, #tpu.memory_space<semaphore_mem>>) src(%arg10 : memref<32x64xf32, #tpu.memory_space<vmem>>) dst(%dma_wait3A_203 : memref<32x64xf32, #tpu.memory_space<hbm>>)
        tpu.yield
      }) : () -> ()
      "tpu.region"() ({
        %run_scoped3A = tpu.sem_alloc : memref<!tpu.dma_semaphore, #tpu.memory_space<semaphore_mem>>
        %dma_start3A_196 = arith.constant 0 : i32
        %dma_start3A_197 = tpu.memref_slice %arg6[%add3A_102, %dma_start3A_196] : memref<10240x64xf32, #tpu.memory_space<hbm>> -> memref<32x64xf32, #tpu.memory_space<hbm>>
        %dma_start3A_198 = arith.constant 0 : i32
        %dma_start3A_199 = tpu.memref_slice %arg6[%add3A_102, %dma_start3A_198] : memref<10240x64xf32, #tpu.memory_space<hbm>> -> memref<32x64xf32, #tpu.memory_space<hbm>>
        tpu.enqueue_dma source(%arg11 : memref<32x64xf32, #tpu.memory_space<vmem>>) target(%dma_start3A_199 : memref<32x64xf32, #tpu.memory_space<hbm>>) target_semaphore(%run_scoped3A : memref<!tpu.dma_semaphore, #tpu.memory_space<semaphore_mem>>)
        %dma_wait3A_200 = arith.constant 0 : i32
        %dma_wait3A_201 = tpu.memref_slice %arg6[%add3A_102, %dma_wait3A_200] : memref<10240x64xf32, #tpu.memory_space<hbm>> -> memref<32x64xf32, #tpu.memory_space<hbm>>
        %dma_wait3A_202 = arith.constant 0 : i32
        %dma_wait3A_203 = tpu.memref_slice %arg6[%add3A_102, %dma_wait3A_202] : memref<10240x64xf32, #tpu.memory_space<hbm>> -> memref<32x64xf32, #tpu.memory_space<hbm>>
        tpu.wait_dma2 semaphore(%run_scoped3A : memref<!tpu.dma_semaphore, #tpu.memory_space<semaphore_mem>>) src(%arg11 : memref<32x64xf32, #tpu.memory_space<vmem>>) dst(%dma_wait3A_203 : memref<32x64xf32, #tpu.memory_space<hbm>>)
        tpu.yield
      }) : () -> ()
      %dma_start3A_103 = arith.constant 4 : i32
      %dma_start3A_104 = arith.constant 0 : i32
      %dma_start3A_105 = arith.constant 0 : i32
      %dma_start3A_106 = tpu.memref_slice %arg8[%dma_start3A_104, %dma_start3A_105] : memref<512x128xf32, #tpu.memory_space<vmem>> -> memref<128x128xf32, #tpu.memory_space<vmem>>
      %dma_start3A_107 = arith.constant 0 : i32
      %dma_start3A_108 = tpu.memref_slice %arg7[%dma_start3A_103, %dma_start3A_107] : memref<8x128xi32, #tpu.memory_space<vmem>> -> memref<1x128xi32, #tpu.memory_space<vmem>>
      %dma_start3A_109 = tpu.memref_squeeze %dma_start3A_108 : memref<1x128xi32, #tpu.memory_space<vmem>> -> memref<128xi32, #tpu.memory_space<vmem>>
      %dma_start3A_110 = arith.constant 0 : i32
      %dma_start3A_111 = arith.constant 0 : i32
      %dma_start3A_112 = tpu.memref_slice %arg2[%dma_start3A_110, %dma_start3A_111] : memref<10240x128xf32, #tpu.memory_space<hbm>> -> memref<10240x128xf32, #tpu.memory_space<hbm>>
      tpu.enqueue_indirect_dma source(%dma_start3A_112 : memref<10240x128xf32, #tpu.memory_space<hbm>>) target(%dma_start3A_106 : memref<128x128xf32, #tpu.memory_space<vmem>>) offsets(%dma_start3A_109 : memref<128xi32, #tpu.memory_space<vmem>>) semaphore(%arg12 : memref<!tpu.dma_semaphore, #tpu.memory_space<semaphore_mem>>)
      %dma_start3A_113 = arith.constant 5 : i32
      %dma_start3A_114 = arith.constant 128 : i32
      %dma_start3A_115 = arith.constant 0 : i32
      %dma_start3A_116 = tpu.memref_slice %arg8[%dma_start3A_114, %dma_start3A_115] : memref<512x128xf32, #tpu.memory_space<vmem>> -> memref<128x128xf32, #tpu.memory_space<vmem>>
      %dma_start3A_117 = arith.constant 0 : i32
      %dma_start3A_118 = tpu.memref_slice %arg7[%dma_start3A_113, %dma_start3A_117] : memref<8x128xi32, #tpu.memory_space<vmem>> -> memref<1x128xi32, #tpu.memory_space<vmem>>
      %dma_start3A_119 = tpu.memref_squeeze %dma_start3A_118 : memref<1x128xi32, #tpu.memory_space<vmem>> -> memref<128xi32, #tpu.memory_space<vmem>>
      %dma_start3A_120 = arith.constant 0 : i32
      %dma_start3A_121 = arith.constant 0 : i32
      %dma_start3A_122 = tpu.memref_slice %arg2[%dma_start3A_120, %dma_start3A_121] : memref<10240x128xf32, #tpu.memory_space<hbm>> -> memref<10240x128xf32, #tpu.memory_space<hbm>>
      tpu.enqueue_indirect_dma source(%dma_start3A_122 : memref<10240x128xf32, #tpu.memory_space<hbm>>) target(%dma_start3A_116 : memref<128x128xf32, #tpu.memory_space<vmem>>) offsets(%dma_start3A_119 : memref<128xi32, #tpu.memory_space<vmem>>) semaphore(%arg12 : memref<!tpu.dma_semaphore, #tpu.memory_space<semaphore_mem>>)
      %dma_start3A_123 = arith.constant 6 : i32
      %dma_start3A_124 = arith.constant 256 : i32
      %dma_start3A_125 = arith.constant 0 : i32
      %dma_start3A_126 = tpu.memref_slice %arg8[%dma_start3A_124, %dma_start3A_125] : memref<512x128xf32, #tpu.memory_space<vmem>> -> memref<128x128xf32, #tpu.memory_space<vmem>>
      %dma_start3A_127 = arith.constant 0 : i32
      %dma_start3A_128 = tpu.memref_slice %arg7[%dma_start3A_123, %dma_start3A_127] : memref<8x128xi32, #tpu.memory_space<vmem>> -> memref<1x128xi32, #tpu.memory_space<vmem>>
      %dma_start3A_129 = tpu.memref_squeeze %dma_start3A_128 : memref<1x128xi32, #tpu.memory_space<vmem>> -> memref<128xi32, #tpu.memory_space<vmem>>
      %dma_start3A_130 = arith.constant 0 : i32
      %dma_start3A_131 = arith.constant 0 : i32
      %dma_start3A_132 = tpu.memref_slice %arg2[%dma_start3A_130, %dma_start3A_131] : memref<10240x128xf32, #tpu.memory_space<hbm>> -> memref<10240x128xf32, #tpu.memory_space<hbm>>
      tpu.enqueue_indirect_dma source(%dma_start3A_132 : memref<10240x128xf32, #tpu.memory_space<hbm>>) target(%dma_start3A_126 : memref<128x128xf32, #tpu.memory_space<vmem>>) offsets(%dma_start3A_129 : memref<128xi32, #tpu.memory_space<vmem>>) semaphore(%arg12 : memref<!tpu.dma_semaphore, #tpu.memory_space<semaphore_mem>>)
      %dma_start3A_133 = arith.constant 7 : i32
      %dma_start3A_134 = arith.constant 384 : i32
      %dma_start3A_135 = arith.constant 0 : i32
      %dma_start3A_136 = tpu.memref_slice %arg8[%dma_start3A_134, %dma_start3A_135] : memref<512x128xf32, #tpu.memory_space<vmem>> -> memref<128x128xf32, #tpu.memory_space<vmem>>
      %dma_start3A_137 = arith.constant 0 : i32
      %dma_start3A_138 = tpu.memref_slice %arg7[%dma_start3A_133, %dma_start3A_137] : memref<8x128xi32, #tpu.memory_space<vmem>> -> memref<1x128xi32, #tpu.memory_space<vmem>>
      %dma_start3A_139 = tpu.memref_squeeze %dma_start3A_138 : memref<1x128xi32, #tpu.memory_space<vmem>> -> memref<128xi32, #tpu.memory_space<vmem>>
      %dma_start3A_140 = arith.constant 0 : i32
      %dma_start3A_141 = arith.constant 0 : i32
      %dma_start3A_142 = tpu.memref_slice %arg2[%dma_start3A_140, %dma_start3A_141] : memref<10240x128xf32, #tpu.memory_space<hbm>> -> memref<10240x128xf32, #tpu.memory_space<hbm>>
      tpu.enqueue_indirect_dma source(%dma_start3A_142 : memref<10240x128xf32, #tpu.memory_space<hbm>>) target(%dma_start3A_136 : memref<128x128xf32, #tpu.memory_space<vmem>>) offsets(%dma_start3A_139 : memref<128xi32, #tpu.memory_space<vmem>>) semaphore(%arg12 : memref<!tpu.dma_semaphore, #tpu.memory_space<semaphore_mem>>)
      %dma_wait3A_143 = arith.constant 4 : i32
      %dma_wait3A_144 = arith.constant 0 : i32
      %dma_wait3A_145 = arith.constant 0 : i32
      %dma_wait3A_146 = tpu.memref_slice %arg8[%dma_wait3A_144, %dma_wait3A_145] : memref<512x128xf32, #tpu.memory_space<vmem>> -> memref<128x128xf32, #tpu.memory_space<vmem>>
      %dma_wait3A_147 = arith.constant 0 : i32
      %dma_wait3A_148 = tpu.memref_slice %arg7[%dma_wait3A_143, %dma_wait3A_147] : memref<8x128xi32, #tpu.memory_space<vmem>> -> memref<1x128xi32, #tpu.memory_space<vmem>>
      %dma_wait3A_149 = tpu.memref_squeeze %dma_wait3A_148 : memref<1x128xi32, #tpu.memory_space<vmem>> -> memref<128xi32, #tpu.memory_space<vmem>>
      %dma_wait3A_150 = arith.constant 0 : i32
      %dma_wait3A_151 = arith.constant 0 : i32
      %dma_wait3A_152 = tpu.memref_slice %arg2[%dma_wait3A_150, %dma_wait3A_151] : memref<10240x128xf32, #tpu.memory_space<hbm>> -> memref<10240x128xf32, #tpu.memory_space<hbm>>
      tpu.wait_indirect_dma semaphore(%arg12 : memref<!tpu.dma_semaphore, #tpu.memory_space<semaphore_mem>>) src(%dma_wait3A_152 : memref<10240x128xf32, #tpu.memory_space<hbm>>) dst(%dma_wait3A_146 : memref<128x128xf32, #tpu.memory_space<vmem>>)
      %dma_wait3A_153 = arith.constant 5 : i32
      %dma_wait3A_154 = arith.constant 128 : i32
      %dma_wait3A_155 = arith.constant 0 : i32
      %dma_wait3A_156 = tpu.memref_slice %arg8[%dma_wait3A_154, %dma_wait3A_155] : memref<512x128xf32, #tpu.memory_space<vmem>> -> memref<128x128xf32, #tpu.memory_space<vmem>>
      %dma_wait3A_157 = arith.constant 0 : i32
      %dma_wait3A_158 = tpu.memref_slice %arg7[%dma_wait3A_153, %dma_wait3A_157] : memref<8x128xi32, #tpu.memory_space<vmem>> -> memref<1x128xi32, #tpu.memory_space<vmem>>
      %dma_wait3A_159 = tpu.memref_squeeze %dma_wait3A_158 : memref<1x128xi32, #tpu.memory_space<vmem>> -> memref<128xi32, #tpu.memory_space<vmem>>
      %dma_wait3A_160 = arith.constant 0 : i32
      %dma_wait3A_161 = arith.constant 0 : i32
      %dma_wait3A_162 = tpu.memref_slice %arg2[%dma_wait3A_160, %dma_wait3A_161] : memref<10240x128xf32, #tpu.memory_space<hbm>> -> memref<10240x128xf32, #tpu.memory_space<hbm>>
      tpu.wait_indirect_dma semaphore(%arg12 : memref<!tpu.dma_semaphore, #tpu.memory_space<semaphore_mem>>) src(%dma_wait3A_162 : memref<10240x128xf32, #tpu.memory_space<hbm>>) dst(%dma_wait3A_156 : memref<128x128xf32, #tpu.memory_space<vmem>>)
      %dma_wait3A_163 = arith.constant 6 : i32
      %dma_wait3A_164 = arith.constant 256 : i32
      %dma_wait3A_165 = arith.constant 0 : i32
      %dma_wait3A_166 = tpu.memref_slice %arg8[%dma_wait3A_164, %dma_wait3A_165] : memref<512x128xf32, #tpu.memory_space<vmem>> -> memref<128x128xf32, #tpu.memory_space<vmem>>
      %dma_wait3A_167 = arith.constant 0 : i32
      %dma_wait3A_168 = tpu.memref_slice %arg7[%dma_wait3A_163, %dma_wait3A_167] : memref<8x128xi32, #tpu.memory_space<vmem>> -> memref<1x128xi32, #tpu.memory_space<vmem>>
      %dma_wait3A_169 = tpu.memref_squeeze %dma_wait3A_168 : memref<1x128xi32, #tpu.memory_space<vmem>> -> memref<128xi32, #tpu.memory_space<vmem>>
      %dma_wait3A_170 = arith.constant 0 : i32
      %dma_wait3A_171 = arith.constant 0 : i32
      %dma_wait3A_172 = tpu.memref_slice %arg2[%dma_wait3A_170, %dma_wait3A_171] : memref<10240x128xf32, #tpu.memory_space<hbm>> -> memref<10240x128xf32, #tpu.memory_space<hbm>>
      tpu.wait_indirect_dma semaphore(%arg12 : memref<!tpu.dma_semaphore, #tpu.memory_space<semaphore_mem>>) src(%dma_wait3A_172 : memref<10240x128xf32, #tpu.memory_space<hbm>>) dst(%dma_wait3A_166 : memref<128x128xf32, #tpu.memory_space<vmem>>)
      %dma_wait3A_173 = arith.constant 7 : i32
      %dma_wait3A_174 = arith.constant 384 : i32
      %dma_wait3A_175 = arith.constant 0 : i32
      %dma_wait3A_176 = tpu.memref_slice %arg8[%dma_wait3A_174, %dma_wait3A_175] : memref<512x128xf32, #tpu.memory_space<vmem>> -> memref<128x128xf32, #tpu.memory_space<vmem>>
      %dma_wait3A_177 = arith.constant 0 : i32
      %dma_wait3A_178 = tpu.memref_slice %arg7[%dma_wait3A_173, %dma_wait3A_177] : memref<8x128xi32, #tpu.memory_space<vmem>> -> memref<1x128xi32, #tpu.memory_space<vmem>>
      %dma_wait3A_179 = tpu.memref_squeeze %dma_wait3A_178 : memref<1x128xi32, #tpu.memory_space<vmem>> -> memref<128xi32, #tpu.memory_space<vmem>>
      %dma_wait3A_180 = arith.constant 0 : i32
      %dma_wait3A_181 = arith.constant 0 : i32
      %dma_wait3A_182 = tpu.memref_slice %arg2[%dma_wait3A_180, %dma_wait3A_181] : memref<10240x128xf32, #tpu.memory_space<hbm>> -> memref<10240x128xf32, #tpu.memory_space<hbm>>
      tpu.wait_indirect_dma semaphore(%arg12 : memref<!tpu.dma_semaphore, #tpu.memory_space<semaphore_mem>>) src(%dma_wait3A_182 : memref<10240x128xf32, #tpu.memory_space<hbm>>) dst(%dma_wait3A_176 : memref<128x128xf32, #tpu.memory_space<vmem>>)
      %scan3A_183 = arith.constant 0 : i32
      %scan3A_184 = arith.constant 0 : i32
      %scan3A_185 = arith.constant 32 : i32
      %scan3A_186 = arith.addi %scan3A_184, %scan3A_185 : i32
      %scan3A_187 = arith.constant 1 : i32
      scf.for %scan3A_196 = %scan3A_184 to %scan3A_186 step %scan3A_187  : i32 {
        %mul3A_197 = arith.constant 16 : i32
        %mul3A_198 = arith.muli %scan3A_196, %mul3A_197 : i32
        %get3A = arith.index_cast %mul3A_198 : i32 to index
        %get3A_199 = arith.constant 0 : index
        %get3A_200 = tpu.vector_load %arg8[%get3A, %get3A_199] {strides = array<i32>} : memref<512x128xf32, #tpu.memory_space<vmem>>, vector<1x16xf32>,
        %get3A_201 = vector.shape_cast %get3A_200 : vector<1x16xf32> to vector<16xf32>
        %mul3A_202 = arith.mulf %get3A_201, %get3A_201 : vector<16xf32>
        %add3A_203 = arith.constant 1 : i32
        %add3A_204 = arith.addi %mul3A_198, %add3A_203 : i32
        %get3A_205 = arith.index_cast %add3A_204 : i32 to index
        %get3A_206 = arith.constant 0 : index
        %get3A_207 = tpu.vector_load %arg8[%get3A_205, %get3A_206] {strides = array<i32>} : memref<512x128xf32, #tpu.memory_space<vmem>>, vector<1x16xf32>,
        %get3A_208 = vector.shape_cast %get3A_207 : vector<1x16xf32> to vector<16xf32>
        %add3A_209 = arith.addf %get3A_201, %get3A_208 : vector<16xf32>
        %mul3A_210 = arith.mulf %get3A_208, %get3A_208 : vector<16xf32>
        %add3A_211 = arith.addf %mul3A_202, %mul3A_210 : vector<16xf32>
        %max3A = arith.maximumf %get3A_201, %get3A_208 : vector<16xf32>
        %add3A_212 = arith.constant 2 : i32
        %add3A_213 = arith.addi %mul3A_198, %add3A_212 : i32
        %get3A_214 = arith.index_cast %add3A_213 : i32 to index
        %get3A_215 = arith.constant 0 : index
        %get3A_216 = tpu.vector_load %arg8[%get3A_214, %get3A_215] {strides = array<i32>} : memref<512x128xf32, #tpu.memory_space<vmem>>, vector<1x16xf32>,
        %get3A_217 = vector.shape_cast %get3A_216 : vector<1x16xf32> to vector<16xf32>
        %add3A_218 = arith.addf %add3A_209, %get3A_217 : vector<16xf32>
        %mul3A_219 = arith.mulf %get3A_217, %get3A_217 : vector<16xf32>
        %add3A_220 = arith.addf %add3A_211, %mul3A_219 : vector<16xf32>
        %max3A_221 = arith.maximumf %max3A, %get3A_217 : vector<16xf32>
        %add3A_222 = arith.constant 3 : i32
        %add3A_223 = arith.addi %mul3A_198, %add3A_222 : i32
        %get3A_224 = arith.index_cast %add3A_223 : i32 to index
        %get3A_225 = arith.constant 0 : index
        %get3A_226 = tpu.vector_load %arg8[%get3A_224, %get3A_225] {strides = array<i32>} : memref<512x128xf32, #tpu.memory_space<vmem>>, vector<1x16xf32>,
        %get3A_227 = vector.shape_cast %get3A_226 : vector<1x16xf32> to vector<16xf32>
        %add3A_228 = arith.addf %add3A_218, %get3A_227 : vector<16xf32>
        %mul3A_229 = arith.mulf %get3A_227, %get3A_227 : vector<16xf32>
        %add3A_230 = arith.addf %add3A_220, %mul3A_229 : vector<16xf32>
        %max3A_231 = arith.maximumf %max3A_221, %get3A_227 : vector<16xf32>
        %add3A_232 = arith.constant 4 : i32
        %add3A_233 = arith.addi %mul3A_198, %add3A_232 : i32
        %get3A_234 = arith.index_cast %add3A_233 : i32 to index
        %get3A_235 = arith.constant 0 : index
        %get3A_236 = tpu.vector_load %arg8[%get3A_234, %get3A_235] {strides = array<i32>} : memref<512x128xf32, #tpu.memory_space<vmem>>, vector<1x16xf32>,
        %get3A_237 = vector.shape_cast %get3A_236 : vector<1x16xf32> to vector<16xf32>
        %add3A_238 = arith.addf %add3A_228, %get3A_237 : vector<16xf32>
        %mul3A_239 = arith.mulf %get3A_237, %get3A_237 : vector<16xf32>
        %add3A_240 = arith.addf %add3A_230, %mul3A_239 : vector<16xf32>
        %max3A_241 = arith.maximumf %max3A_231, %get3A_237 : vector<16xf32>
        %add3A_242 = arith.constant 5 : i32
        %add3A_243 = arith.addi %mul3A_198, %add3A_242 : i32
        %get3A_244 = arith.index_cast %add3A_243 : i32 to index
        %get3A_245 = arith.constant 0 : index
        %get3A_246 = tpu.vector_load %arg8[%get3A_244, %get3A_245] {strides = array<i32>} : memref<512x128xf32, #tpu.memory_space<vmem>>, vector<1x16xf32>,
        %get3A_247 = vector.shape_cast %get3A_246 : vector<1x16xf32> to vector<16xf32>
        %add3A_248 = arith.addf %add3A_238, %get3A_247 : vector<16xf32>
        %mul3A_249 = arith.mulf %get3A_247, %get3A_247 : vector<16xf32>
        %add3A_250 = arith.addf %add3A_240, %mul3A_249 : vector<16xf32>
        %max3A_251 = arith.maximumf %max3A_241, %get3A_247 : vector<16xf32>
        %add3A_252 = arith.constant 6 : i32
        %add3A_253 = arith.addi %mul3A_198, %add3A_252 : i32
        %get3A_254 = arith.index_cast %add3A_253 : i32 to index
        %get3A_255 = arith.constant 0 : index
        %get3A_256 = tpu.vector_load %arg8[%get3A_254, %get3A_255] {strides = array<i32>} : memref<512x128xf32, #tpu.memory_space<vmem>>, vector<1x16xf32>,
        %get3A_257 = vector.shape_cast %get3A_256 : vector<1x16xf32> to vector<16xf32>
        %add3A_258 = arith.addf %add3A_248, %get3A_257 : vector<16xf32>
        %mul3A_259 = arith.mulf %get3A_257, %get3A_257 : vector<16xf32>
        %add3A_260 = arith.addf %add3A_250, %mul3A_259 : vector<16xf32>
        %max3A_261 = arith.maximumf %max3A_251, %get3A_257 : vector<16xf32>
        %add3A_262 = arith.constant 7 : i32
        %add3A_263 = arith.addi %mul3A_198, %add3A_262 : i32
        %get3A_264 = arith.index_cast %add3A_263 : i32 to index
        %get3A_265 = arith.constant 0 : index
        %get3A_266 = tpu.vector_load %arg8[%get3A_264, %get3A_265] {strides = array<i32>} : memref<512x128xf32, #tpu.memory_space<vmem>>, vector<1x16xf32>,
        %get3A_267 = vector.shape_cast %get3A_266 : vector<1x16xf32> to vector<16xf32>
        %add3A_268 = arith.addf %add3A_258, %get3A_267 : vector<16xf32>
        %mul3A_269 = arith.mulf %get3A_267, %get3A_267 : vector<16xf32>
        %add3A_270 = arith.addf %add3A_260, %mul3A_269 : vector<16xf32>
        %max3A_271 = arith.maximumf %max3A_261, %get3A_267 : vector<16xf32>
        %add3A_272 = arith.constant 8 : i32
        %add3A_273 = arith.addi %mul3A_198, %add3A_272 : i32
        %get3A_274 = arith.index_cast %add3A_273 : i32 to index
        %get3A_275 = arith.constant 0 : index
        %get3A_276 = tpu.vector_load %arg8[%get3A_274, %get3A_275] {strides = array<i32>} : memref<512x128xf32, #tpu.memory_space<vmem>>, vector<1x16xf32>,
        %get3A_277 = vector.shape_cast %get3A_276 : vector<1x16xf32> to vector<16xf32>
        %add3A_278 = arith.addf %add3A_268, %get3A_277 : vector<16xf32>
        %mul3A_279 = arith.mulf %get3A_277, %get3A_277 : vector<16xf32>
        %add3A_280 = arith.addf %add3A_270, %mul3A_279 : vector<16xf32>
        %max3A_281 = arith.maximumf %max3A_271, %get3A_277 : vector<16xf32>
        %add3A_282 = arith.constant 9 : i32
        %add3A_283 = arith.addi %mul3A_198, %add3A_282 : i32
        %get3A_284 = arith.index_cast %add3A_283 : i32 to index
        %get3A_285 = arith.constant 0 : index
        %get3A_286 = tpu.vector_load %arg8[%get3A_284, %get3A_285] {strides = array<i32>} : memref<512x128xf32, #tpu.memory_space<vmem>>, vector<1x16xf32>,
        %get3A_287 = vector.shape_cast %get3A_286 : vector<1x16xf32> to vector<16xf32>
        %add3A_288 = arith.addf %add3A_278, %get3A_287 : vector<16xf32>
        %mul3A_289 = arith.mulf %get3A_287, %get3A_287 : vector<16xf32>
        %add3A_290 = arith.addf %add3A_280, %mul3A_289 : vector<16xf32>
        %max3A_291 = arith.maximumf %max3A_281, %get3A_287 : vector<16xf32>
        %add3A_292 = arith.constant 10 : i32
        %add3A_293 = arith.addi %mul3A_198, %add3A_292 : i32
        %get3A_294 = arith.index_cast %add3A_293 : i32 to index
        %get3A_295 = arith.constant 0 : index
        %get3A_296 = tpu.vector_load %arg8[%get3A_294, %get3A_295] {strides = array<i32>} : memref<512x128xf32, #tpu.memory_space<vmem>>, vector<1x16xf32>,
        %get3A_297 = vector.shape_cast %get3A_296 : vector<1x16xf32> to vector<16xf32>
        %add3A_298 = arith.addf %add3A_288, %get3A_297 : vector<16xf32>
        %mul3A_299 = arith.mulf %get3A_297, %get3A_297 : vector<16xf32>
        %add3A_300 = arith.addf %add3A_290, %mul3A_299 : vector<16xf32>
        %max3A_301 = arith.maximumf %max3A_291, %get3A_297 : vector<16xf32>
        %add3A_302 = arith.constant 11 : i32
        %add3A_303 = arith.addi %mul3A_198, %add3A_302 : i32
        %get3A_304 = arith.index_cast %add3A_303 : i32 to index
        %get3A_305 = arith.constant 0 : index
        %get3A_306 = tpu.vector_load %arg8[%get3A_304, %get3A_305] {strides = array<i32>} : memref<512x128xf32, #tpu.memory_space<vmem>>, vector<1x16xf32>,
        %get3A_307 = vector.shape_cast %get3A_306 : vector<1x16xf32> to vector<16xf32>
        %add3A_308 = arith.addf %add3A_298, %get3A_307 : vector<16xf32>
        %mul3A_309 = arith.mulf %get3A_307, %get3A_307 : vector<16xf32>
        %add3A_310 = arith.addf %add3A_300, %mul3A_309 : vector<16xf32>
        %max3A_311 = arith.maximumf %max3A_301, %get3A_307 : vector<16xf32>
        %add3A_312 = arith.constant 12 : i32
        %add3A_313 = arith.addi %mul3A_198, %add3A_312 : i32
        %get3A_314 = arith.index_cast %add3A_313 : i32 to index
        %get3A_315 = arith.constant 0 : index
        %get3A_316 = tpu.vector_load %arg8[%get3A_314, %get3A_315] {strides = array<i32>} : memref<512x128xf32, #tpu.memory_space<vmem>>, vector<1x16xf32>,
        %get3A_317 = vector.shape_cast %get3A_316 : vector<1x16xf32> to vector<16xf32>
        %add3A_318 = arith.addf %add3A_308, %get3A_317 : vector<16xf32>
        %mul3A_319 = arith.mulf %get3A_317, %get3A_317 : vector<16xf32>
        %add3A_320 = arith.addf %add3A_310, %mul3A_319 : vector<16xf32>
        %max3A_321 = arith.maximumf %max3A_311, %get3A_317 : vector<16xf32>
        %add3A_322 = arith.constant 13 : i32
        %add3A_323 = arith.addi %mul3A_198, %add3A_322 : i32
        %get3A_324 = arith.index_cast %add3A_323 : i32 to index
        %get3A_325 = arith.constant 0 : index
        %get3A_326 = tpu.vector_load %arg8[%get3A_324, %get3A_325] {strides = array<i32>} : memref<512x128xf32, #tpu.memory_space<vmem>>, vector<1x16xf32>,
        %get3A_327 = vector.shape_cast %get3A_326 : vector<1x16xf32> to vector<16xf32>
        %add3A_328 = arith.addf %add3A_318, %get3A_327 : vector<16xf32>
        %mul3A_329 = arith.mulf %get3A_327, %get3A_327 : vector<16xf32>
        %add3A_330 = arith.addf %add3A_320, %mul3A_329 : vector<16xf32>
        %max3A_331 = arith.maximumf %max3A_321, %get3A_327 : vector<16xf32>
        %add3A_332 = arith.constant 14 : i32
        %add3A_333 = arith.addi %mul3A_198, %add3A_332 : i32
        %get3A_334 = arith.index_cast %add3A_333 : i32 to index
        %get3A_335 = arith.constant 0 : index
        %get3A_336 = tpu.vector_load %arg8[%get3A_334, %get3A_335] {strides = array<i32>} : memref<512x128xf32, #tpu.memory_space<vmem>>, vector<1x16xf32>,
        %get3A_337 = vector.shape_cast %get3A_336 : vector<1x16xf32> to vector<16xf32>
        %add3A_338 = arith.addf %add3A_328, %get3A_337 : vector<16xf32>
        %mul3A_339 = arith.mulf %get3A_337, %get3A_337 : vector<16xf32>
        %add3A_340 = arith.addf %add3A_330, %mul3A_339 : vector<16xf32>
        %max3A_341 = arith.maximumf %max3A_331, %get3A_337 : vector<16xf32>
        %add3A_342 = arith.constant 15 : i32
        %add3A_343 = arith.addi %mul3A_198, %add3A_342 : i32
        %get3A_344 = arith.index_cast %add3A_343 : i32 to index
        %get3A_345 = arith.constant 0 : index
        %get3A_346 = tpu.vector_load %arg8[%get3A_344, %get3A_345] {strides = array<i32>} : memref<512x128xf32, #tpu.memory_space<vmem>>, vector<1x16xf32>,
        %get3A_347 = vector.shape_cast %get3A_346 : vector<1x16xf32> to vector<16xf32>
        %add3A_348 = arith.addf %add3A_338, %get3A_347 : vector<16xf32>
        %mul3A_349 = arith.mulf %get3A_347, %get3A_347 : vector<16xf32>
        %add3A_350 = arith.addf %add3A_340, %mul3A_349 : vector<16xf32>
        %max3A_351 = arith.maximumf %max3A_341, %get3A_347 : vector<16xf32>
        %swap3A = arith.index_cast %scan3A_196 : i32 to index
        %swap3A_352 = arith.constant 0 : index
        %swap3A_353 = tpu.vector_load %arg9[%swap3A, %swap3A_352] {strides = array<i32>} : memref<32x64xf32, #tpu.memory_space<vmem>>, vector<1x16xf32>,
        %swap3A_354 = vector.shape_cast %swap3A_353 : vector<1x16xf32> to vector<16xf32>
        %swap3A_355 = vector.shape_cast %add3A_348 : vector<16xf32> to vector<1x16xf32>
        tpu.vector_store %arg9[%swap3A, %swap3A_352], %swap3A_355 {strides = array<i32>} : memref<32x64xf32, #tpu.memory_space<vmem>>, vector<1x16xf32>,
        %swap3A_356 = arith.index_cast %scan3A_196 : i32 to index
        %swap3A_357 = arith.constant 0 : index
        %swap3A_358 = tpu.vector_load %arg10[%swap3A_356, %swap3A_357] {strides = array<i32>} : memref<32x64xf32, #tpu.memory_space<vmem>>, vector<1x16xf32>,
        %swap3A_359 = vector.shape_cast %swap3A_358 : vector<1x16xf32> to vector<16xf32>
        %swap3A_360 = vector.shape_cast %add3A_350 : vector<16xf32> to vector<1x16xf32>
        tpu.vector_store %arg10[%swap3A_356, %swap3A_357], %swap3A_360 {strides = array<i32>} : memref<32x64xf32, #tpu.memory_space<vmem>>, vector<1x16xf32>,
        %swap3A_361 = arith.index_cast %scan3A_196 : i32 to index
        %swap3A_362 = arith.constant 0 : index
        %swap3A_363 = tpu.vector_load %arg11[%swap3A_361, %swap3A_362] {strides = array<i32>} : memref<32x64xf32, #tpu.memory_space<vmem>>, vector<1x16xf32>,
        %swap3A_364 = vector.shape_cast %swap3A_363 : vector<1x16xf32> to vector<16xf32>
        %swap3A_365 = vector.shape_cast %max3A_351 : vector<16xf32> to vector<1x16xf32>
        tpu.vector_store %arg11[%swap3A_361, %swap3A_362], %swap3A_365 {strides = array<i32>} : memref<32x64xf32, #tpu.memory_space<vmem>>, vector<1x16xf32>,
        %get3A_366 = arith.index_cast %mul3A_198 : i32 to index
        %get3A_367 = arith.constant 16 : index
        %get3A_368 = tpu.vector_load %arg8[%get3A_366, %get3A_367] {strides = array<i32>} : memref<512x128xf32, #tpu.memory_space<vmem>>, vector<1x16xf32>,
        %get3A_369 = vector.shape_cast %get3A_368 : vector<1x16xf32> to vector<16xf32>
        %mul3A_370 = arith.mulf %get3A_369, %get3A_369 : vector<16xf32>
        %add3A_371 = arith.constant 1 : i32
        %add3A_372 = arith.addi %mul3A_198, %add3A_371 : i32
        %get3A_373 = arith.index_cast %add3A_372 : i32 to index
        %get3A_374 = arith.constant 16 : index
        %get3A_375 = tpu.vector_load %arg8[%get3A_373, %get3A_374] {strides = array<i32>} : memref<512x128xf32, #tpu.memory_space<vmem>>, vector<1x16xf32>,
        %get3A_376 = vector.shape_cast %get3A_375 : vector<1x16xf32> to vector<16xf32>
        %add3A_377 = arith.addf %get3A_369, %get3A_376 : vector<16xf32>
        %mul3A_378 = arith.mulf %get3A_376, %get3A_376 : vector<16xf32>
        %add3A_379 = arith.addf %mul3A_370, %mul3A_378 : vector<16xf32>
        %max3A_380 = arith.maximumf %get3A_369, %get3A_376 : vector<16xf32>
        %add3A_381 = arith.constant 2 : i32
        %add3A_382 = arith.addi %mul3A_198, %add3A_381 : i32
        %get3A_383 = arith.index_cast %add3A_382 : i32 to index
        %get3A_384 = arith.constant 16 : index
        %get3A_385 = tpu.vector_load %arg8[%get3A_383, %get3A_384] {strides = array<i32>} : memref<512x128xf32, #tpu.memory_space<vmem>>, vector<1x16xf32>,
        %get3A_386 = vector.shape_cast %get3A_385 : vector<1x16xf32> to vector<16xf32>
        %add3A_387 = arith.addf %add3A_377, %get3A_386 : vector<16xf32>
        %mul3A_388 = arith.mulf %get3A_386, %get3A_386 : vector<16xf32>
        %add3A_389 = arith.addf %add3A_379, %mul3A_388 : vector<16xf32>
        %max3A_390 = arith.maximumf %max3A_380, %get3A_386 : vector<16xf32>
        %add3A_391 = arith.constant 3 : i32
        %add3A_392 = arith.addi %mul3A_198, %add3A_391 : i32
        %get3A_393 = arith.index_cast %add3A_392 : i32 to index
        %get3A_394 = arith.constant 16 : index
        %get3A_395 = tpu.vector_load %arg8[%get3A_393, %get3A_394] {strides = array<i32>} : memref<512x128xf32, #tpu.memory_space<vmem>>, vector<1x16xf32>,
        %get3A_396 = vector.shape_cast %get3A_395 : vector<1x16xf32> to vector<16xf32>
        %add3A_397 = arith.addf %add3A_387, %get3A_396 : vector<16xf32>
        %mul3A_398 = arith.mulf %get3A_396, %get3A_396 : vector<16xf32>
        %add3A_399 = arith.addf %add3A_389, %mul3A_398 : vector<16xf32>
        %max3A_400 = arith.maximumf %max3A_390, %get3A_396 : vector<16xf32>
        %add3A_401 = arith.constant 4 : i32
        %add3A_402 = arith.addi %mul3A_198, %add3A_401 : i32
        %get3A_403 = arith.index_cast %add3A_402 : i32 to index
        %get3A_404 = arith.constant 16 : index
        %get3A_405 = tpu.vector_load %arg8[%get3A_403, %get3A_404] {strides = array<i32>} : memref<512x128xf32, #tpu.memory_space<vmem>>, vector<1x16xf32>,
        %get3A_406 = vector.shape_cast %get3A_405 : vector<1x16xf32> to vector<16xf32>
        %add3A_407 = arith.addf %add3A_397, %get3A_406 : vector<16xf32>
        %mul3A_408 = arith.mulf %get3A_406, %get3A_406 : vector<16xf32>
        %add3A_409 = arith.addf %add3A_399, %mul3A_408 : vector<16xf32>
        %max3A_410 = arith.maximumf %max3A_400, %get3A_406 : vector<16xf32>
        %add3A_411 = arith.constant 5 : i32
        %add3A_412 = arith.addi %mul3A_198, %add3A_411 : i32
        %get3A_413 = arith.index_cast %add3A_412 : i32 to index
        %get3A_414 = arith.constant 16 : index
        %get3A_415 = tpu.vector_load %arg8[%get3A_413, %get3A_414] {strides = array<i32>} : memref<512x128xf32, #tpu.memory_space<vmem>>, vector<1x16xf32>,
        %get3A_416 = vector.shape_cast %get3A_415 : vector<1x16xf32> to vector<16xf32>
        %add3A_417 = arith.addf %add3A_407, %get3A_416 : vector<16xf32>
        %mul3A_418 = arith.mulf %get3A_416, %get3A_416 : vector<16xf32>
        %add3A_419 = arith.addf %add3A_409, %mul3A_418 : vector<16xf32>
        %max3A_420 = arith.maximumf %max3A_410, %get3A_416 : vector<16xf32>
        %add3A_421 = arith.constant 6 : i32
        %add3A_422 = arith.addi %mul3A_198, %add3A_421 : i32
        %get3A_423 = arith.index_cast %add3A_422 : i32 to index
        %get3A_424 = arith.constant 16 : index
        %get3A_425 = tpu.vector_load %arg8[%get3A_423, %get3A_424] {strides = array<i32>} : memref<512x128xf32, #tpu.memory_space<vmem>>, vector<1x16xf32>,
        %get3A_426 = vector.shape_cast %get3A_425 : vector<1x16xf32> to vector<16xf32>
        %add3A_427 = arith.addf %add3A_417, %get3A_426 : vector<16xf32>
        %mul3A_428 = arith.mulf %get3A_426, %get3A_426 : vector<16xf32>
        %add3A_429 = arith.addf %add3A_419, %mul3A_428 : vector<16xf32>
        %max3A_430 = arith.maximumf %max3A_420, %get3A_426 : vector<16xf32>
        %add3A_431 = arith.constant 7 : i32
        %add3A_432 = arith.addi %mul3A_198, %add3A_431 : i32
        %get3A_433 = arith.index_cast %add3A_432 : i32 to index
        %get3A_434 = arith.constant 16 : index
        %get3A_435 = tpu.vector_load %arg8[%get3A_433, %get3A_434] {strides = array<i32>} : memref<512x128xf32, #tpu.memory_space<vmem>>, vector<1x16xf32>,
        %get3A_436 = vector.shape_cast %get3A_435 : vector<1x16xf32> to vector<16xf32>
        %add3A_437 = arith.addf %add3A_427, %get3A_436 : vector<16xf32>
        %mul3A_438 = arith.mulf %get3A_436, %get3A_436 : vector<16xf32>
        %add3A_439 = arith.addf %add3A_429, %mul3A_438 : vector<16xf32>
        %max3A_440 = arith.maximumf %max3A_430, %get3A_436 : vector<16xf32>
        %add3A_441 = arith.constant 8 : i32
        %add3A_442 = arith.addi %mul3A_198, %add3A_441 : i32
        %get3A_443 = arith.index_cast %add3A_442 : i32 to index
        %get3A_444 = arith.constant 16 : index
        %get3A_445 = tpu.vector_load %arg8[%get3A_443, %get3A_444] {strides = array<i32>} : memref<512x128xf32, #tpu.memory_space<vmem>>, vector<1x16xf32>,
        %get3A_446 = vector.shape_cast %get3A_445 : vector<1x16xf32> to vector<16xf32>
        %add3A_447 = arith.addf %add3A_437, %get3A_446 : vector<16xf32>
        %mul3A_448 = arith.mulf %get3A_446, %get3A_446 : vector<16xf32>
        %add3A_449 = arith.addf %add3A_439, %mul3A_448 : vector<16xf32>
        %max3A_450 = arith.maximumf %max3A_440, %get3A_446 : vector<16xf32>
        %add3A_451 = arith.constant 9 : i32
        %add3A_452 = arith.addi %mul3A_198, %add3A_451 : i32
        %get3A_453 = arith.index_cast %add3A_452 : i32 to index
        %get3A_454 = arith.constant 16 : index
        %get3A_455 = tpu.vector_load %arg8[%get3A_453, %get3A_454] {strides = array<i32>} : memref<512x128xf32, #tpu.memory_space<vmem>>, vector<1x16xf32>,
        %get3A_456 = vector.shape_cast %get3A_455 : vector<1x16xf32> to vector<16xf32>
        %add3A_457 = arith.addf %add3A_447, %get3A_456 : vector<16xf32>
        %mul3A_458 = arith.mulf %get3A_456, %get3A_456 : vector<16xf32>
        %add3A_459 = arith.addf %add3A_449, %mul3A_458 : vector<16xf32>
        %max3A_460 = arith.maximumf %max3A_450, %get3A_456 : vector<16xf32>
        %add3A_461 = arith.constant 10 : i32
        %add3A_462 = arith.addi %mul3A_198, %add3A_461 : i32
        %get3A_463 = arith.index_cast %add3A_462 : i32 to index
        %get3A_464 = arith.constant 16 : index
        %get3A_465 = tpu.vector_load %arg8[%get3A_463, %get3A_464] {strides = array<i32>} : memref<512x128xf32, #tpu.memory_space<vmem>>, vector<1x16xf32>,
        %get3A_466 = vector.shape_cast %get3A_465 : vector<1x16xf32> to vector<16xf32>
        %add3A_467 = arith.addf %add3A_457, %get3A_466 : vector<16xf32>
        %mul3A_468 = arith.mulf %get3A_466, %get3A_466 : vector<16xf32>
        %add3A_469 = arith.addf %add3A_459, %mul3A_468 : vector<16xf32>
        %max3A_470 = arith.maximumf %max3A_460, %get3A_466 : vector<16xf32>
        %add3A_471 = arith.constant 11 : i32
        %add3A_472 = arith.addi %mul3A_198, %add3A_471 : i32
        %get3A_473 = arith.index_cast %add3A_472 : i32 to index
        %get3A_474 = arith.constant 16 : index
        %get3A_475 = tpu.vector_load %arg8[%get3A_473, %get3A_474] {strides = array<i32>} : memref<512x128xf32, #tpu.memory_space<vmem>>, vector<1x16xf32>,
        %get3A_476 = vector.shape_cast %get3A_475 : vector<1x16xf32> to vector<16xf32>
        %add3A_477 = arith.addf %add3A_467, %get3A_476 : vector<16xf32>
        %mul3A_478 = arith.mulf %get3A_476, %get3A_476 : vector<16xf32>
        %add3A_479 = arith.addf %add3A_469, %mul3A_478 : vector<16xf32>
        %max3A_480 = arith.maximumf %max3A_470, %get3A_476 : vector<16xf32>
        %add3A_481 = arith.constant 12 : i32
        %add3A_482 = arith.addi %mul3A_198, %add3A_481 : i32
        %get3A_483 = arith.index_cast %add3A_482 : i32 to index
        %get3A_484 = arith.constant 16 : index
        %get3A_485 = tpu.vector_load %arg8[%get3A_483, %get3A_484] {strides = array<i32>} : memref<512x128xf32, #tpu.memory_space<vmem>>, vector<1x16xf32>,
        %get3A_486 = vector.shape_cast %get3A_485 : vector<1x16xf32> to vector<16xf32>
        %add3A_487 = arith.addf %add3A_477, %get3A_486 : vector<16xf32>
        %mul3A_488 = arith.mulf %get3A_486, %get3A_486 : vector<16xf32>
        %add3A_489 = arith.addf %add3A_479, %mul3A_488 : vector<16xf32>
        %max3A_490 = arith.maximumf %max3A_480, %get3A_486 : vector<16xf32>
        %add3A_491 = arith.constant 13 : i32
        %add3A_492 = arith.addi %mul3A_198, %add3A_491 : i32
        %get3A_493 = arith.index_cast %add3A_492 : i32 to index
        %get3A_494 = arith.constant 16 : index
        %get3A_495 = tpu.vector_load %arg8[%get3A_493, %get3A_494] {strides = array<i32>} : memref<512x128xf32, #tpu.memory_space<vmem>>, vector<1x16xf32>,
        %get3A_496 = vector.shape_cast %get3A_495 : vector<1x16xf32> to vector<16xf32>
        %add3A_497 = arith.addf %add3A_487, %get3A_496 : vector<16xf32>
        %mul3A_498 = arith.mulf %get3A_496, %get3A_496 : vector<16xf32>
        %add3A_499 = arith.addf %add3A_489, %mul3A_498 : vector<16xf32>
        %max3A_500 = arith.maximumf %max3A_490, %get3A_496 : vector<16xf32>
        %add3A_501 = arith.constant 14 : i32
        %add3A_502 = arith.addi %mul3A_198, %add3A_501 : i32
        %get3A_503 = arith.index_cast %add3A_502 : i32 to index
        %get3A_504 = arith.constant 16 : index
        %get3A_505 = tpu.vector_load %arg8[%get3A_503, %get3A_504] {strides = array<i32>} : memref<512x128xf32, #tpu.memory_space<vmem>>, vector<1x16xf32>,
        %get3A_506 = vector.shape_cast %get3A_505 : vector<1x16xf32> to vector<16xf32>
        %add3A_507 = arith.addf %add3A_497, %get3A_506 : vector<16xf32>
        %mul3A_508 = arith.mulf %get3A_506, %get3A_506 : vector<16xf32>
        %add3A_509 = arith.addf %add3A_499, %mul3A_508 : vector<16xf32>
        %max3A_510 = arith.maximumf %max3A_500, %get3A_506 : vector<16xf32>
        %add3A_511 = arith.constant 15 : i32
        %add3A_512 = arith.addi %mul3A_198, %add3A_511 : i32
        %get3A_513 = arith.index_cast %add3A_512 : i32 to index
        %get3A_514 = arith.constant 16 : index
        %get3A_515 = tpu.vector_load %arg8[%get3A_513, %get3A_514] {strides = array<i32>} : memref<512x128xf32, #tpu.memory_space<vmem>>, vector<1x16xf32>,
        %get3A_516 = vector.shape_cast %get3A_515 : vector<1x16xf32> to vector<16xf32>
        %add3A_517 = arith.addf %add3A_507, %get3A_516 : vector<16xf32>
        %mul3A_518 = arith.mulf %get3A_516, %get3A_516 : vector<16xf32>
        %add3A_519 = arith.addf %add3A_509, %mul3A_518 : vector<16xf32>
        %max3A_520 = arith.maximumf %max3A_510, %get3A_516 : vector<16xf32>
        %swap3A_521 = arith.index_cast %scan3A_196 : i32 to index
        %swap3A_522 = arith.constant 16 : index
        %swap3A_523 = tpu.vector_load %arg9[%swap3A_521, %swap3A_522] {strides = array<i32>} : memref<32x64xf32, #tpu.memory_space<vmem>>, vector<1x16xf32>,
        %swap3A_524 = vector.shape_cast %swap3A_523 : vector<1x16xf32> to vector<16xf32>
        %swap3A_525 = vector.shape_cast %add3A_517 : vector<16xf32> to vector<1x16xf32>
        tpu.vector_store %arg9[%swap3A_521, %swap3A_522], %swap3A_525 {strides = array<i32>} : memref<32x64xf32, #tpu.memory_space<vmem>>, vector<1x16xf32>,
        %swap3A_526 = arith.index_cast %scan3A_196 : i32 to index
        %swap3A_527 = arith.constant 16 : index
        %swap3A_528 = tpu.vector_load %arg10[%swap3A_526, %swap3A_527] {strides = array<i32>} : memref<32x64xf32, #tpu.memory_space<vmem>>, vector<1x16xf32>,
        %swap3A_529 = vector.shape_cast %swap3A_528 : vector<1x16xf32> to vector<16xf32>
        %swap3A_530 = vector.shape_cast %add3A_519 : vector<16xf32> to vector<1x16xf32>
        tpu.vector_store %arg10[%swap3A_526, %swap3A_527], %swap3A_530 {strides = array<i32>} : memref<32x64xf32, #tpu.memory_space<vmem>>, vector<1x16xf32>,
        %swap3A_531 = arith.index_cast %scan3A_196 : i32 to index
        %swap3A_532 = arith.constant 16 : index
        %swap3A_533 = tpu.vector_load %arg11[%swap3A_531, %swap3A_532] {strides = array<i32>} : memref<32x64xf32, #tpu.memory_space<vmem>>, vector<1x16xf32>,
        %swap3A_534 = vector.shape_cast %swap3A_533 : vector<1x16xf32> to vector<16xf32>
        %swap3A_535 = vector.shape_cast %max3A_520 : vector<16xf32> to vector<1x16xf32>
        tpu.vector_store %arg11[%swap3A_531, %swap3A_532], %swap3A_535 {strides = array<i32>} : memref<32x64xf32, #tpu.memory_space<vmem>>, vector<1x16xf32>,
        %get3A_536 = arith.index_cast %mul3A_198 : i32 to index
        %get3A_537 = arith.constant 32 : index
        %get3A_538 = tpu.vector_load %arg8[%get3A_536, %get3A_537] {strides = array<i32>} : memref<512x128xf32, #tpu.memory_space<vmem>>, vector<1x16xf32>,
        %get3A_539 = vector.shape_cast %get3A_538 : vector<1x16xf32> to vector<16xf32>
        %mul3A_540 = arith.mulf %get3A_539, %get3A_539 : vector<16xf32>
        %add3A_541 = arith.constant 1 : i32
        %add3A_542 = arith.addi %mul3A_198, %add3A_541 : i32
        %get3A_543 = arith.index_cast %add3A_542 : i32 to index
        %get3A_544 = arith.constant 32 : index
        %get3A_545 = tpu.vector_load %arg8[%get3A_543, %get3A_544] {strides = array<i32>} : memref<512x128xf32, #tpu.memory_space<vmem>>, vector<1x16xf32>,
        %get3A_546 = vector.shape_cast %get3A_545 : vector<1x16xf32> to vector<16xf32>
        %add3A_547 = arith.addf %get3A_539, %get3A_546 : vector<16xf32>
        %mul3A_548 = arith.mulf %get3A_546, %get3A_546 : vector<16xf32>
        %add3A_549 = arith.addf %mul3A_540, %mul3A_548 : vector<16xf32>
        %max3A_550 = arith.maximumf %get3A_539, %get3A_546 : vector<16xf32>
        %add3A_551 = arith.constant 2 : i32
        %add3A_552 = arith.addi %mul3A_198, %add3A_551 : i32
        %get3A_553 = arith.index_cast %add3A_552 : i32 to index
        %get3A_554 = arith.constant 32 : index
        %get3A_555 = tpu.vector_load %arg8[%get3A_553, %get3A_554] {strides = array<i32>} : memref<512x128xf32, #tpu.memory_space<vmem>>, vector<1x16xf32>,
        %get3A_556 = vector.shape_cast %get3A_555 : vector<1x16xf32> to vector<16xf32>
        %add3A_557 = arith.addf %add3A_547, %get3A_556 : vector<16xf32>
        %mul3A_558 = arith.mulf %get3A_556, %get3A_556 : vector<16xf32>
        %add3A_559 = arith.addf %add3A_549, %mul3A_558 : vector<16xf32>
        %max3A_560 = arith.maximumf %max3A_550, %get3A_556 : vector<16xf32>
        %add3A_561 = arith.constant 3 : i32
        %add3A_562 = arith.addi %mul3A_198, %add3A_561 : i32
        %get3A_563 = arith.index_cast %add3A_562 : i32 to index
        %get3A_564 = arith.constant 32 : index
        %get3A_565 = tpu.vector_load %arg8[%get3A_563, %get3A_564] {strides = array<i32>} : memref<512x128xf32, #tpu.memory_space<vmem>>, vector<1x16xf32>,
        %get3A_566 = vector.shape_cast %get3A_565 : vector<1x16xf32> to vector<16xf32>
        %add3A_567 = arith.addf %add3A_557, %get3A_566 : vector<16xf32>
        %mul3A_568 = arith.mulf %get3A_566, %get3A_566 : vector<16xf32>
        %add3A_569 = arith.addf %add3A_559, %mul3A_568 : vector<16xf32>
        %max3A_570 = arith.maximumf %max3A_560, %get3A_566 : vector<16xf32>
        %add3A_571 = arith.constant 4 : i32
        %add3A_572 = arith.addi %mul3A_198, %add3A_571 : i32
        %get3A_573 = arith.index_cast %add3A_572 : i32 to index
        %get3A_574 = arith.constant 32 : index
        %get3A_575 = tpu.vector_load %arg8[%get3A_573, %get3A_574] {strides = array<i32>} : memref<512x128xf32, #tpu.memory_space<vmem>>, vector<1x16xf32>,
        %get3A_576 = vector.shape_cast %get3A_575 : vector<1x16xf32> to vector<16xf32>
        %add3A_577 = arith.addf %add3A_567, %get3A_576 : vector<16xf32>
        %mul3A_578 = arith.mulf %get3A_576, %get3A_576 : vector<16xf32>
        %add3A_579 = arith.addf %add3A_569, %mul3A_578 : vector<16xf32>
        %max3A_580 = arith.maximumf %max3A_570, %get3A_576 : vector<16xf32>
        %add3A_581 = arith.constant 5 : i32
        %add3A_582 = arith.addi %mul3A_198, %add3A_581 : i32
        %get3A_583 = arith.index_cast %add3A_582 : i32 to index
        %get3A_584 = arith.constant 32 : index
        %get3A_585 = tpu.vector_load %arg8[%get3A_583, %get3A_584] {strides = array<i32>} : memref<512x128xf32, #tpu.memory_space<vmem>>, vector<1x16xf32>,
        %get3A_586 = vector.shape_cast %get3A_585 : vector<1x16xf32> to vector<16xf32>
        %add3A_587 = arith.addf %add3A_577, %get3A_586 : vector<16xf32>
        %mul3A_588 = arith.mulf %get3A_586, %get3A_586 : vector<16xf32>
        %add3A_589 = arith.addf %add3A_579, %mul3A_588 : vector<16xf32>
        %max3A_590 = arith.maximumf %max3A_580, %get3A_586 : vector<16xf32>
        %add3A_591 = arith.constant 6 : i32
        %add3A_592 = arith.addi %mul3A_198, %add3A_591 : i32
        %get3A_593 = arith.index_cast %add3A_592 : i32 to index
        %get3A_594 = arith.constant 32 : index
        %get3A_595 = tpu.vector_load %arg8[%get3A_593, %get3A_594] {strides = array<i32>} : memref<512x128xf32, #tpu.memory_space<vmem>>, vector<1x16xf32>,
        %get3A_596 = vector.shape_cast %get3A_595 : vector<1x16xf32> to vector<16xf32>
        %add3A_597 = arith.addf %add3A_587, %get3A_596 : vector<16xf32>
        %mul3A_598 = arith.mulf %get3A_596, %get3A_596 : vector<16xf32>
        %add3A_599 = arith.addf %add3A_589, %mul3A_598 : vector<16xf32>
        %max3A_600 = arith.maximumf %max3A_590, %get3A_596 : vector<16xf32>
        %add3A_601 = arith.constant 7 : i32
        %add3A_602 = arith.addi %mul3A_198, %add3A_601 : i32
        %get3A_603 = arith.index_cast %add3A_602 : i32 to index
        %get3A_604 = arith.constant 32 : index
        %get3A_605 = tpu.vector_load %arg8[%get3A_603, %get3A_604] {strides = array<i32>} : memref<512x128xf32, #tpu.memory_space<vmem>>, vector<1x16xf32>,
        %get3A_606 = vector.shape_cast %get3A_605 : vector<1x16xf32> to vector<16xf32>
        %add3A_607 = arith.addf %add3A_597, %get3A_606 : vector<16xf32>
        %mul3A_608 = arith.mulf %get3A_606, %get3A_606 : vector<16xf32>
        %add3A_609 = arith.addf %add3A_599, %mul3A_608 : vector<16xf32>
        %max3A_610 = arith.maximumf %max3A_600, %get3A_606 : vector<16xf32>
        %add3A_611 = arith.constant 8 : i32
        %add3A_612 = arith.addi %mul3A_198, %add3A_611 : i32
        %get3A_613 = arith.index_cast %add3A_612 : i32 to index
        %get3A_614 = arith.constant 32 : index
        %get3A_615 = tpu.vector_load %arg8[%get3A_613, %get3A_614] {strides = array<i32>} : memref<512x128xf32, #tpu.memory_space<vmem>>, vector<1x16xf32>,
        %get3A_616 = vector.shape_cast %get3A_615 : vector<1x16xf32> to vector<16xf32>
        %add3A_617 = arith.addf %add3A_607, %get3A_616 : vector<16xf32>
        %mul3A_618 = arith.mulf %get3A_616, %get3A_616 : vector<16xf32>
        %add3A_619 = arith.addf %add3A_609, %mul3A_618 : vector<16xf32>
        %max3A_620 = arith.maximumf %max3A_610, %get3A_616 : vector<16xf32>
        %add3A_621 = arith.constant 9 : i32
        %add3A_622 = arith.addi %mul3A_198, %add3A_621 : i32
        %get3A_623 = arith.index_cast %add3A_622 : i32 to index
        %get3A_624 = arith.constant 32 : index
        %get3A_625 = tpu.vector_load %arg8[%get3A_623, %get3A_624] {strides = array<i32>} : memref<512x128xf32, #tpu.memory_space<vmem>>, vector<1x16xf32>,
        %get3A_626 = vector.shape_cast %get3A_625 : vector<1x16xf32> to vector<16xf32>
        %add3A_627 = arith.addf %add3A_617, %get3A_626 : vector<16xf32>
        %mul3A_628 = arith.mulf %get3A_626, %get3A_626 : vector<16xf32>
        %add3A_629 = arith.addf %add3A_619, %mul3A_628 : vector<16xf32>
        %max3A_630 = arith.maximumf %max3A_620, %get3A_626 : vector<16xf32>
        %add3A_631 = arith.constant 10 : i32
        %add3A_632 = arith.addi %mul3A_198, %add3A_631 : i32
        %get3A_633 = arith.index_cast %add3A_632 : i32 to index
        %get3A_634 = arith.constant 32 : index
        %get3A_635 = tpu.vector_load %arg8[%get3A_633, %get3A_634] {strides = array<i32>} : memref<512x128xf32, #tpu.memory_space<vmem>>, vector<1x16xf32>,
        %get3A_636 = vector.shape_cast %get3A_635 : vector<1x16xf32> to vector<16xf32>
        %add3A_637 = arith.addf %add3A_627, %get3A_636 : vector<16xf32>
        %mul3A_638 = arith.mulf %get3A_636, %get3A_636 : vector<16xf32>
        %add3A_639 = arith.addf %add3A_629, %mul3A_638 : vector<16xf32>
        %max3A_640 = arith.maximumf %max3A_630, %get3A_636 : vector<16xf32>
        %add3A_641 = arith.constant 11 : i32
        %add3A_642 = arith.addi %mul3A_198, %add3A_641 : i32
        %get3A_643 = arith.index_cast %add3A_642 : i32 to index
        %get3A_644 = arith.constant 32 : index
        %get3A_645 = tpu.vector_load %arg8[%get3A_643, %get3A_644] {strides = array<i32>} : memref<512x128xf32, #tpu.memory_space<vmem>>, vector<1x16xf32>,
        %get3A_646 = vector.shape_cast %get3A_645 : vector<1x16xf32> to vector<16xf32>
        %add3A_647 = arith.addf %add3A_637, %get3A_646 : vector<16xf32>
        %mul3A_648 = arith.mulf %get3A_646, %get3A_646 : vector<16xf32>
        %add3A_649 = arith.addf %add3A_639, %mul3A_648 : vector<16xf32>
        %max3A_650 = arith.maximumf %max3A_640, %get3A_646 : vector<16xf32>
        %add3A_651 = arith.constant 12 : i32
        %add3A_652 = arith.addi %mul3A_198, %add3A_651 : i32
        %get3A_653 = arith.index_cast %add3A_652 : i32 to index
        %get3A_654 = arith.constant 32 : index
        %get3A_655 = tpu.vector_load %arg8[%get3A_653, %get3A_654] {strides = array<i32>} : memref<512x128xf32, #tpu.memory_space<vmem>>, vector<1x16xf32>,
        %get3A_656 = vector.shape_cast %get3A_655 : vector<1x16xf32> to vector<16xf32>
        %add3A_657 = arith.addf %add3A_647, %get3A_656 : vector<16xf32>
        %mul3A_658 = arith.mulf %get3A_656, %get3A_656 : vector<16xf32>
        %add3A_659 = arith.addf %add3A_649, %mul3A_658 : vector<16xf32>
        %max3A_660 = arith.maximumf %max3A_650, %get3A_656 : vector<16xf32>
        %add3A_661 = arith.constant 13 : i32
        %add3A_662 = arith.addi %mul3A_198, %add3A_661 : i32
        %get3A_663 = arith.index_cast %add3A_662 : i32 to index
        %get3A_664 = arith.constant 32 : index
        %get3A_665 = tpu.vector_load %arg8[%get3A_663, %get3A_664] {strides = array<i32>} : memref<512x128xf32, #tpu.memory_space<vmem>>, vector<1x16xf32>,
        %get3A_666 = vector.shape_cast %get3A_665 : vector<1x16xf32> to vector<16xf32>
        %add3A_667 = arith.addf %add3A_657, %get3A_666 : vector<16xf32>
        %mul3A_668 = arith.mulf %get3A_666, %get3A_666 : vector<16xf32>
        %add3A_669 = arith.addf %add3A_659, %mul3A_668 : vector<16xf32>
        %max3A_670 = arith.maximumf %max3A_660, %get3A_666 : vector<16xf32>
        %add3A_671 = arith.constant 14 : i32
        %add3A_672 = arith.addi %mul3A_198, %add3A_671 : i32
        %get3A_673 = arith.index_cast %add3A_672 : i32 to index
        %get3A_674 = arith.constant 32 : index
        %get3A_675 = tpu.vector_load %arg8[%get3A_673, %get3A_674] {strides = array<i32>} : memref<512x128xf32, #tpu.memory_space<vmem>>, vector<1x16xf32>,
        %get3A_676 = vector.shape_cast %get3A_675 : vector<1x16xf32> to vector<16xf32>
        %add3A_677 = arith.addf %add3A_667, %get3A_676 : vector<16xf32>
        %mul3A_678 = arith.mulf %get3A_676, %get3A_676 : vector<16xf32>
        %add3A_679 = arith.addf %add3A_669, %mul3A_678 : vector<16xf32>
        %max3A_680 = arith.maximumf %max3A_670, %get3A_676 : vector<16xf32>
        %add3A_681 = arith.constant 15 : i32
        %add3A_682 = arith.addi %mul3A_198, %add3A_681 : i32
        %get3A_683 = arith.index_cast %add3A_682 : i32 to index
        %get3A_684 = arith.constant 32 : index
        %get3A_685 = tpu.vector_load %arg8[%get3A_683, %get3A_684] {strides = array<i32>} : memref<512x128xf32, #tpu.memory_space<vmem>>, vector<1x16xf32>,
        %get3A_686 = vector.shape_cast %get3A_685 : vector<1x16xf32> to vector<16xf32>
        %add3A_687 = arith.addf %add3A_677, %get3A_686 : vector<16xf32>
        %mul3A_688 = arith.mulf %get3A_686, %get3A_686 : vector<16xf32>
        %add3A_689 = arith.addf %add3A_679, %mul3A_688 : vector<16xf32>
        %max3A_690 = arith.maximumf %max3A_680, %get3A_686 : vector<16xf32>
        %swap3A_691 = arith.index_cast %scan3A_196 : i32 to index
        %swap3A_692 = arith.constant 32 : index
        %swap3A_693 = tpu.vector_load %arg9[%swap3A_691, %swap3A_692] {strides = array<i32>} : memref<32x64xf32, #tpu.memory_space<vmem>>, vector<1x16xf32>,
        %swap3A_694 = vector.shape_cast %swap3A_693 : vector<1x16xf32> to vector<16xf32>
        %swap3A_695 = vector.shape_cast %add3A_687 : vector<16xf32> to vector<1x16xf32>
        tpu.vector_store %arg9[%swap3A_691, %swap3A_692], %swap3A_695 {strides = array<i32>} : memref<32x64xf32, #tpu.memory_space<vmem>>, vector<1x16xf32>,
        %swap3A_696 = arith.index_cast %scan3A_196 : i32 to index
        %swap3A_697 = arith.constant 32 : index
        %swap3A_698 = tpu.vector_load %arg10[%swap3A_696, %swap3A_697] {strides = array<i32>} : memref<32x64xf32, #tpu.memory_space<vmem>>, vector<1x16xf32>,
        %swap3A_699 = vector.shape_cast %swap3A_698 : vector<1x16xf32> to vector<16xf32>
        %swap3A_700 = vector.shape_cast %add3A_689 : vector<16xf32> to vector<1x16xf32>
        tpu.vector_store %arg10[%swap3A_696, %swap3A_697], %swap3A_700 {strides = array<i32>} : memref<32x64xf32, #tpu.memory_space<vmem>>, vector<1x16xf32>,
        %swap3A_701 = arith.index_cast %scan3A_196 : i32 to index
        %swap3A_702 = arith.constant 32 : index
        %swap3A_703 = tpu.vector_load %arg11[%swap3A_701, %swap3A_702] {strides = array<i32>} : memref<32x64xf32, #tpu.memory_space<vmem>>, vector<1x16xf32>,
        %swap3A_704 = vector.shape_cast %swap3A_703 : vector<1x16xf32> to vector<16xf32>
        %swap3A_705 = vector.shape_cast %max3A_690 : vector<16xf32> to vector<1x16xf32>
        tpu.vector_store %arg11[%swap3A_701, %swap3A_702], %swap3A_705 {strides = array<i32>} : memref<32x64xf32, #tpu.memory_space<vmem>>, vector<1x16xf32>,
        %get3A_706 = arith.index_cast %mul3A_198 : i32 to index
        %get3A_707 = arith.constant 48 : index
        %get3A_708 = tpu.vector_load %arg8[%get3A_706, %get3A_707] {strides = array<i32>} : memref<512x128xf32, #tpu.memory_space<vmem>>, vector<1x16xf32>,
        %get3A_709 = vector.shape_cast %get3A_708 : vector<1x16xf32> to vector<16xf32>
        %mul3A_710 = arith.mulf %get3A_709, %get3A_709 : vector<16xf32>
        %add3A_711 = arith.constant 1 : i32
        %add3A_712 = arith.addi %mul3A_198, %add3A_711 : i32
        %get3A_713 = arith.index_cast %add3A_712 : i32 to index
        %get3A_714 = arith.constant 48 : index
        %get3A_715 = tpu.vector_load %arg8[%get3A_713, %get3A_714] {strides = array<i32>} : memref<512x128xf32, #tpu.memory_space<vmem>>, vector<1x16xf32>,
        %get3A_716 = vector.shape_cast %get3A_715 : vector<1x16xf32> to vector<16xf32>
        %add3A_717 = arith.addf %get3A_709, %get3A_716 : vector<16xf32>
        %mul3A_718 = arith.mulf %get3A_716, %get3A_716 : vector<16xf32>
        %add3A_719 = arith.addf %mul3A_710, %mul3A_718 : vector<16xf32>
        %max3A_720 = arith.maximumf %get3A_709, %get3A_716 : vector<16xf32>
        %add3A_721 = arith.constant 2 : i32
        %add3A_722 = arith.addi %mul3A_198, %add3A_721 : i32
        %get3A_723 = arith.index_cast %add3A_722 : i32 to index
        %get3A_724 = arith.constant 48 : index
        %get3A_725 = tpu.vector_load %arg8[%get3A_723, %get3A_724] {strides = array<i32>} : memref<512x128xf32, #tpu.memory_space<vmem>>, vector<1x16xf32>,
        %get3A_726 = vector.shape_cast %get3A_725 : vector<1x16xf32> to vector<16xf32>
        %add3A_727 = arith.addf %add3A_717, %get3A_726 : vector<16xf32>
        %mul3A_728 = arith.mulf %get3A_726, %get3A_726 : vector<16xf32>
        %add3A_729 = arith.addf %add3A_719, %mul3A_728 : vector<16xf32>
        %max3A_730 = arith.maximumf %max3A_720, %get3A_726 : vector<16xf32>
        %add3A_731 = arith.constant 3 : i32
        %add3A_732 = arith.addi %mul3A_198, %add3A_731 : i32
        %get3A_733 = arith.index_cast %add3A_732 : i32 to index
        %get3A_734 = arith.constant 48 : index
        %get3A_735 = tpu.vector_load %arg8[%get3A_733, %get3A_734] {strides = array<i32>} : memref<512x128xf32, #tpu.memory_space<vmem>>, vector<1x16xf32>,
        %get3A_736 = vector.shape_cast %get3A_735 : vector<1x16xf32> to vector<16xf32>
        %add3A_737 = arith.addf %add3A_727, %get3A_736 : vector<16xf32>
        %mul3A_738 = arith.mulf %get3A_736, %get3A_736 : vector<16xf32>
        %add3A_739 = arith.addf %add3A_729, %mul3A_738 : vector<16xf32>
        %max3A_740 = arith.maximumf %max3A_730, %get3A_736 : vector<16xf32>
        %add3A_741 = arith.constant 4 : i32
        %add3A_742 = arith.addi %mul3A_198, %add3A_741 : i32
        %get3A_743 = arith.index_cast %add3A_742 : i32 to index
        %get3A_744 = arith.constant 48 : index
        %get3A_745 = tpu.vector_load %arg8[%get3A_743, %get3A_744] {strides = array<i32>} : memref<512x128xf32, #tpu.memory_space<vmem>>, vector<1x16xf32>,
        %get3A_746 = vector.shape_cast %get3A_745 : vector<1x16xf32> to vector<16xf32>
        %add3A_747 = arith.addf %add3A_737, %get3A_746 : vector<16xf32>
        %mul3A_748 = arith.mulf %get3A_746, %get3A_746 : vector<16xf32>
        %add3A_749 = arith.addf %add3A_739, %mul3A_748 : vector<16xf32>
        %max3A_750 = arith.maximumf %max3A_740, %get3A_746 : vector<16xf32>
        %add3A_751 = arith.constant 5 : i32
        %add3A_752 = arith.addi %mul3A_198, %add3A_751 : i32
        %get3A_753 = arith.index_cast %add3A_752 : i32 to index
        %get3A_754 = arith.constant 48 : index
        %get3A_755 = tpu.vector_load %arg8[%get3A_753, %get3A_754] {strides = array<i32>} : memref<512x128xf32, #tpu.memory_space<vmem>>, vector<1x16xf32>,
        %get3A_756 = vector.shape_cast %get3A_755 : vector<1x16xf32> to vector<16xf32>
        %add3A_757 = arith.addf %add3A_747, %get3A_756 : vector<16xf32>
        %mul3A_758 = arith.mulf %get3A_756, %get3A_756 : vector<16xf32>
        %add3A_759 = arith.addf %add3A_749, %mul3A_758 : vector<16xf32>
        %max3A_760 = arith.maximumf %max3A_750, %get3A_756 : vector<16xf32>
        %add3A_761 = arith.constant 6 : i32
        %add3A_762 = arith.addi %mul3A_198, %add3A_761 : i32
        %get3A_763 = arith.index_cast %add3A_762 : i32 to index
        %get3A_764 = arith.constant 48 : index
        %get3A_765 = tpu.vector_load %arg8[%get3A_763, %get3A_764] {strides = array<i32>} : memref<512x128xf32, #tpu.memory_space<vmem>>, vector<1x16xf32>,
        %get3A_766 = vector.shape_cast %get3A_765 : vector<1x16xf32> to vector<16xf32>
        %add3A_767 = arith.addf %add3A_757, %get3A_766 : vector<16xf32>
        %mul3A_768 = arith.mulf %get3A_766, %get3A_766 : vector<16xf32>
        %add3A_769 = arith.addf %add3A_759, %mul3A_768 : vector<16xf32>
        %max3A_770 = arith.maximumf %max3A_760, %get3A_766 : vector<16xf32>
        %add3A_771 = arith.constant 7 : i32
        %add3A_772 = arith.addi %mul3A_198, %add3A_771 : i32
        %get3A_773 = arith.index_cast %add3A_772 : i32 to index
        %get3A_774 = arith.constant 48 : index
        %get3A_775 = tpu.vector_load %arg8[%get3A_773, %get3A_774] {strides = array<i32>} : memref<512x128xf32, #tpu.memory_space<vmem>>, vector<1x16xf32>,
        %get3A_776 = vector.shape_cast %get3A_775 : vector<1x16xf32> to vector<16xf32>
        %add3A_777 = arith.addf %add3A_767, %get3A_776 : vector<16xf32>
        %mul3A_778 = arith.mulf %get3A_776, %get3A_776 : vector<16xf32>
        %add3A_779 = arith.addf %add3A_769, %mul3A_778 : vector<16xf32>
        %max3A_780 = arith.maximumf %max3A_770, %get3A_776 : vector<16xf32>
        %add3A_781 = arith.constant 8 : i32
        %add3A_782 = arith.addi %mul3A_198, %add3A_781 : i32
        %get3A_783 = arith.index_cast %add3A_782 : i32 to index
        %get3A_784 = arith.constant 48 : index
        %get3A_785 = tpu.vector_load %arg8[%get3A_783, %get3A_784] {strides = array<i32>} : memref<512x128xf32, #tpu.memory_space<vmem>>, vector<1x16xf32>,
        %get3A_786 = vector.shape_cast %get3A_785 : vector<1x16xf32> to vector<16xf32>
        %add3A_787 = arith.addf %add3A_777, %get3A_786 : vector<16xf32>
        %mul3A_788 = arith.mulf %get3A_786, %get3A_786 : vector<16xf32>
        %add3A_789 = arith.addf %add3A_779, %mul3A_788 : vector<16xf32>
        %max3A_790 = arith.maximumf %max3A_780, %get3A_786 : vector<16xf32>
        %add3A_791 = arith.constant 9 : i32
        %add3A_792 = arith.addi %mul3A_198, %add3A_791 : i32
        %get3A_793 = arith.index_cast %add3A_792 : i32 to index
        %get3A_794 = arith.constant 48 : index
        %get3A_795 = tpu.vector_load %arg8[%get3A_793, %get3A_794] {strides = array<i32>} : memref<512x128xf32, #tpu.memory_space<vmem>>, vector<1x16xf32>,
        %get3A_796 = vector.shape_cast %get3A_795 : vector<1x16xf32> to vector<16xf32>
        %add3A_797 = arith.addf %add3A_787, %get3A_796 : vector<16xf32>
        %mul3A_798 = arith.mulf %get3A_796, %get3A_796 : vector<16xf32>
        %add3A_799 = arith.addf %add3A_789, %mul3A_798 : vector<16xf32>
        %max3A_800 = arith.maximumf %max3A_790, %get3A_796 : vector<16xf32>
        %add3A_801 = arith.constant 10 : i32
        %add3A_802 = arith.addi %mul3A_198, %add3A_801 : i32
        %get3A_803 = arith.index_cast %add3A_802 : i32 to index
        %get3A_804 = arith.constant 48 : index
        %get3A_805 = tpu.vector_load %arg8[%get3A_803, %get3A_804] {strides = array<i32>} : memref<512x128xf32, #tpu.memory_space<vmem>>, vector<1x16xf32>,
        %get3A_806 = vector.shape_cast %get3A_805 : vector<1x16xf32> to vector<16xf32>
        %add3A_807 = arith.addf %add3A_797, %get3A_806 : vector<16xf32>
        %mul3A_808 = arith.mulf %get3A_806, %get3A_806 : vector<16xf32>
        %add3A_809 = arith.addf %add3A_799, %mul3A_808 : vector<16xf32>
        %max3A_810 = arith.maximumf %max3A_800, %get3A_806 : vector<16xf32>
        %add3A_811 = arith.constant 11 : i32
        %add3A_812 = arith.addi %mul3A_198, %add3A_811 : i32
        %get3A_813 = arith.index_cast %add3A_812 : i32 to index
        %get3A_814 = arith.constant 48 : index
        %get3A_815 = tpu.vector_load %arg8[%get3A_813, %get3A_814] {strides = array<i32>} : memref<512x128xf32, #tpu.memory_space<vmem>>, vector<1x16xf32>,
        %get3A_816 = vector.shape_cast %get3A_815 : vector<1x16xf32> to vector<16xf32>
        %add3A_817 = arith.addf %add3A_807, %get3A_816 : vector<16xf32>
        %mul3A_818 = arith.mulf %get3A_816, %get3A_816 : vector<16xf32>
        %add3A_819 = arith.addf %add3A_809, %mul3A_818 : vector<16xf32>
        %max3A_820 = arith.maximumf %max3A_810, %get3A_816 : vector<16xf32>
        %add3A_821 = arith.constant 12 : i32
        %add3A_822 = arith.addi %mul3A_198, %add3A_821 : i32
        %get3A_823 = arith.index_cast %add3A_822 : i32 to index
        %get3A_824 = arith.constant 48 : index
        %get3A_825 = tpu.vector_load %arg8[%get3A_823, %get3A_824] {strides = array<i32>} : memref<512x128xf32, #tpu.memory_space<vmem>>, vector<1x16xf32>,
        %get3A_826 = vector.shape_cast %get3A_825 : vector<1x16xf32> to vector<16xf32>
        %add3A_827 = arith.addf %add3A_817, %get3A_826 : vector<16xf32>
        %mul3A_828 = arith.mulf %get3A_826, %get3A_826 : vector<16xf32>
        %add3A_829 = arith.addf %add3A_819, %mul3A_828 : vector<16xf32>
        %max3A_830 = arith.maximumf %max3A_820, %get3A_826 : vector<16xf32>
        %add3A_831 = arith.constant 13 : i32
        %add3A_832 = arith.addi %mul3A_198, %add3A_831 : i32
        %get3A_833 = arith.index_cast %add3A_832 : i32 to index
        %get3A_834 = arith.constant 48 : index
        %get3A_835 = tpu.vector_load %arg8[%get3A_833, %get3A_834] {strides = array<i32>} : memref<512x128xf32, #tpu.memory_space<vmem>>, vector<1x16xf32>,
        %get3A_836 = vector.shape_cast %get3A_835 : vector<1x16xf32> to vector<16xf32>
        %add3A_837 = arith.addf %add3A_827, %get3A_836 : vector<16xf32>
        %mul3A_838 = arith.mulf %get3A_836, %get3A_836 : vector<16xf32>
        %add3A_839 = arith.addf %add3A_829, %mul3A_838 : vector<16xf32>
        %max3A_840 = arith.maximumf %max3A_830, %get3A_836 : vector<16xf32>
        %add3A_841 = arith.constant 14 : i32
        %add3A_842 = arith.addi %mul3A_198, %add3A_841 : i32
        %get3A_843 = arith.index_cast %add3A_842 : i32 to index
        %get3A_844 = arith.constant 48 : index
        %get3A_845 = tpu.vector_load %arg8[%get3A_843, %get3A_844] {strides = array<i32>} : memref<512x128xf32, #tpu.memory_space<vmem>>, vector<1x16xf32>,
        %get3A_846 = vector.shape_cast %get3A_845 : vector<1x16xf32> to vector<16xf32>
        %add3A_847 = arith.addf %add3A_837, %get3A_846 : vector<16xf32>
        %mul3A_848 = arith.mulf %get3A_846, %get3A_846 : vector<16xf32>
        %add3A_849 = arith.addf %add3A_839, %mul3A_848 : vector<16xf32>
        %max3A_850 = arith.maximumf %max3A_840, %get3A_846 : vector<16xf32>
        %add3A_851 = arith.constant 15 : i32
        %add3A_852 = arith.addi %mul3A_198, %add3A_851 : i32
        %get3A_853 = arith.index_cast %add3A_852 : i32 to index
        %get3A_854 = arith.constant 48 : index
        %get3A_855 = tpu.vector_load %arg8[%get3A_853, %get3A_854] {strides = array<i32>} : memref<512x128xf32, #tpu.memory_space<vmem>>, vector<1x16xf32>,
        %get3A_856 = vector.shape_cast %get3A_855 : vector<1x16xf32> to vector<16xf32>
        %add3A_857 = arith.addf %add3A_847, %get3A_856 : vector<16xf32>
        %mul3A_858 = arith.mulf %get3A_856, %get3A_856 : vector<16xf32>
        %add3A_859 = arith.addf %add3A_849, %mul3A_858 : vector<16xf32>
        %max3A_860 = arith.maximumf %max3A_850, %get3A_856 : vector<16xf32>
        %swap3A_861 = arith.index_cast %scan3A_196 : i32 to index
        %swap3A_862 = arith.constant 48 : index
        %swap3A_863 = tpu.vector_load %arg9[%swap3A_861, %swap3A_862] {strides = array<i32>} : memref<32x64xf32, #tpu.memory_space<vmem>>, vector<1x16xf32>,
        %swap3A_864 = vector.shape_cast %swap3A_863 : vector<1x16xf32> to vector<16xf32>
        %swap3A_865 = vector.shape_cast %add3A_857 : vector<16xf32> to vector<1x16xf32>
        tpu.vector_store %arg9[%swap3A_861, %swap3A_862], %swap3A_865 {strides = array<i32>} : memref<32x64xf32, #tpu.memory_space<vmem>>, vector<1x16xf32>,
        %swap3A_866 = arith.index_cast %scan3A_196 : i32 to index
        %swap3A_867 = arith.constant 48 : index
        %swap3A_868 = tpu.vector_load %arg10[%swap3A_866, %swap3A_867] {strides = array<i32>} : memref<32x64xf32, #tpu.memory_space<vmem>>, vector<1x16xf32>,
        %swap3A_869 = vector.shape_cast %swap3A_868 : vector<1x16xf32> to vector<16xf32>
        %swap3A_870 = vector.shape_cast %add3A_859 : vector<16xf32> to vector<1x16xf32>
        tpu.vector_store %arg10[%swap3A_866, %swap3A_867], %swap3A_870 {strides = array<i32>} : memref<32x64xf32, #tpu.memory_space<vmem>>, vector<1x16xf32>,
        %swap3A_871 = arith.index_cast %scan3A_196 : i32 to index
        %swap3A_872 = arith.constant 48 : index
        %swap3A_873 = tpu.vector_load %arg11[%swap3A_871, %swap3A_872] {strides = array<i32>} : memref<32x64xf32, #tpu.memory_space<vmem>>, vector<1x16xf32>,
        %swap3A_874 = vector.shape_cast %swap3A_873 : vector<1x16xf32> to vector<16xf32>
        %swap3A_875 = vector.shape_cast %max3A_860 : vector<16xf32> to vector<1x16xf32>
        tpu.vector_store %arg11[%swap3A_871, %swap3A_872], %swap3A_875 {strides = array<i32>} : memref<32x64xf32, #tpu.memory_space<vmem>>, vector<1x16xf32>,
      }
      %scan3A_188 = arith.constant 32 : i32
      %mul3A_189 = arith.constant 320 : i32
      %mul3A_190 = arith.muli %add3A, %mul3A_189 : i32
      %mul3A_191 = arith.constant 64 : i32
      %mul3A_192 = arith.muli %scan3A_6, %mul3A_191 : i32
      %add3A_193 = arith.addi %mul3A_190, %mul3A_192 : i32
      %add3A_194 = arith.constant 32 : i32
      %add3A_195 = arith.addi %add3A_193, %add3A_194 : i32
      "tpu.region"() ({
        %run_scoped3A = tpu.sem_alloc : memref<!tpu.dma_semaphore, #tpu.memory_space<semaphore_mem>>
        %dma_start3A_196 = arith.constant 0 : i32
        %dma_start3A_197 = tpu.memref_slice %arg4[%add3A_195, %dma_start3A_196] : memref<10240x64xf32, #tpu.memory_space<hbm>> -> memref<32x64xf32, #tpu.memory_space<hbm>>
        %dma_start3A_198 = arith.constant 0 : i32
        %dma_start3A_199 = tpu.memref_slice %arg4[%add3A_195, %dma_start3A_198] : memref<10240x64xf32, #tpu.memory_space<hbm>> -> memref<32x64xf32, #tpu.memory_space<hbm>>
        tpu.enqueue_dma source(%arg9 : memref<32x64xf32, #tpu.memory_space<vmem>>) target(%dma_start3A_199 : memref<32x64xf32, #tpu.memory_space<hbm>>) target_semaphore(%run_scoped3A : memref<!tpu.dma_semaphore, #tpu.memory_space<semaphore_mem>>)
        %dma_wait3A_200 = arith.constant 0 : i32
        %dma_wait3A_201 = tpu.memref_slice %arg4[%add3A_195, %dma_wait3A_200] : memref<10240x64xf32, #tpu.memory_space<hbm>> -> memref<32x64xf32, #tpu.memory_space<hbm>>
        %dma_wait3A_202 = arith.constant 0 : i32
        %dma_wait3A_203 = tpu.memref_slice %arg4[%add3A_195, %dma_wait3A_202] : memref<10240x64xf32, #tpu.memory_space<hbm>> -> memref<32x64xf32, #tpu.memory_space<hbm>>
        tpu.wait_dma2 semaphore(%run_scoped3A : memref<!tpu.dma_semaphore, #tpu.memory_space<semaphore_mem>>) src(%arg9 : memref<32x64xf32, #tpu.memory_space<vmem>>) dst(%dma_wait3A_203 : memref<32x64xf32, #tpu.memory_space<hbm>>)
        tpu.yield
      }) : () -> ()
      "tpu.region"() ({
        %run_scoped3A = tpu.sem_alloc : memref<!tpu.dma_semaphore, #tpu.memory_space<semaphore_mem>>
        %dma_start3A_196 = arith.constant 0 : i32
        %dma_start3A_197 = tpu.memref_slice %arg5[%add3A_195, %dma_start3A_196] : memref<10240x64xf32, #tpu.memory_space<hbm>> -> memref<32x64xf32, #tpu.memory_space<hbm>>
        %dma_start3A_198 = arith.constant 0 : i32
        %dma_start3A_199 = tpu.memref_slice %arg5[%add3A_195, %dma_start3A_198] : memref<10240x64xf32, #tpu.memory_space<hbm>> -> memref<32x64xf32, #tpu.memory_space<hbm>>
        tpu.enqueue_dma source(%arg10 : memref<32x64xf32, #tpu.memory_space<vmem>>) target(%dma_start3A_199 : memref<32x64xf32, #tpu.memory_space<hbm>>) target_semaphore(%run_scoped3A : memref<!tpu.dma_semaphore, #tpu.memory_space<semaphore_mem>>)
        %dma_wait3A_200 = arith.constant 0 : i32
        %dma_wait3A_201 = tpu.memref_slice %arg5[%add3A_195, %dma_wait3A_200] : memref<10240x64xf32, #tpu.memory_space<hbm>> -> memref<32x64xf32, #tpu.memory_space<hbm>>
        %dma_wait3A_202 = arith.constant 0 : i32
        %dma_wait3A_203 = tpu.memref_slice %arg5[%add3A_195, %dma_wait3A_202] : memref<10240x64xf32, #tpu.memory_space<hbm>> -> memref<32x64xf32, #tpu.memory_space<hbm>>
        tpu.wait_dma2 semaphore(%run_scoped3A : memref<!tpu.dma_semaphore, #tpu.memory_space<semaphore_mem>>) src(%arg10 : memref<32x64xf32, #tpu.memory_space<vmem>>) dst(%dma_wait3A_203 : memref<32x64xf32, #tpu.memory_space<hbm>>)
        tpu.yield
      }) : () -> ()
      "tpu.region"() ({
        %run_scoped3A = tpu.sem_alloc : memref<!tpu.dma_semaphore, #tpu.memory_space<semaphore_mem>>
        %dma_start3A_196 = arith.constant 0 : i32
        %dma_start3A_197 = tpu.memref_slice %arg6[%add3A_195, %dma_start3A_196] : memref<10240x64xf32, #tpu.memory_space<hbm>> -> memref<32x64xf32, #tpu.memory_space<hbm>>
        %dma_start3A_198 = arith.constant 0 : i32
        %dma_start3A_199 = tpu.memref_slice %arg6[%add3A_195, %dma_start3A_198] : memref<10240x64xf32, #tpu.memory_space<hbm>> -> memref<32x64xf32, #tpu.memory_space<hbm>>
        tpu.enqueue_dma source(%arg11 : memref<32x64xf32, #tpu.memory_space<vmem>>) target(%dma_start3A_199 : memref<32x64xf32, #tpu.memory_space<hbm>>) target_semaphore(%run_scoped3A : memref<!tpu.dma_semaphore, #tpu.memory_space<semaphore_mem>>)
        %dma_wait3A_200 = arith.constant 0 : i32
        %dma_wait3A_201 = tpu.memref_slice %arg6[%add3A_195, %dma_wait3A_200] : memref<10240x64xf32, #tpu.memory_space<hbm>> -> memref<32x64xf32, #tpu.memory_space<hbm>>
        %dma_wait3A_202 = arith.constant 0 : i32
        %dma_wait3A_203 = tpu.memref_slice %arg6[%add3A_195, %dma_wait3A_202] : memref<10240x64xf32, #tpu.memory_space<hbm>> -> memref<32x64xf32, #tpu.memory_space<hbm>>
        tpu.wait_dma2 semaphore(%run_scoped3A : memref<!tpu.dma_semaphore, #tpu.memory_space<semaphore_mem>>) src(%arg11 : memref<32x64xf32, #tpu.memory_space<vmem>>) dst(%dma_wait3A_203 : memref<32x64xf32, #tpu.memory_space<hbm>>)
        tpu.yield
      }) : () -> ()
    }
    %scan3A_5 = arith.constant 5 : i32
    return
  }
}

module attributes {stable_mosaic.version = 14 : i64} {
  func.func @_topk_body(%arg0: i32, %arg1: memref<64x10240xf32, #tpu.memory_space<vmem>>, %arg2: memref<512x64xf32, #tpu.memory_space<vmem>>, %arg3: memref<64x64xf32, #tpu.memory_space<vmem>>, %arg4: memref<64x64xf32, #tpu.memory_space<vmem>>, %arg5: memref<512x16xi32, #tpu.memory_space<vmem>>, %arg6: memref<512x64xf32, #tpu.memory_space<vmem>>, %arg7: memref<512x64xf32, #tpu.memory_space<vmem>>, %arg8: memref<1x10240xf32, #tpu.memory_space<vmem>>) attributes {dimension_semantics = [#tpu.dimension_semantics<arbitrary>], iteration_bounds = array<i64: 20>, scalar_prefetch = 0 : i64, scratch_operands = 1 : i64, tpu.core_type = #tpu.core_type<tc>, window_params = [{pipeline_mode = #tpu.pipeline_mode<synchronous>, transform_indices = @transform_0, window_bounds = array<i64: 64, 10240>}, {transform_indices = @transform_1, window_bounds = array<i64: 512, 64>}, {pipeline_mode = #tpu.pipeline_mode<synchronous>, transform_indices = @transform_2, window_bounds = array<i64: 64, 64>}, {pipeline_mode = #tpu.pipeline_mode<synchronous>, transform_indices = @transform_3, window_bounds = array<i64: 64, 64>}, {transform_indices = @transform_4, window_bounds = array<i64: 512, 16>}, {transform_indices = @transform_5, window_bounds = array<i64: 512, 64>}, {transform_indices = @transform_6, window_bounds = array<i64: 512, 64>}]} {
    %eq3A = arith.constant 0 : i32
    %eq3A_0 = arith.cmpi eq, %arg0, %eq3A : i32
    %convert_element_type3A = arith.extui %eq3A_0 : i1 to i32
    %cond3A = arith.constant 0 : i32
    %cond3A_1 = arith.cmpi ne, %convert_element_type3A, %cond3A : i32
    scf.if %cond3A_1 {
      %get3A_44 = arith.constant 0 : index
      %get3A_45 = arith.constant 0 : index
      %get3A_46 = vector.load %arg1[%get3A_44, %get3A_45] : memref<64x10240xf32, #tpu.memory_space<vmem>>, vector<64x10240xf32>
      %mul3A_47 = arith.mulf %get3A_46, %get3A_46 : vector<64x10240xf32>
      %reduce_sum3A = arith.constant dense<0.000000e+00> : vector<10240xf32>
      %reduce_sum3A_48 = vector.multi_reduction <add>, %mul3A_47, %reduce_sum3A [0] : vector<64x10240xf32> to vector<10240xf32>
      %broadcast_in_dim3A_49 = vector.shape_cast %reduce_sum3A_48 : vector<10240xf32> to vector<1x10240xf32>
      %iota3A_50 = tpu.iota {dimensions = array<i32: 1>} : vector<1x10240xi32>
      %ge3A = arith.constant 10000 : i32
      %ge3A_51 = vector.broadcast %ge3A : i32 to vector<1x10240xi32>
      %ge3A_52 = arith.cmpi sge, %iota3A_50, %ge3A_51 : vector<1x10240xi32>
      %jit3A = arith.constant 0x7F800000 : f32
      %broadcast_in_dim3A_53 = vector.broadcast %jit3A : f32 to vector<1x10240xf32>
      %select_n3A = arith.select %ge3A_52, %broadcast_in_dim3A_53, %broadcast_in_dim3A_49 : vector<1x10240xi1>, vector<1x10240xf32>
      %swap3A_54 = arith.constant 0 : index
      %swap3A_55 = arith.constant 0 : index
      %swap3A_56 = vector.load %arg8[%swap3A_54, %swap3A_55] : memref<1x10240xf32, #tpu.memory_space<vmem>>, vector<1x10240xf32>
      tpu.vector_store %arg8[%swap3A_54, %swap3A_55], %select_n3A {strides = array<i32>} : memref<1x10240xf32, #tpu.memory_space<vmem>>, vector<1x10240xf32>,
    } else {
    }
    %get3A = arith.constant 0 : index
    %get3A_2 = arith.constant 0 : index
    %get3A_3 = vector.load %arg2[%get3A, %get3A_2] : memref<512x64xf32, #tpu.memory_space<vmem>>, vector<512x64xf32>
    %get3A_4 = arith.constant 0 : index
    %get3A_5 = arith.constant 0 : index
    %get3A_6 = vector.load %arg1[%get3A_4, %get3A_5] : memref<64x10240xf32, #tpu.memory_space<vmem>>, vector<64x10240xf32>
    %dot_general3A = arith.constant dense<0.000000e+00> : vector<512x10240xf32>
    %dot_general3A_7 = tpu.matmul %get3A_3, %get3A_6, %dot_general3A {dimension_numbers = #tpu.dot_dimension_numbers<[1], [0], [0], [1], [0, 0, 1, 1], [], []>, transpose_lhs_hint = false} : vector<512x64xf32>, vector<64x10240xf32>, vector<512x10240xf32> -> vector<512x10240xf32>
    %mul3A = arith.constant 2.000000e+00 : f32
    %mul3A_8 = vector.broadcast %mul3A : f32 to vector<512x10240xf32>
    %mul3A_9 = arith.mulf %mul3A_8, %dot_general3A_7 : vector<512x10240xf32>
    %get3A_10 = arith.constant 0 : index
    %get3A_11 = arith.constant 0 : index
    %get3A_12 = vector.load %arg8[%get3A_10, %get3A_11] : memref<1x10240xf32, #tpu.memory_space<vmem>>, vector<1x10240xf32>
    %sub3A = vector.broadcast %get3A_12 : vector<1x10240xf32> to vector<512x10240xf32>
    %sub3A_13 = arith.subf %mul3A_9, %sub3A : vector<512x10240xf32>
    %iota3A = tpu.iota {dimensions = array<i32: 1>} : vector<512x10240xi32>
    %convert_element_type3A_14 = arith.sitofp %iota3A : vector<512x10240xi32> to vector<512x10240xf32>
    %iota3A_15 = tpu.iota {dimensions = array<i32: 1>} : vector<512x16xi32>
    %reduce_max3A = arith.constant dense<0xFF800000> : vector<512xf32>
    %reduce_max3A_16 = vector.multi_reduction <maximumf>, %sub3A_13, %reduce_max3A [1] : vector<512x10240xf32> to vector<512xf32>
    %broadcast_in_dim3A = vector.shape_cast %reduce_max3A_16 : vector<512xf32> to vector<512x1xf32>
    %broadcast_in_dim3A_17 = arith.constant 0 : i32
    %broadcast_in_dim3A_18 = vector.broadcast %broadcast_in_dim3A_17 : i32 to vector<512x16xi32>
    %scan3A = arith.constant 1.024000e+04 : f32
    %scan3A_19 = arith.constant 0xFF800000 : f32
    %scan3A_20 = arith.constant 0 : i32
    %scan3A_21 = arith.constant 16 : i32
    %scan3A_22 = arith.addi %scan3A_20, %scan3A_21 : i32
    %scan3A_23 = arith.constant 4 : i32
    %scan3A_24:2 = scf.for %scan3A_44 = %scan3A_20 to %scan3A_22 step %scan3A_23 iter_args(%scan3A_45 = %broadcast_in_dim3A, %scan3A_46 = %broadcast_in_dim3A_18) -> (vector<512x1xf32>, vector<512x16xi32>)  : i32 {
      %eq3A_47 = vector.broadcast %scan3A_45 : vector<512x1xf32> to vector<512x10240xf32>
      %eq3A_48 = arith.cmpf oeq, %sub3A_13, %eq3A_47 : vector<512x10240xf32>
      %broadcast_in_dim3A_49 = vector.broadcast %scan3A : f32 to vector<512x10240xf32>
      %select_n3A = arith.select %eq3A_48, %convert_element_type3A_14, %broadcast_in_dim3A_49 : vector<512x10240xi1>, vector<512x10240xf32>
      %reduce_min3A = arith.constant dense<0x7F800000> : vector<512xf32>
      %reduce_min3A_50 = vector.multi_reduction <minimumf>, %select_n3A, %reduce_min3A [1] : vector<512x10240xf32> to vector<512xf32>
      %broadcast_in_dim3A_51 = vector.shape_cast %reduce_min3A_50 : vector<512xf32> to vector<512x1xf32>
      %convert_element_type3A_52 = arith.fptosi %broadcast_in_dim3A_51 : vector<512x1xf32> to vector<512x1xi32>
      %eq3A_53 = vector.broadcast %scan3A_44 : i32 to vector<512x16xi32>
      %eq3A_54 = arith.cmpi eq, %iota3A_15, %eq3A_53 : vector<512x16xi32>
      %broadcast_in_dim3A_55 = vector.shape_cast %convert_element_type3A_52 : vector<512x1xi32> to vector<512x1xi32>
      %broadcast_in_dim3A_56 = vector.broadcast %broadcast_in_dim3A_55 : vector<512x1xi32> to vector<512x16xi32>
      %select_n3A_57 = arith.select %eq3A_54, %broadcast_in_dim3A_56, %scan3A_46 : vector<512x16xi1>, vector<512x16xi32>
      %lt3A = vector.broadcast %scan3A_45 : vector<512x1xf32> to vector<512x10240xf32>
      %lt3A_58 = arith.cmpf olt, %sub3A_13, %lt3A : vector<512x10240xf32>
      %broadcast_in_dim3A_59 = vector.broadcast %scan3A_19 : f32 to vector<512x10240xf32>
      %select_n3A_60 = arith.select %lt3A_58, %sub3A_13, %broadcast_in_dim3A_59 : vector<512x10240xi1>, vector<512x10240xf32>
      %reduce_max3A_61 = arith.constant dense<0xFF800000> : vector<512xf32>
      %reduce_max3A_62 = vector.multi_reduction <maximumf>, %select_n3A_60, %reduce_max3A_61 [1] : vector<512x10240xf32> to vector<512xf32>
      %broadcast_in_dim3A_63 = vector.shape_cast %reduce_max3A_62 : vector<512xf32> to vector<512x1xf32>
      %scan3A_64 = arith.constant 1 : i32
      %scan3A_65 = arith.addi %scan3A_44, %scan3A_64 : i32
      %eq3A_66 = vector.broadcast %broadcast_in_dim3A_63 : vector<512x1xf32> to vector<512x10240xf32>
      %eq3A_67 = arith.cmpf oeq, %sub3A_13, %eq3A_66 : vector<512x10240xf32>
      %broadcast_in_dim3A_68 = vector.broadcast %scan3A : f32 to vector<512x10240xf32>
      %select_n3A_69 = arith.select %eq3A_67, %convert_element_type3A_14, %broadcast_in_dim3A_68 : vector<512x10240xi1>, vector<512x10240xf32>
      %reduce_min3A_70 = arith.constant dense<0x7F800000> : vector<512xf32>
      %reduce_min3A_71 = vector.multi_reduction <minimumf>, %select_n3A_69, %reduce_min3A_70 [1] : vector<512x10240xf32> to vector<512xf32>
      %broadcast_in_dim3A_72 = vector.shape_cast %reduce_min3A_71 : vector<512xf32> to vector<512x1xf32>
      %convert_element_type3A_73 = arith.fptosi %broadcast_in_dim3A_72 : vector<512x1xf32> to vector<512x1xi32>
      %eq3A_74 = vector.broadcast %scan3A_65 : i32 to vector<512x16xi32>
      %eq3A_75 = arith.cmpi eq, %iota3A_15, %eq3A_74 : vector<512x16xi32>
      %broadcast_in_dim3A_76 = vector.shape_cast %convert_element_type3A_73 : vector<512x1xi32> to vector<512x1xi32>
      %broadcast_in_dim3A_77 = vector.broadcast %broadcast_in_dim3A_76 : vector<512x1xi32> to vector<512x16xi32>
      %select_n3A_78 = arith.select %eq3A_75, %broadcast_in_dim3A_77, %select_n3A_57 : vector<512x16xi1>, vector<512x16xi32>
      %lt3A_79 = vector.broadcast %broadcast_in_dim3A_63 : vector<512x1xf32> to vector<512x10240xf32>
      %lt3A_80 = arith.cmpf olt, %sub3A_13, %lt3A_79 : vector<512x10240xf32>
      %broadcast_in_dim3A_81 = vector.broadcast %scan3A_19 : f32 to vector<512x10240xf32>
      %select_n3A_82 = arith.select %lt3A_80, %sub3A_13, %broadcast_in_dim3A_81 : vector<512x10240xi1>, vector<512x10240xf32>
      %reduce_max3A_83 = arith.constant dense<0xFF800000> : vector<512xf32>
      %reduce_max3A_84 = vector.multi_reduction <maximumf>, %select_n3A_82, %reduce_max3A_83 [1] : vector<512x10240xf32> to vector<512xf32>
      %broadcast_in_dim3A_85 = vector.shape_cast %reduce_max3A_84 : vector<512xf32> to vector<512x1xf32>
      %scan3A_86 = arith.constant 2 : i32
      %scan3A_87 = arith.addi %scan3A_44, %scan3A_86 : i32
      %eq3A_88 = vector.broadcast %broadcast_in_dim3A_85 : vector<512x1xf32> to vector<512x10240xf32>
      %eq3A_89 = arith.cmpf oeq, %sub3A_13, %eq3A_88 : vector<512x10240xf32>
      %broadcast_in_dim3A_90 = vector.broadcast %scan3A : f32 to vector<512x10240xf32>
      %select_n3A_91 = arith.select %eq3A_89, %convert_element_type3A_14, %broadcast_in_dim3A_90 : vector<512x10240xi1>, vector<512x10240xf32>
      %reduce_min3A_92 = arith.constant dense<0x7F800000> : vector<512xf32>
      %reduce_min3A_93 = vector.multi_reduction <minimumf>, %select_n3A_91, %reduce_min3A_92 [1] : vector<512x10240xf32> to vector<512xf32>
      %broadcast_in_dim3A_94 = vector.shape_cast %reduce_min3A_93 : vector<512xf32> to vector<512x1xf32>
      %convert_element_type3A_95 = arith.fptosi %broadcast_in_dim3A_94 : vector<512x1xf32> to vector<512x1xi32>
      %eq3A_96 = vector.broadcast %scan3A_87 : i32 to vector<512x16xi32>
      %eq3A_97 = arith.cmpi eq, %iota3A_15, %eq3A_96 : vector<512x16xi32>
      %broadcast_in_dim3A_98 = vector.shape_cast %convert_element_type3A_95 : vector<512x1xi32> to vector<512x1xi32>
      %broadcast_in_dim3A_99 = vector.broadcast %broadcast_in_dim3A_98 : vector<512x1xi32> to vector<512x16xi32>
      %select_n3A_100 = arith.select %eq3A_97, %broadcast_in_dim3A_99, %select_n3A_78 : vector<512x16xi1>, vector<512x16xi32>
      %lt3A_101 = vector.broadcast %broadcast_in_dim3A_85 : vector<512x1xf32> to vector<512x10240xf32>
      %lt3A_102 = arith.cmpf olt, %sub3A_13, %lt3A_101 : vector<512x10240xf32>
      %broadcast_in_dim3A_103 = vector.broadcast %scan3A_19 : f32 to vector<512x10240xf32>
      %select_n3A_104 = arith.select %lt3A_102, %sub3A_13, %broadcast_in_dim3A_103 : vector<512x10240xi1>, vector<512x10240xf32>
      %reduce_max3A_105 = arith.constant dense<0xFF800000> : vector<512xf32>
      %reduce_max3A_106 = vector.multi_reduction <maximumf>, %select_n3A_104, %reduce_max3A_105 [1] : vector<512x10240xf32> to vector<512xf32>
      %broadcast_in_dim3A_107 = vector.shape_cast %reduce_max3A_106 : vector<512xf32> to vector<512x1xf32>
      %scan3A_108 = arith.constant 3 : i32
      %scan3A_109 = arith.addi %scan3A_44, %scan3A_108 : i32
      %eq3A_110 = vector.broadcast %broadcast_in_dim3A_107 : vector<512x1xf32> to vector<512x10240xf32>
      %eq3A_111 = arith.cmpf oeq, %sub3A_13, %eq3A_110 : vector<512x10240xf32>
      %broadcast_in_dim3A_112 = vector.broadcast %scan3A : f32 to vector<512x10240xf32>
      %select_n3A_113 = arith.select %eq3A_111, %convert_element_type3A_14, %broadcast_in_dim3A_112 : vector<512x10240xi1>, vector<512x10240xf32>
      %reduce_min3A_114 = arith.constant dense<0x7F800000> : vector<512xf32>
      %reduce_min3A_115 = vector.multi_reduction <minimumf>, %select_n3A_113, %reduce_min3A_114 [1] : vector<512x10240xf32> to vector<512xf32>
      %broadcast_in_dim3A_116 = vector.shape_cast %reduce_min3A_115 : vector<512xf32> to vector<512x1xf32>
      %convert_element_type3A_117 = arith.fptosi %broadcast_in_dim3A_116 : vector<512x1xf32> to vector<512x1xi32>
      %eq3A_118 = vector.broadcast %scan3A_109 : i32 to vector<512x16xi32>
      %eq3A_119 = arith.cmpi eq, %iota3A_15, %eq3A_118 : vector<512x16xi32>
      %broadcast_in_dim3A_120 = vector.shape_cast %convert_element_type3A_117 : vector<512x1xi32> to vector<512x1xi32>
      %broadcast_in_dim3A_121 = vector.broadcast %broadcast_in_dim3A_120 : vector<512x1xi32> to vector<512x16xi32>
      %select_n3A_122 = arith.select %eq3A_119, %broadcast_in_dim3A_121, %select_n3A_100 : vector<512x16xi1>, vector<512x16xi32>
      %lt3A_123 = vector.broadcast %broadcast_in_dim3A_107 : vector<512x1xf32> to vector<512x10240xf32>
      %lt3A_124 = arith.cmpf olt, %sub3A_13, %lt3A_123 : vector<512x10240xf32>
      %broadcast_in_dim3A_125 = vector.broadcast %scan3A_19 : f32 to vector<512x10240xf32>
      %select_n3A_126 = arith.select %lt3A_124, %sub3A_13, %broadcast_in_dim3A_125 : vector<512x10240xi1>, vector<512x10240xf32>
      %reduce_max3A_127 = arith.constant dense<0xFF800000> : vector<512xf32>
      %reduce_max3A_128 = vector.multi_reduction <maximumf>, %select_n3A_126, %reduce_max3A_127 [1] : vector<512x10240xf32> to vector<512xf32>
      %broadcast_in_dim3A_129 = vector.shape_cast %reduce_max3A_128 : vector<512xf32> to vector<512x1xf32>
      scf.yield %broadcast_in_dim3A_129, %select_n3A_122 : vector<512x1xf32>, vector<512x16xi32>
    }
    %scan3A_25 = arith.constant 16 : i32
    %swap3A = arith.constant 0 : index
    %swap3A_26 = arith.constant 0 : index
    %swap3A_27 = vector.load %arg5[%swap3A, %swap3A_26] : memref<512x16xi32, #tpu.memory_space<vmem>>, vector<512x16xi32>
    tpu.vector_store %arg5[%swap3A, %swap3A_26], %scan3A_24#1 {strides = array<i32>} : memref<512x16xi32, #tpu.memory_space<vmem>>, vector<512x16xi32>,
    %get3A_28 = arith.constant 0 : index
    %get3A_29 = arith.constant 0 : index
    %get3A_30 = vector.load %arg3[%get3A_28, %get3A_29] : memref<64x64xf32, #tpu.memory_space<vmem>>, vector<64x64xf32>
    %dot_general3A_31 = arith.constant dense<0.000000e+00> : vector<512x64xf32>
    %dot_general3A_32 = tpu.matmul %get3A_3, %get3A_30, %dot_general3A_31 {dimension_numbers = #tpu.dot_dimension_numbers<[1], [0], [0], [1], [0, 0, 1, 1], [], []>, transpose_lhs_hint = false} : vector<512x64xf32>, vector<64x64xf32>, vector<512x64xf32> -> vector<512x64xf32>
    %swap3A_33 = arith.constant 0 : index
    %swap3A_34 = arith.constant 0 : index
    %swap3A_35 = vector.load %arg6[%swap3A_33, %swap3A_34] : memref<512x64xf32, #tpu.memory_space<vmem>>, vector<512x64xf32>
    tpu.vector_store %arg6[%swap3A_33, %swap3A_34], %dot_general3A_32 {strides = array<i32>} : memref<512x64xf32, #tpu.memory_space<vmem>>, vector<512x64xf32>,
    %get3A_36 = arith.constant 0 : index
    %get3A_37 = arith.constant 0 : index
    %get3A_38 = vector.load %arg4[%get3A_36, %get3A_37] : memref<64x64xf32, #tpu.memory_space<vmem>>, vector<64x64xf32>
    %dot_general3A_39 = arith.constant dense<0.000000e+00> : vector<512x64xf32>
    %dot_general3A_40 = tpu.matmul %get3A_3, %get3A_38, %dot_general3A_39 {dimension_numbers = #tpu.dot_dimension_numbers<[1], [0], [0], [1], [0, 0, 1, 1], [], []>, transpose_lhs_hint = false} : vector<512x64xf32>, vector<64x64xf32>, vector<512x64xf32> -> vector<512x64xf32>
    %swap3A_41 = arith.constant 0 : index
    %swap3A_42 = arith.constant 0 : index
    %swap3A_43 = vector.load %arg7[%swap3A_41, %swap3A_42] : memref<512x64xf32, #tpu.memory_space<vmem>>, vector<512x64xf32>
    tpu.vector_store %arg7[%swap3A_41, %swap3A_42], %dot_general3A_40 {strides = array<i32>} : memref<512x64xf32, #tpu.memory_space<vmem>>, vector<512x64xf32>,
    return
  }
  func.func @transform_0(%arg0: i32) -> (i32, i32) {
    %c0_i32 = arith.constant 0 : i32
    %c0_i32_0 = arith.constant 0 : i32
    %c0_i32_1 = arith.constant 0 : i32
    return %c0_i32, %c0_i32_0 : i32, i32
  }
  func.func @transform_1(%arg0: i32) -> (i32, i32) {
    %c0_i32 = arith.constant 0 : i32
    %c0_i32_0 = arith.constant 0 : i32
    return %arg0, %c0_i32 : i32, i32
  }
  func.func @transform_2(%arg0: i32) -> (i32, i32) {
    %c0_i32 = arith.constant 0 : i32
    %c0_i32_0 = arith.constant 0 : i32
    %c0_i32_1 = arith.constant 0 : i32
    return %c0_i32, %c0_i32_0 : i32, i32
  }
  func.func @transform_3(%arg0: i32) -> (i32, i32) {
    %c0_i32 = arith.constant 0 : i32
    %c0_i32_0 = arith.constant 0 : i32
    %c0_i32_1 = arith.constant 0 : i32
    return %c0_i32, %c0_i32_0 : i32, i32
  }
  func.func @transform_4(%arg0: i32) -> (i32, i32) {
    %c0_i32 = arith.constant 0 : i32
    %c0_i32_0 = arith.constant 0 : i32
    return %arg0, %c0_i32 : i32, i32
  }
  func.func @transform_5(%arg0: i32) -> (i32, i32) {
    %c0_i32 = arith.constant 0 : i32
    %c0_i32_0 = arith.constant 0 : i32
    return %arg0, %c0_i32 : i32, i32
  }
  func.func @transform_6(%arg0: i32) -> (i32, i32) {
    %c0_i32 = arith.constant 0 : i32
    %c0_i32_0 = arith.constant 0 : i32
    return %arg0, %c0_i32 : i32, i32
  }
}

module attributes {stable_mosaic.version = 14 : i64} {
  func.func @_c1_body(%arg0: i32, %arg1: memref<400x64xf32, #tpu.memory_space<vmem>>, %arg2: memref<400x64xf32, #tpu.memory_space<vmem>>, %arg3: memref<400x64xf32, #tpu.memory_space<vmem>>, %arg4: memref<8x64xf32, #tpu.memory_space<vmem>>) attributes {dimension_semantics = [#tpu.dimension_semantics<arbitrary>], iteration_bounds = array<i64: 25>, scalar_prefetch = 0 : i64, scratch_operands = 0 : i64, tpu.core_type = #tpu.core_type<tc>, window_params = [{transform_indices = @transform_0, window_bounds = array<i64: 400, 64>}, {transform_indices = @transform_1, window_bounds = array<i64: 400, 64>}, {transform_indices = @transform_2, window_bounds = array<i64: 400, 64>}, {pipeline_mode = #tpu.pipeline_mode<synchronous>, transform_indices = @transform_3, window_bounds = array<i64: 8, 64>}]} {
    %get3A = arith.constant 0 : index
    %get3A_0 = arith.constant 0 : index
    %get3A_1 = vector.load %arg1[%get3A, %get3A_0] : memref<400x64xf32, #tpu.memory_space<vmem>>, vector<400x64xf32>
    %get3A_2 = arith.constant 0 : index
    %get3A_3 = arith.constant 0 : index
    %get3A_4 = vector.load %arg2[%get3A_2, %get3A_3] : memref<400x64xf32, #tpu.memory_space<vmem>>, vector<400x64xf32>
    %get3A_5 = arith.constant 0 : index
    %get3A_6 = arith.constant 0 : index
    %get3A_7 = vector.load %arg3[%get3A_5, %get3A_6] : memref<400x64xf32, #tpu.memory_space<vmem>>, vector<400x64xf32>
    %reduce_sum3A = arith.constant dense<0.000000e+00> : vector<64xf32>
    %reduce_sum3A_8 = vector.multi_reduction <add>, %get3A_1, %reduce_sum3A [0] : vector<400x64xf32> to vector<64xf32>
    %broadcast_in_dim3A = vector.shape_cast %reduce_sum3A_8 : vector<64xf32> to vector<1x64xf32>
    %reduce_sum3A_9 = arith.constant dense<0.000000e+00> : vector<64xf32>
    %reduce_sum3A_10 = vector.multi_reduction <add>, %get3A_4, %reduce_sum3A_9 [0] : vector<400x64xf32> to vector<64xf32>
    %broadcast_in_dim3A_11 = vector.shape_cast %reduce_sum3A_10 : vector<64xf32> to vector<1x64xf32>
    %mul3A = arith.mulf %get3A_7, %get3A_1 : vector<400x64xf32>
    %reduce_sum3A_12 = arith.constant dense<0.000000e+00> : vector<64xf32>
    %reduce_sum3A_13 = vector.multi_reduction <add>, %mul3A, %reduce_sum3A_12 [0] : vector<400x64xf32> to vector<64xf32>
    %broadcast_in_dim3A_14 = vector.shape_cast %reduce_sum3A_13 : vector<64xf32> to vector<1x64xf32>
    %reduce_sum3A_15 = arith.constant dense<0.000000e+00> : vector<64xf32>
    %reduce_sum3A_16 = vector.multi_reduction <add>, %get3A_7, %reduce_sum3A_15 [0] : vector<400x64xf32> to vector<64xf32>
    %broadcast_in_dim3A_17 = vector.shape_cast %reduce_sum3A_16 : vector<64xf32> to vector<1x64xf32>
    %mul3A_18 = arith.mulf %get3A_7, %get3A_7 : vector<400x64xf32>
    %reduce_sum3A_19 = arith.constant dense<0.000000e+00> : vector<64xf32>
    %reduce_sum3A_20 = vector.multi_reduction <add>, %mul3A_18, %reduce_sum3A_19 [0] : vector<400x64xf32> to vector<64xf32>
    %broadcast_in_dim3A_21 = vector.shape_cast %reduce_sum3A_20 : vector<64xf32> to vector<1x64xf32>
    %broadcast_in_dim3A_22 = arith.constant 0.000000e+00 : f32
    %broadcast_in_dim3A_23 = vector.broadcast %broadcast_in_dim3A_22 : f32 to vector<3x64xf32>
    %concatenate3A = tpu.concatenate %broadcast_in_dim3A, %broadcast_in_dim3A_11, %broadcast_in_dim3A_14, %broadcast_in_dim3A_17, %broadcast_in_dim3A_21, %broadcast_in_dim3A_23 in 0 : vector<1x64xf32>, vector<1x64xf32>, vector<1x64xf32>, vector<1x64xf32>, vector<1x64xf32>, vector<3x64xf32> -> vector<8x64xf32>
    %eq3A = arith.constant 0 : i32
    %eq3A_24 = arith.cmpi eq, %arg0, %eq3A : i32
    %convert_element_type3A = arith.extui %eq3A_24 : i1 to i32
    %cond3A = arith.constant 0 : i32
    %cond3A_25 = arith.cmpi ne, %convert_element_type3A, %cond3A : i32
    scf.if %cond3A_25 {
      %swap3A = arith.constant 0 : index
      %swap3A_30 = arith.constant 0 : index
      %swap3A_31 = vector.load %arg4[%swap3A, %swap3A_30] : memref<8x64xf32, #tpu.memory_space<vmem>>, vector<8x64xf32>
      tpu.vector_store %arg4[%swap3A, %swap3A_30], %concatenate3A {strides = array<i32>} : memref<8x64xf32, #tpu.memory_space<vmem>>, vector<8x64xf32>,
    } else {
    }
    %gt3A = arith.constant 0 : i32
    %gt3A_26 = arith.cmpi sgt, %arg0, %gt3A : i32
    %convert_element_type3A_27 = arith.extui %gt3A_26 : i1 to i32
    %cond3A_28 = arith.constant 0 : i32
    %cond3A_29 = arith.cmpi ne, %convert_element_type3A_27, %cond3A_28 : i32
    scf.if %cond3A_29 {
      %get3A_30 = arith.constant 0 : index
      %get3A_31 = arith.constant 0 : index
      %get3A_32 = vector.load %arg4[%get3A_30, %get3A_31] : memref<8x64xf32, #tpu.memory_space<vmem>>, vector<8x64xf32>
      %add3A = arith.addf %get3A_32, %concatenate3A : vector<8x64xf32>
      %swap3A = arith.constant 0 : index
      %swap3A_33 = arith.constant 0 : index
      %swap3A_34 = vector.load %arg4[%swap3A, %swap3A_33] : memref<8x64xf32, #tpu.memory_space<vmem>>, vector<8x64xf32>
      tpu.vector_store %arg4[%swap3A, %swap3A_33], %add3A {strides = array<i32>} : memref<8x64xf32, #tpu.memory_space<vmem>>, vector<8x64xf32>,
    } else {
    }
    return
  }
  func.func @transform_0(%arg0: i32) -> (i32, i32) {
    %c0_i32 = arith.constant 0 : i32
    %c0_i32_0 = arith.constant 0 : i32
    return %arg0, %c0_i32 : i32, i32
  }
  func.func @transform_1(%arg0: i32) -> (i32, i32) {
    %c0_i32 = arith.constant 0 : i32
    %c0_i32_0 = arith.constant 0 : i32
    return %arg0, %c0_i32 : i32, i32
  }
  func.func @transform_2(%arg0: i32) -> (i32, i32) {
    %c0_i32 = arith.constant 0 : i32
    %c0_i32_0 = arith.constant 0 : i32
    return %arg0, %c0_i32 : i32, i32
  }
  func.func @transform_3(%arg0: i32) -> (i32, i32) {
    %c0_i32 = arith.constant 0 : i32
    %c0_i32_0 = arith.constant 0 : i32
    %c0_i32_1 = arith.constant 0 : i32
    return %c0_i32, %c0_i32_0 : i32, i32
  }
}

module attributes {stable_mosaic.version = 14 : i64} {
  func.func @_c2_body(%arg0: i32, %arg1: memref<512x64xf32, #tpu.memory_space<vmem>>, %arg2: memref<512x64xf32, #tpu.memory_space<vmem>>, %arg3: memref<8x64xf32, #tpu.memory_space<vmem>>, %arg4: memref<1x64xf32, #tpu.memory_space<vmem>>, %arg5: memref<1x64xf32, #tpu.memory_space<vmem>>, %arg6: memref<64x512xf32, #tpu.memory_space<vmem>>) attributes {dimension_semantics = [#tpu.dimension_semantics<arbitrary>], iteration_bounds = array<i64: 20>, scalar_prefetch = 0 : i64, scratch_operands = 0 : i64, tpu.core_type = #tpu.core_type<tc>, window_params = [{transform_indices = @transform_0, window_bounds = array<i64: 512, 64>}, {transform_indices = @transform_1, window_bounds = array<i64: 512, 64>}, {pipeline_mode = #tpu.pipeline_mode<synchronous>, transform_indices = @transform_2, window_bounds = array<i64: 8, 64>}, {pipeline_mode = #tpu.pipeline_mode<synchronous>, transform_indices = @transform_3, window_bounds = array<i64: 1, 64>}, {pipeline_mode = #tpu.pipeline_mode<synchronous>, transform_indices = @transform_4, window_bounds = array<i64: 1, 64>}, {transform_indices = @transform_5, window_bounds = array<i64: 64, 512>}]} {
    %get3A = arith.constant 0 : index
    %get3A_0 = arith.constant 0 : index
    %get3A_1 = vector.load %arg3[%get3A, %get3A_0] : memref<8x64xf32, #tpu.memory_space<vmem>>, vector<8x64xf32>
    %slice3A = vector.extract_strided_slice %get3A_1 {offsets = [0, 0], sizes = [1, 64], strides = [1, 1]} : vector<8x64xf32> to vector<1x64xf32>
    %slice3A_2 = vector.extract_strided_slice %get3A_1 {offsets = [3, 0], sizes = [1, 64], strides = [1, 1]} : vector<8x64xf32> to vector<1x64xf32>
    %mul3A = arith.constant 1.600000e+01 : f32
    %mul3A_3 = vector.broadcast %mul3A : f32 to vector<1x64xf32>
    %mul3A_4 = arith.mulf %mul3A_3, %slice3A_2 : vector<1x64xf32>
    %add3A = arith.addf %slice3A, %mul3A_4 : vector<1x64xf32>
    %div3A = arith.constant 1.600000e+05 : f32
    %div3A_5 = vector.broadcast %div3A : f32 to vector<1x64xf32>
    %div3A_6 = arith.divf %add3A, %div3A_5 : vector<1x64xf32>
    %slice3A_7 = vector.extract_strided_slice %get3A_1 {offsets = [1, 0], sizes = [1, 64], strides = [1, 1]} : vector<8x64xf32> to vector<1x64xf32>
    %slice3A_8 = vector.extract_strided_slice %get3A_1 {offsets = [2, 0], sizes = [1, 64], strides = [1, 1]} : vector<8x64xf32> to vector<1x64xf32>
    %mul3A_9 = arith.constant 2.000000e+00 : f32
    %mul3A_10 = vector.broadcast %mul3A_9 : f32 to vector<1x64xf32>
    %mul3A_11 = arith.mulf %mul3A_10, %slice3A_8 : vector<1x64xf32>
    %add3A_12 = arith.addf %slice3A_7, %mul3A_11 : vector<1x64xf32>
    %slice3A_13 = vector.extract_strided_slice %get3A_1 {offsets = [4, 0], sizes = [1, 64], strides = [1, 1]} : vector<8x64xf32> to vector<1x64xf32>
    %mul3A_14 = arith.constant 1.600000e+01 : f32
    %mul3A_15 = vector.broadcast %mul3A_14 : f32 to vector<1x64xf32>
    %mul3A_16 = arith.mulf %mul3A_15, %slice3A_13 : vector<1x64xf32>
    %add3A_17 = arith.addf %add3A_12, %mul3A_16 : vector<1x64xf32>
    %div3A_18 = arith.constant 1.600000e+05 : f32
    %div3A_19 = vector.broadcast %div3A_18 : f32 to vector<1x64xf32>
    %div3A_20 = arith.divf %add3A_17, %div3A_19 : vector<1x64xf32>
    %mul3A_21 = arith.mulf %div3A_6, %div3A_6 : vector<1x64xf32>
    %sub3A = arith.subf %div3A_20, %mul3A_21 : vector<1x64xf32>
    %add3A_22 = arith.constant 9.99999974E-6 : f32
    %add3A_23 = vector.broadcast %add3A_22 : f32 to vector<1x64xf32>
    %add3A_24 = arith.addf %sub3A, %add3A_23 : vector<1x64xf32>
    %rsqrt3A = math.rsqrt %add3A_24 : vector<1x64xf32>
    %get3A_25 = arith.constant 0 : index
    %get3A_26 = arith.constant 0 : index
    %get3A_27 = vector.load %arg1[%get3A_25, %get3A_26] : memref<512x64xf32, #tpu.memory_space<vmem>>, vector<512x64xf32>
    %get3A_28 = arith.constant 0 : index
    %get3A_29 = arith.constant 0 : index
    %get3A_30 = vector.load %arg2[%get3A_28, %get3A_29] : memref<512x64xf32, #tpu.memory_space<vmem>>, vector<512x64xf32>
    %add3A_31 = arith.addf %get3A_27, %get3A_30 : vector<512x64xf32>
    %sub3A_32 = vector.broadcast %div3A_6 : vector<1x64xf32> to vector<512x64xf32>
    %sub3A_33 = arith.subf %add3A_31, %sub3A_32 : vector<512x64xf32>
    %get3A_34 = arith.constant 0 : index
    %get3A_35 = arith.constant 0 : index
    %get3A_36 = vector.load %arg4[%get3A_34, %get3A_35] : memref<1x64xf32, #tpu.memory_space<vmem>>, vector<1x64xf32>
    %mul3A_37 = arith.mulf %rsqrt3A, %get3A_36 : vector<1x64xf32>
    %mul3A_38 = vector.broadcast %mul3A_37 : vector<1x64xf32> to vector<512x64xf32>
    %mul3A_39 = arith.mulf %sub3A_33, %mul3A_38 : vector<512x64xf32>
    %get3A_40 = arith.constant 0 : index
    %get3A_41 = arith.constant 0 : index
    %get3A_42 = vector.load %arg5[%get3A_40, %get3A_41] : memref<1x64xf32, #tpu.memory_space<vmem>>, vector<1x64xf32>
    %add3A_43 = vector.broadcast %get3A_42 : vector<1x64xf32> to vector<512x64xf32>
    %add3A_44 = arith.addf %mul3A_39, %add3A_43 : vector<512x64xf32>
    %gt3A = arith.constant 0.000000e+00 : f32
    %gt3A_45 = vector.broadcast %gt3A : f32 to vector<512x64xf32>
    %gt3A_46 = arith.cmpf ogt, %add3A_44, %gt3A_45 : vector<512x64xf32>
    %mul3A_47 = arith.constant 2.000000e-01 : f32
    %mul3A_48 = vector.broadcast %mul3A_47 : f32 to vector<512x64xf32>
    %mul3A_49 = arith.mulf %mul3A_48, %add3A_44 : vector<512x64xf32>
    %select_n3A = arith.select %gt3A_46, %add3A_44, %mul3A_49 : vector<512x64xi1>, vector<512x64xf32>
    %transpose3A = tpu.transpose %select_n3A, [1, 0] : vector<512x64xf32> -> vector<64x512xf32>
    %swap3A = arith.constant 0 : index
    %swap3A_50 = arith.constant 0 : index
    %swap3A_51 = vector.load %arg6[%swap3A, %swap3A_50] : memref<64x512xf32, #tpu.memory_space<vmem>>, vector<64x512xf32>
    tpu.vector_store %arg6[%swap3A, %swap3A_50], %transpose3A {strides = array<i32>} : memref<64x512xf32, #tpu.memory_space<vmem>>, vector<64x512xf32>,
    return
  }
  func.func @transform_0(%arg0: i32) -> (i32, i32) {
    %c0_i32 = arith.constant 0 : i32
    %c0_i32_0 = arith.constant 0 : i32
    return %arg0, %c0_i32 : i32, i32
  }
  func.func @transform_1(%arg0: i32) -> (i32, i32) {
    %c0_i32 = arith.constant 0 : i32
    %c0_i32_0 = arith.constant 0 : i32
    return %arg0, %c0_i32 : i32, i32
  }
  func.func @transform_2(%arg0: i32) -> (i32, i32) {
    %c0_i32 = arith.constant 0 : i32
    %c0_i32_0 = arith.constant 0 : i32
    %c0_i32_1 = arith.constant 0 : i32
    return %c0_i32, %c0_i32_0 : i32, i32
  }
  func.func @transform_3(%arg0: i32) -> (i32, i32) {
    %c0_i32 = arith.constant 0 : i32
    %c0_i32_0 = arith.constant 0 : i32
    %c0_i32_1 = arith.constant 0 : i32
    return %c0_i32, %c0_i32_0 : i32, i32
  }
  func.func @transform_4(%arg0: i32) -> (i32, i32) {
    %c0_i32 = arith.constant 0 : i32
    %c0_i32_0 = arith.constant 0 : i32
    %c0_i32_1 = arith.constant 0 : i32
    return %c0_i32, %c0_i32_0 : i32, i32
  }
  func.func @transform_5(%arg0: i32) -> (i32, i32) {
    %c0_i32 = arith.constant 0 : i32
    %c0_i32_0 = arith.constant 0 : i32
    return %c0_i32, %arg0 : i32, i32
  }
}

</mosaic_0001>

<sc_bundles>
// kernel: kernel.6.cloned.1.call-start
scs
__scs_entry_jumppad:
0x0: {  	(pc) =	sbr.rel $0x88, $3  }
0x1: {  	(tag) =	ssettag $0x0;
	lr =	simm.s32 $0x1  }
0x2: {  	[smem:$0x3F9D] =	sst lr;
	_ =	strace $0xD0000000  }
0x3: {  	_ = 	snop  }
0x4: {  	_ = 	snop  }
0x5: {  	_ = 	snop  }
0x6: {  	_ = 	snop  }
0x7: {  	_ = 	snop  }
__scs_overlays_trampoline_lowered:
0x8: {  	[smem:$0x3FAC] =	sst s0  }
0x9: {  	[smem:$0x3FAD] =	sst s1  }
0xa: {  	[smem:$0x3FAE] =	sst s2  }
0xb: {  	[smem:$0x3FAF] =	sst s3  }
0xc: {  	[smem:$0x3FB0] =	sst s4  }
0xd: {  	[smem:$0x3FB1] =	sst s5  }
0xe: {  	[smem:$0x3FB2] =	sst s6  }
0xf: {  	[smem:$0x3FB3] =	sst s7  }
0x10: {  	[smem:$0x3FB4] =	sst s8  }
0x11: {  	[smem:$0x3FB5] =	sst s9;
	s0 =	simm.s32 @!p0 $0x0  }
0x12: {  	s1 =	sld [smem:$0x3F9B];
	s0 =	simm.s32 @p0 $0x1  }
0x13: {  	[smem:$0x3FB6] =	sst s0;
	s0 =	simm.s32 @!p1 $0x0  }
0x14: {  	s2 =	sld [smem:$0x3F9A];
	s0 =	simm.s32 @p1 $0x1  }
0x15: {  	[smem:$0x3FB7] =	sst s0;
	s0 =	simm.s32 @!p2 $0x0  }
0x16: {  	s3 =	sld [smem:$0x3FDB];
	s0 =	simm.s32 @p2 $0x1  }
0x17: {  	s4 =	simm.s32 $0x1BF5;
	[smem:$0x3FB9] =	sst s0  }
0x18: {  	s0 =	sld [smem:$0x3F9C];
	_ =	swait.ge [sflag:s4], $0x0  }
0x19: {  	s7 =	sld [smem:$0x3F9D]  }
0x1a: {  	s8 =	sadd.s32 $0xFFFFE003, lr  }
0x1b: {  	s9 =	sadd.s32 $0xFFFFFEF7, lr;
	s5 =	simm.s32 $0xFFFFFFFF;
	p2 =	slt.u32 s8, $0xFFFFF086  }
0x1c: {  	p1 =	slt.u32 s9, $0xF7A;
	s5 =	simm.s32 @!p2 $0x0  }
0x1d: {  	s5 =	simm.s32 @p1 $0x1;
	p0 =	seq.s32 s7, s2  }
0x1e: {  	s7 =	smul.u32 @!p0 $0xF7A, s2;
	p2 =	seq.s32 @!p0 s5, $0x0  }
0x1f: {  	s9 =	smul.u32 $0xF7A, s1;
	s8 =	simm.s32 @!p0 $0x1BF5;
	p2 =	por !p2, p0  }
0x20: {  	[sflag:s8] =	ssyncset.s32 @!p0 $0xFFFFF086;
	s6 =	sadd.s32 @!p0 s3, s7;
	s7 =	simm.s32 @!p0 $0x108  }
0x21: {  	s3 =	sadd.s32 s3, s9;
	s6 =	sadd.s32 @!p0 $0x88, s6;
	s7 =	simm.s32 @p2 $0x1082  }
0x22: {  	[simem:s7], [sflag:s8] =	dma.local @!p0 [hbm:s6], $0xF7A  }
0x23: {  	s9 =	sor.u32 $0xD0000000, s2;
	s6 =	simm.s32 $0x108;
	_ =	swait.ge @!p0 [sflag:s8], $0x0  }
0x24: {  	s3 =	sadd.s32 $0x88, s3;
	s6 =	simm.s32 @!p1 $0x1082;
	[sflag:s4] =	ssyncset.s32 $0xFFFFF086  }
0x25: {  	[simem:s6], [sflag:s4] =	dma.local [hbm:s3], $0xF7A  }
0x26: {  	[smem:$0x3F9D] =	sst s1;
	(tag) =	ssettag s2;
	_ =	strace s9  }
0x27: {  	s1 =	sld [smem:$0x3FAD]  }
0x28: {  	s2 =	sld [smem:$0x3FAE]  }
0x29: {  	s4 =	sld [smem:$0x3FB0]  }
0x2a: {  	p0 =	seq.s32 s5, $0x0;
	s5 =	sld [smem:$0x3FB1]  }
0x2b: {  	s6 =	sld [smem:$0x3FB2]  }
0x2c: {  	s7 =	sld [smem:$0x3FB3]  }
0x2d: {  	s3 =	simm.s32 $0x108;
	s8 =	sld [smem:$0x3FB4]  }
0x2e: {  	s3 =	simm.s32 @!p0 $0x1082;
	s9 =	sld [smem:$0x3FB5]  }
0x2f: {  	lr =	sadd.s32 s0, s3;
	s0 =	sld [smem:$0x3FAC]  }
0x30: {  	s3 =	sld [smem:$0x3FAF]  }
0x31: {  	[smem:$0x3FB8] =	sst s10  }
0x32: {  	s10 =	sld [smem:$0x3FB6];
	_ =	sdelay $0x3  }
0x33: {  	p0 =	seq.s32 s10, $0x1;
	s10 =	sld [smem:$0x3FB8];
	_ =	sdelay $0x3  }
0x34: {  	[smem:$0x3FB8] =	sst s10  }
0x35: {  	s10 =	sld [smem:$0x3FB7];
	_ =	sdelay $0x3  }
0x36: {  	p1 =	seq.s32 s10, $0x1;
	s10 =	sld [smem:$0x3FB8];
	_ =	sdelay $0x3  }
0x37: {  	[smem:$0x3FB8] =	sst s10  }
0x38: {  	s10 =	sld [smem:$0x3FB9]  }
0x39: {  	_ = 	snop;
	(pc) =	sbr.ind lr, $3  }
0x3a: {  	_ = 	snop  }
0x3b: {  	_ = 	snop  }
0x3c: {  	p2 =	seq.s32 s10, $0x1;
	s10 =	sld [smem:$0x3FB8]  }
0x3d: {  	_ =	shalt  }
0x3e: {  	_ =	shalt  }
0x3f: {  	_ =	shalt  }
0x40: {  	_ =	shalt  }
0x41: {  	_ =	shalt  }
0x42: {  	_ =	shalt  }
0x43: {  	_ =	shalt  }
0x44: {  	_ =	shalt  }
0x45: {  	_ =	shalt  }
0x46: {  	_ =	shalt  }
0x47: {  	_ =	shalt  }
0x48: {  	_ =	shalt  }
0x49: {  	_ =	shalt  }
0x4a: {  	_ =	shalt  }
0x4b: {  	_ =	shalt  }
0x4c: {  	_ =	shalt  }
0x4d: {  	_ =	shalt  }
0x4e: {  	_ =	shalt  }
0x4f: {  	_ =	shalt  }
0x50: {  	_ =	shalt  }
0x51: {  	_ =	shalt  }
0x52: {  	_ =	shalt  }
0x53: {  	_ =	shalt  }
0x54: {  	_ =	shalt  }
0x55: {  	_ =	shalt  }
0x56: {  	_ =	shalt  }
0x57: {  	_ =	shalt  }
0x58: {  	_ =	shalt  }
0x59: {  	_ =	shalt  }
0x5a: {  	_ =	shalt  }
0x5b: {  	_ =	shalt  }
0x5c: {  	_ =	shalt  }
0x5d: {  	_ =	shalt  }
0x5e: {  	_ =	shalt  }
0x5f: {  	_ =	shalt  }
0x60: {  	_ =	shalt  }
0x61: {  	_ =	shalt  }
0x62: {  	_ =	shalt  }
0x63: {  	_ =	shalt  }
0x64: {  	_ =	shalt  }
0x65: {  	_ =	shalt  }
0x66: {  	_ =	shalt  }
0x67: {  	_ =	shalt  }
0x68: {  	_ =	shalt  }
0x69: {  	_ =	shalt  }
0x6a: {  	_ =	shalt  }
0x6b: {  	_ =	shalt  }
0x6c: {  	_ =	shalt  }
0x6d: {  	_ =	shalt  }
0x6e: {  	_ =	shalt  }
0x6f: {  	_ =	shalt  }
0x70: {  	_ =	shalt  }
0x71: {  	_ =	shalt  }
0x72: {  	_ =	shalt  }
0x73: {  	_ =	shalt  }
0x74: {  	_ =	shalt  }
0x75: {  	_ =	shalt  }
0x76: {  	_ =	shalt  }
0x77: {  	_ =	shalt  }
0x78: {  	_ =	shalt  }
0x79: {  	_ =	shalt  }
0x7a: {  	_ =	shalt  }
0x7b: {  	_ =	shalt  }
0x7c: {  	_ =	shalt  }
0x7d: {  	_ =	shalt  }
0x7e: {  	_ =	shalt  }
0x7f: {  	_ =	shalt  }
0x80: {  	_ =	shalt  }
0x81: {  	_ =	shalt  }
0x82: {  	_ =	shalt  }
0x83: {  	_ =	shalt  }
0x84: {  	_ =	shalt  }
0x85: {  	_ =	shalt  }
0x86: {  	_ =	shalt  }
0x87: {  	_ =	shalt  }
.Lfunc_end0:
.L_simem_size_0:
called_computation_lowered:
.L_overlay_start_0:
0x88: {  	s2 =	sld [smem:$0x3FD9]  }
0x89: {  	s3 =	sld [smem:$0x3FFE];
	_ =	sdelay $0x1  }
0x8a: {  	s1 =	srdreg.scid  }
0x8b: {  	s0 =	sand.u32 $0x1, s1  }
0x8c: {  	s17 =	sshll.u32 s0, $0xA;
	s2 =	sadd.s32 s3, s2  }
0x8d: {  	s2 =	sadd.s32 s2, s17  }
0x8e: {  	[smem:$0x3FC4] =	sst s2  }
0x8f: {  	_ = 	snop  }
0x90: {  	s2 =	sld [smem:$0x3FD0];
	(tm) =	ssettm $0x1  }
0x91: {  	s18 =	sld [smem:$0x3FFB];
	_ =	sdelay $0x3  }
0x92: {  	_ =	strace s18  }
0x93: {  	s3 =	sld [smem:$0x3FFC];
	_ =	sdelay $0x3  }
0x94: {  	_ =	strace s3  }
0x95: {  	s3 =	sld [smem:$0x3FFD];
	_ =	sdelay $0x3  }
0x96: {  	_ =	strace s3  }
0x97: {  	_ =	strace $0x8FFFFFFF  }
0x98: {  	s19 =	sld [smem:$0x3FDB];
	_ =	sdelay $0x1  }
0x99: {  	s4 =	simm.s32 $_scs_section_size  }
0x9a: {  	s5 =	simm.s32 $_size__tile_overlayer_lowered;
	s6 =	simm.s32 $_tile_overlayer_lowered  }
0x9b: {  	s22 =	simm.s32 $0x1BFF;
	s21 =	sshll.u32 s6, $0x1;
	s3 =	sadd.s32 s4, s19  }
0x9c: {  	s7 =	simm.s32 $0x0;
	s20 =	sshll.u32 s5, $0x1;
	s5 =	sadd.s32 s21, s3  }
0x9d: {  	[timem:s7], [sflag:s22] =	dma.local [hbm:s5], s20  }
0x9e: {  	_ =	swait.ge [sflag:s22], s20  }
0x9f: {  	s4 =	ssub.s32 $0x0, s20;
	[sflag:s22] =	ssyncset.done $0x0  }
0xa0: {  	[sflag:s22] =	ssyncadd.s32 s4;
	_ =	sdelay $0x1  }
0xa1: {  	s23 =	simm.s32 $0x1B8B  }
0xa2: {  	_ =	swait.ge [sflag:s23], $0x1  }
0xa3: {  	[sflag:s23] =	ssyncset.done $0x0  }
0xa4: {  	s25 =	simm.s32 $0x1B8E;
	s24 =	sld [smem:$0x3FFE];
	[sflag:s23] =	ssyncadd.s32 $0xFFFFFFFF  }
0xa5: {  	s26 =	simm.s32 $execute0_lowered;
	[smem:$0x3FD2] =	sst s25  }
0xa6: {  	s5 =	sshll.u32 s26, $0x1;
	_ =	strace $0x80000046;
	[dreg:$0x1] =	wrdreg $0xFFFFFFFF  }
0xa7: {  	s28 =	simm.s32 $_size_execute0_lowered;
	s3 =	sadd.s32 s3, s5;
	[dreg:$0x0] =	wrdreg $0x0  }
0xa8: {  	s5 =	sshll.u32 s28, $0x1;
	[dreg:$0x2] =	wrdreg s3  }
0xa9: {  	[dreg:$0x3] =	wrdreg s5  }
0xaa: {  	[dreg:$0x4] =	wrdreg $0xC0  }
0xab: {  	_ =	task [dreg:s7], $0x5FFFF  }
0xac: {  	[dreg:$0x1] =	wrdreg $0xFFFFFFFF  }
0xad: {  	[dreg:$0x0] =	wrdreg $0x60  }
0xae: {  	[dreg:$0x2] =	wrdreg s24  }
0xaf: {  	[dreg:$0x3] =	wrdreg s2  }
0xb0: {  	[dreg:$0x4] =	wrdreg $0x9  }
0xb1: {  	_ =	task.clear_ibuf [dreg:s7], $0x5FFFF;
	_ =	strace $0x90000046  }
0xb2: {  	s29 =	simm.s32 $0x9;
	_ =	strace $0x80000048  }
0xb3: {  	_ =	swait.ge [sflag:s29], $0x1  }
0xb4: {  	[sflag:s29] =	ssyncadd.s32 $0xFFFFFFFF  }
0xb5: {  	_ =	strace $0x90000048  }
0xb6: {  	_ =	sfence  }
0xb7: {  	s30 =	sld [smem:$0x0];
	_ =	sdelay $0x2  }
0xb8: {  	s31 =	sshll.u32 s1, $0xD;
	s1 =	sshrl.u32 s1, $0x2  }
0xb9: {  	s3 =	sand.u32 $0x4000, s31;
	s1 =	sadd.s32 s1, s30  }
0xba: {  	s0 =	sor.u32 s3, s0;
	s1 =	sshll.u32 s1, $0x11  }
0xbb: {  	s0 =	sor.u32 s1, s0  }
0xbc: {  	s0 =	sadd.s32 $0x8F2B, s0  }
0xbd: {  	[sflag:s0] =	ssyncadd.remote.s32 $0x1  }
0xbe: {  	_ =	sfence.sel $0xFFFF  }
0xbf: {  	[dreg:$0x0] =	wrdreg $0xFFFFFFFF;
	(pc) =	sbr.abs _section_cstart, $3  }
0xc0: {  	[dreg:$0x1] =	wrdreg $0xFFFFFFFF  }
0xc1: {  	_ =	task.clear_ibuf [dreg:s7], $0x2FFFF;
	_ =	strace $0x9FFFFFFF  }
0xc2: {  	(tm) =	ssettm $0x7FFFFFFF  }
0xc3: {  	_ =	shalt  }
tec
execute0_lowered:
.L_overlay_start_1:
0x0: {  	(tag) =	ssettag $0x1  }
0x1: {  	s0 =	rddreg [dreg:$0x0]  }
0x2: {  	s1 =	rddreg [dreg:$0x1]  }
0x3: {  	s3 =	simm.s32 $0x0;
	s2 =	srdreg.scid;
	s5 =	stileid.u32  }
0x4: {  	s11 =	simm.s32 $0x2;
	s12 =	simm.s32 $0x80;
	s13 =	simm.s32 $0x400  }
0x5: {  	s14 =	simm.s32 $0x4400;
	s15 =	simm.s32 $0x100;
	s16 =	simm.s32 $0x8400  }
0x6: {  	s17 =	simm.s32 $0x180;
	s18 =	simm.s32 $0xC400;
	s19 =	simm.s32 $0x1  }
0x7: {  	s20 =	simm.s32 $0x10400;
	s21 =	simm.s32 $0x11400;
	s22 =	simm.s32 $0x12400  }
0x8: {  	s23 =	simm.s32 $0x200;
	s24 =	simm.s32 $0x280;
	s25 =	simm.s32 $0x300  }
0x9: {  	s26 =	simm.s32 $0x380;
	s28 =	simm.s32 $0x0;
	s2 =	sand.u32 $0x1, s2  }
0xa: {  	[smem:$0x7FF] =	sst s3;
	s4 =	sadd.s32 $0x1800, s0;
	s9 =	ssub.s32 $0x2, s2  }
0xb: {  	s6 =	sshll.u32 s5, $0x1;
	s5 =	sadd.s32 $0x29800, s0;
	s10 =	sshrl.u32 s9, $0x1  }
0xc: {  	s8 =	sadd.s32 $0x79800, s0;
	s2 =	sor.u32 s2, s6;
	s31 =	ssub.s32 s9, s10  }
0xd: {  	s6 =	sadd.s32 $0x51800, s0;
	s7 =	smul.u32 $0x5, s2;
	s0 =	smax.u32 s31, $0x1  }
0xe: {  	_ =	strace $0x80000047;
	s9 =	smul.u32 $0x1400, s2;
	[dreg:$0x3] =	wrdreg s0  }
.LBB2_1:
0xf: {  	s29 =	simm.s32 $0x0  }
.LBB2_2:
0x10: {  	s0 =	sadd.s32 s7, s29  }
0x11: {  	s0 =	sshll.u32 s0, $0x7  }
0x12: {  	s2 =	simm.s32 $0x0;
	s0 =	sadd.s32 s1, s0  }
0x13: {  	[tilespmem:s2], [sflag:$0x2] =	stream.linear.gather [hbm4b:s0+s2], $0x400, $0x38;
	[tilespmem:$0x13400] =	vst v63  }
0x14: {  	_ =	swait.ge [sflag:s11], $0x400  }
0x15: {  	[sflag:s11] =	ssyncset.done $0x0  }
0x16: {  	[sflag:s11] =	ssyncadd.s32 $0xFFFFFC00  }
0x17: {  	[tilespmem:s13], [sflag:$0x1] =	stream.indirect.gather [hbm4b:s4+s12], $0x80, s2, s12, $0xb8;
	[tilespmem:$0x13400] =	vst v63  }
0x18: {  	_ = 	snop  }
0x19: {  	[tilespmem:s14], [sflag:$0x1] =	stream.indirect.gather [hbm4b:s4+s12], $0x80, s12, s12, $0xb8;
	[tilespmem:$0x13400] =	vst v63  }
0x1a: {  	_ = 	snop  }
0x1b: {  	[tilespmem:s16], [sflag:$0x1] =	stream.indirect.gather [hbm4b:s4+s12], $0x80, s15, s12, $0xb8;
	[tilespmem:$0x13400] =	vst v63  }
0x1c: {  	_ = 	snop  }
0x1d: {  	[tilespmem:s18], [sflag:$0x1] =	stream.indirect.gather [hbm4b:s4+s12], $0x80, s17, s12, $0xb8;
	[tilespmem:$0x13400] =	vst v63  }
0x1e: {  	_ =	swait.ge [sflag:s19], $0x4000  }
0x1f: {  	[sflag:s19] =	ssyncset.done $0x0  }
0x20: {  	[sflag:s19] =	ssyncadd.s32 $0xFFFFC000  }
0x21: {  	_ =	swait.ge [sflag:s19], $0x4000  }
0x22: {  	[sflag:s19] =	ssyncset.done $0x0  }
0x23: {  	[sflag:s19] =	ssyncadd.s32 $0xFFFFC000  }
0x24: {  	_ =	swait.ge [sflag:s19], $0x4000  }
0x25: {  	[sflag:s19] =	ssyncset.done $0x0  }
0x26: {  	[sflag:s19] =	ssyncadd.s32 $0xFFFFC000  }
0x27: {  	_ =	swait.ge [sflag:s19], $0x4000  }
0x28: {  	[sflag:s19] =	ssyncset.done $0x0  }
0x29: {  	s30 =	simm.s32 $0x800;
	[sflag:s19] =	ssyncadd.s32 $0xFFFFC000  }
0x2a: {  	v0 =	vld [tilespmem:s30+$0xFFFFFC80]  }
0x2b: {  	v1 =	vld [tilespmem:s30+$0xFFFFFC00];
	_ =	sdelay $0x1  }
0x2c: {  	v2 =	vld [tilespmem:s30+$0xFFFFFD00];
	_ =	sdelay $0x1  }
0x2d: {  	v3 =	vld [tilespmem:s30+$0xFFFFFD80]  }
0x2e: {  	v4 =	vmul.f32 v1, v1;
	v6 =	vmul.f32 v0, v0  }
0x2f: {  	v7 =	vld [tilespmem:s30+$0xFFFFFE00];
	v5 =	vadd.f32 v0, v1  }
0x30: {  	v19 =	vmul.f32 v2, v2;
	v4 =	vadd.f32 v6, v4  }
0x31: {  	v0 =	vmax.f32 v1, v0;
	v1 =	vld [tilespmem:s30+$0xFFFFFE80];
	v5 =	vadd.f32 v2, v5  }
0x32: {  	v8 =	vmul.f32 v3, v3;
	v4 =	vadd.f32 v19, v4  }
0x33: {  	v0 =	vmax.f32 v0, v2;
	v2 =	vld [tilespmem:s30+$0xFFFFFF00];
	v5 =	vadd.f32 v3, v5  }
0x34: {  	v20 =	vmul.f32 v7, v7;
	v4 =	vadd.f32 v8, v4  }
0x35: {  	v0 =	vmax.f32 v0, v3;
	v3 =	vld [tilespmem:s30+$0xFFFFFF80];
	v5 =	vadd.f32 v7, v5  }
0x36: {  	v21 =	vmul.f32 v1, v1;
	v4 =	vadd.f32 v20, v4  }
0x37: {  	v22 =	vld [tilespmem:s30+$0x0];
	v5 =	vadd.f32 v1, v5  }
0x38: {  	v0 =	vmax.f32 v0, v7;
	v23 =	vmul.f32 v2, v2;
	v4 =	vadd.f32 v21, v4  }
0x39: {  	v0 =	vmax.f32 v0, v1;
	v1 =	vld [tilespmem:s30+$0x80];
	v5 =	vadd.f32 v2, v5  }
0x3a: {  	v24 =	vmul.f32 v3, v3;
	v4 =	vadd.f32 v23, v4  }
0x3b: {  	v0 =	vmax.f32 v0, v2;
	v2 =	vld [tilespmem:s30+$0x100];
	v5 =	vadd.f32 v3, v5  }
0x3c: {  	v25 =	vmul.f32 v22, v22;
	v4 =	vadd.f32 v24, v4  }
0x3d: {  	v0 =	vmax.f32 v0, v3;
	v3 =	vld [tilespmem:s30+$0x180];
	v5 =	vadd.f32 v22, v5  }
0x3e: {  	v26 =	vmul.f32 v1, v1;
	v4 =	vadd.f32 v25, v4  }
0x3f: {  	v27 =	vld [tilespmem:s30+$0x200];
	v5 =	vadd.f32 v1, v5  }
0x40: {  	v28 =	vmul.f32 v2, v2;
	v4 =	vadd.f32 v26, v4  }
0x41: {  	v29 =	vld [tilespmem:s30+$0x280];
	v0 =	vmax.f32 v0, v22;
	v5 =	vadd.f32 v2, v5  }
0x42: {  	v0 =	vmax.f32 v0, v1;
	v1 =	vmul.f32 v3, v3;
	v4 =	vadd.f32 v28, v4  }
0x43: {  	v30 =	vld [tilespmem:s30+$0x300];
	v5 =	vadd.f32 v3, v5  }
0x44: {  	v1 =	vadd.f32 v1, v4;
	v4 =	vmul.f32 v27, v27  }
0x45: {  	v0 =	vmax.f32 v0, v2;
	v2 =	vadd.f32 v27, v5;
	v5 =	vld [tilespmem:s30+$0x380]  }
0x46: {  	v0 =	vmax.f32 v0, v3;
	v3 =	vmul.f32 v29, v29;
	v1 =	vadd.f32 v4, v1  }
0x47: {  	v2 =	vadd.f32 v29, v2  }
0x48: {  	v0 =	vmax.f32 v0, v27;
	v1 =	vadd.f32 v3, v1;
	v3 =	vmul.f32 v30, v30  }
0x49: {  	v0 =	vmax.f32 v0, v29;
	v2 =	vadd.f32 v30, v2  }
0x4a: {  	v0 =	vmax.f32 v0, v30;
	v1 =	vadd.f32 v3, v1;
	v3 =	vmul.f32 v5, v5  }
0x4b: {  	s31 =	simm.s32 $0x0;
	v0 =	vmax.f32 v0, v5;
	v2 =	vadd.f32 v5, v2  }
0x4c: {  	[tilespmem:s31+$0x12400] =	vst v0;
	v1 =	vadd.f32 v3, v1  }
0x4d: {  	[tilespmem:s31+$0x10400] =	vst v2  }
0x4e: {  	[tilespmem:s31+$0x11400] =	vst v1  }
0x4f: {  	v0 =	vld [tilespmem:s30+$0xFFFFFC10]  }
0x50: {  	v1 =	vld [tilespmem:s30+$0xFFFFFC90];
	_ =	sdelay $0x1  }
0x51: {  	v2 =	vld [tilespmem:s30+$0xFFFFFD10];
	_ =	sdelay $0x1  }
0x52: {  	v3 =	vld [tilespmem:s30+$0xFFFFFD90]  }
0x53: {  	v4 =	vmul.f32 v0, v0;
	v5 =	vmul.f32 v1, v1  }
0x54: {  	v32 =	vld [tilespmem:s30+$0xFFFFFE10];
	v31 =	vadd.f32 v1, v0  }
0x55: {  	v4 =	vadd.f32 v5, v4;
	v5 =	vmul.f32 v2, v2  }
0x56: {  	v33 =	vld [tilespmem:s30+$0xFFFFFE90];
	v6 =	vadd.f32 v2, v31  }
0x57: {  	v4 =	vadd.f32 v5, v4;
	v5 =	vmul.f32 v3, v3  }
0x58: {  	v9 =	vld [tilespmem:s30+$0xFFFFFF10];
	v6 =	vadd.f32 v3, v6  }
0x59: {  	v4 =	vadd.f32 v5, v4;
	v5 =	vmul.f32 v32, v32  }
0x5a: {  	v10 =	vld [tilespmem:s30+$0xFFFFFF90];
	v6 =	vadd.f32 v32, v6  }
0x5b: {  	v4 =	vadd.f32 v5, v4;
	v5 =	vmul.f32 v33, v33  }
0x5c: {  	v11 =	vld [tilespmem:s30+$0x10];
	v6 =	vadd.f32 v33, v6  }
0x5d: {  	v4 =	vadd.f32 v5, v4;
	v5 =	vmul.f32 v9, v9  }
0x5e: {  	v12 =	vld [tilespmem:s30+$0x90];
	v6 =	vadd.f32 v9, v6  }
0x5f: {  	v4 =	vadd.f32 v5, v4;
	v5 =	vmul.f32 v10, v10  }
0x60: {  	v13 =	vld [tilespmem:s30+$0x110];
	v6 =	vadd.f32 v10, v6  }
0x61: {  	v4 =	vadd.f32 v5, v4;
	v5 =	vmul.f32 v11, v11  }
0x62: {  	v0 =	vmax.f32 v0, v1;
	v1 =	vld [tilespmem:s30+$0x190];
	v6 =	vadd.f32 v11, v6  }
0x63: {  	v0 =	vmax.f32 v0, v2;
	v2 =	vmul.f32 v12, v12;
	v4 =	vadd.f32 v5, v4  }
0x64: {  	v0 =	vmax.f32 v0, v3;
	v3 =	vld [tilespmem:s30+$0x210];
	v5 =	vadd.f32 v12, v6  }
0x65: {  	v34 =	vmul.f32 v13, v13;
	v0 =	vmax.f32 v0, v32;
	v2 =	vadd.f32 v2, v4  }
0x66: {  	v0 =	vmax.f32 v0, v33;
	v4 =	vld [tilespmem:s30+$0x290];
	v5 =	vadd.f32 v13, v5  }
0x67: {  	v0 =	vmax.f32 v0, v9;
	v35 =	vmul.f32 v1, v1;
	v2 =	vadd.f32 v34, v2  }
0x68: {  	v36 =	vld [tilespmem:s30+$0x310];
	v0 =	vmax.f32 v0, v10;
	v5 =	vadd.f32 v1, v5  }
0x69: {  	v0 =	vmax.f32 v0, v11;
	v37 =	vmul.f32 v3, v3;
	v2 =	vadd.f32 v35, v2  }
0x6a: {  	v38 =	vld [tilespmem:s30+$0x390];
	v0 =	vmax.f32 v0, v12;
	v5 =	vadd.f32 v3, v5  }
0x6b: {  	v0 =	vmax.f32 v0, v13;
	v39 =	vmul.f32 v4, v4;
	v2 =	vadd.f32 v37, v2  }
0x6c: {  	v0 =	vmax.f32 v0, v1;
	v1 =	vadd.f32 v4, v5  }
0x6d: {  	v0 =	vmax.f32 v0, v3;
	v3 =	vmul.f32 v36, v36;
	v2 =	vadd.f32 v39, v2  }
0x6e: {  	v0 =	vmax.f32 v0, v4;
	v1 =	vadd.f32 v36, v1  }
0x6f: {  	v0 =	vmax.f32 v0, v36;
	v2 =	vadd.f32 v3, v2;
	v3 =	vmul.f32 v38, v38  }
0x70: {  	v0 =	vmax.f32 v0, v38;
	v1 =	vadd.f32 v38, v1  }
0x71: {  	[tilespmem:s31+$0x12410] =	vst v0;
	v0 =	vadd.f32 v3, v2  }
0x72: {  	[tilespmem:s31+$0x10410] =	vst v1  }
0x73: {  	[tilespmem:s31+$0x11410] =	vst v0  }
0x74: {  	v0 =	vld [tilespmem:s30+$0xFFFFFC20]  }
0x75: {  	v1 =	vld [tilespmem:s30+$0xFFFFFCA0];
	_ =	sdelay $0x1  }
0x76: {  	v2 =	vld [tilespmem:s30+$0xFFFFFD20];
	_ =	sdelay $0x1  }
0x77: {  	v3 =	vld [tilespmem:s30+$0xFFFFFDA0]  }
0x78: {  	v4 =	vmul.f32 v0, v0;
	v5 =	vmul.f32 v1, v1  }
0x79: {  	v41 =	vld [tilespmem:s30+$0xFFFFFE20];
	v40 =	vadd.f32 v1, v0  }
0x7a: {  	v4 =	vadd.f32 v5, v4;
	v5 =	vmul.f32 v2, v2  }
0x7b: {  	v42 =	vld [tilespmem:s30+$0xFFFFFEA0];
	v6 =	vadd.f32 v2, v40  }
0x7c: {  	v4 =	vadd.f32 v5, v4;
	v5 =	vmul.f32 v3, v3  }
0x7d: {  	v43 =	vld [tilespmem:s30+$0xFFFFFF20];
	v6 =	vadd.f32 v3, v6  }
0x7e: {  	v4 =	vadd.f32 v5, v4;
	v5 =	vmul.f32 v41, v41  }
0x7f: {  	v44 =	vld [tilespmem:s30+$0xFFFFFFA0];
	v6 =	vadd.f32 v41, v6  }
0x80: {  	v4 =	vadd.f32 v5, v4;
	v5 =	vmul.f32 v42, v42  }
0x81: {  	v45 =	vld [tilespmem:s30+$0x20];
	v6 =	vadd.f32 v42, v6  }
0x82: {  	v4 =	vadd.f32 v5, v4;
	v5 =	vmul.f32 v43, v43  }
0x83: {  	v46 =	vld [tilespmem:s30+$0xA0];
	v6 =	vadd.f32 v43, v6  }
0x84: {  	v47 =	vmul.f32 v44, v44;
	v4 =	vadd.f32 v5, v4  }
0x85: {  	v5 =	vld [tilespmem:s30+$0x120];
	v6 =	vadd.f32 v44, v6  }
0x86: {  	v48 =	vmul.f32 v45, v45;
	v4 =	vadd.f32 v47, v4  }
0x87: {  	v0 =	vmax.f32 v0, v1;
	v1 =	vld [tilespmem:s30+$0x1A0];
	v6 =	vadd.f32 v45, v6  }
0x88: {  	v0 =	vmax.f32 v0, v2;
	v2 =	vmul.f32 v46, v46;
	v4 =	vadd.f32 v48, v4  }
0x89: {  	v0 =	vmax.f32 v0, v3;
	v3 =	vld [tilespmem:s30+$0x220];
	v6 =	vadd.f32 v46, v6  }
0x8a: {  	v0 =	vmax.f32 v0, v41;
	v49 =	vmul.f32 v5, v5;
	v2 =	vadd.f32 v2, v4  }
0x8b: {  	v0 =	vmax.f32 v0, v42;
	v4 =	vld [tilespmem:s30+$0x2A0];
	v6 =	vadd.f32 v5, v6  }
0x8c: {  	v0 =	vmax.f32 v0, v43;
	v50 =	vmul.f32 v1, v1;
	v2 =	vadd.f32 v49, v2  }
0x8d: {  	v51 =	vld [tilespmem:s30+$0x320];
	v0 =	vmax.f32 v0, v44;
	v6 =	vadd.f32 v1, v6  }
0x8e: {  	v0 =	vmax.f32 v0, v45;
	v52 =	vmul.f32 v3, v3;
	v2 =	vadd.f32 v50, v2  }
0x8f: {  	v53 =	vld [tilespmem:s30+$0x3A0];
	v0 =	vmax.f32 v0, v46;
	v6 =	vadd.f32 v3, v6  }
0x90: {  	v0 =	vmax.f32 v0, v5;
	v5 =	vmul.f32 v4, v4;
	v2 =	vadd.f32 v52, v2  }
0x91: {  	v0 =	vmax.f32 v0, v1;
	v1 =	vadd.f32 v4, v6  }
0x92: {  	v0 =	vmax.f32 v0, v3;
	v3 =	vmul.f32 v51, v51;
	v2 =	vadd.f32 v5, v2  }
0x93: {  	v0 =	vmax.f32 v0, v4;
	v1 =	vadd.f32 v51, v1  }
0x94: {  	v0 =	vmax.f32 v0, v51;
	v2 =	vadd.f32 v3, v2;
	v3 =	vmul.f32 v53, v53  }
0x95: {  	v0 =	vmax.f32 v0, v53;
	v1 =	vadd.f32 v53, v1  }
0x96: {  	[tilespmem:s31+$0x12420] =	vst v0;
	v0 =	vadd.f32 v3, v2  }
0x97: {  	[tilespmem:s31+$0x10420] =	vst v1  }
0x98: {  	[tilespmem:s31+$0x11420] =	vst v0  }
0x99: {  	v0 =	vld [tilespmem:s30+$0xFFFFFC30]  }
0x9a: {  	v1 =	vld [tilespmem:s30+$0xFFFFFCB0];
	_ =	sdelay $0x1  }
0x9b: {  	v2 =	vld [tilespmem:s30+$0xFFFFFD30];
	_ =	sdelay $0x1  }
0x9c: {  	v3 =	vld [tilespmem:s30+$0xFFFFFDB0]  }
0x9d: {  	v4 =	vmul.f32 v0, v0;
	v5 =	vadd.f32 v1, v0;
	v54 =	vmul.f32 v1, v1  }
0x9e: {  	v55 =	vld [tilespmem:s30+$0xFFFFFE30];
	v0 =	vmax.f32 v0, v1  }
0x9f: {  	v1 =	vadd.f32 v54, v4;
	v4 =	vadd.f32 v2, v5;
	v5 =	vmul.f32 v2, v2  }
0xa0: {  	v56 =	vld [tilespmem:s30+$0xFFFFFEB0];
	v0 =	vmax.f32 v0, v2  }
0xa1: {  	v1 =	vadd.f32 v5, v1;
	v2 =	vadd.f32 v3, v4;
	v4 =	vmul.f32 v3, v3  }
0xa2: {  	v0 =	vmax.f32 v0, v3;
	v5 =	vld [tilespmem:s30+$0xFFFFFF30]  }
0xa3: {  	v3 =	vmul.f32 v55, v55;
	v1 =	vadd.f32 v4, v1;
	v2 =	vadd.f32 v55, v2  }
0xa4: {  	v0 =	vmax.f32 v0, v55;
	v4 =	vld [tilespmem:s30+$0xFFFFFFB0]  }
0xa5: {  	v1 =	vadd.f32 v3, v1;
	v2 =	vadd.f32 v56, v2;
	v3 =	vmul.f32 v56, v56  }
0xa6: {  	v57 =	vld [tilespmem:s30+$0x30];
	v0 =	vmax.f32 v0, v56  }
0xa7: {  	v58 =	vld [tilespmem:s30+$0xB0];
	v1 =	vadd.f32 v3, v1;
	v2 =	vadd.f32 v5, v2;
	v3 =	vmul.f32 v5, v5  }
0xa8: {  	v0 =	vmax.f32 v0, v5  }
0xa9: {  	v5 =	vld [tilespmem:s30+$0x130];
	v1 =	vadd.f32 v3, v1;
	v2 =	vadd.f32 v4, v2;
	v3 =	vmul.f32 v4, v4  }
0xaa: {  	v0 =	vmax.f32 v0, v4  }
0xab: {  	v59 =	vld [tilespmem:s30+$0x1B0];
	v1 =	vadd.f32 v3, v1;
	v2 =	vadd.f32 v57, v2;
	v3 =	vmul.f32 v57, v57  }
0xac: {  	v60 =	vmul.f32 v58, v58;
	v4 =	vld [tilespmem:s30+$0x230];
	v0 =	vmax.f32 v0, v57  }
0xad: {  	v61 =	vld [tilespmem:s30+$0x2B0];
	v0 =	vmax.f32 v0, v58;
	v1 =	vadd.f32 v3, v1;
	v2 =	vadd.f32 v58, v2  }
0xae: {  	v0 =	vmax.f32 v0, v5  }
0xaf: {  	v62 =	vld [tilespmem:s30+$0x330];
	v3 =	vmul.f32 v5, v5;
	v1 =	vadd.f32 v60, v1;
	v2 =	vadd.f32 v5, v2  }
0xb0: {  	v63 =	vmul.f32 v59, v59;
	v0 =	vmax.f32 v0, v59  }
0xb1: {  	v5 =	vmax.f32 v0, v4;
	v0 =	vld [tilespmem:s30+$0x3B0];
	v1 =	vadd.f32 v3, v1;
	v2 =	vadd.f32 v59, v2  }
0xb2: {  	v3 =	vmax.f32 v5, v61  }
0xb3: {  	v1 =	vadd.f32 v63, v1;
	v2 =	vadd.f32 v4, v2;
	v4 =	vmul.f32 v4, v4  }
0xb4: {  	v3 =	vmax.f32 v3, v62  }
0xb5: {  	v1 =	vadd.f32 v4, v1;
	v4 =	vadd.f32 v61, v2;
	v2 =	vmul.f32 v61, v61  }
0xb6: {  	v3 =	vmax.f32 v3, v0  }
0xb7: {  	s0 =	simm.s32 $0x200;
	[tilespmem:s31+$0x12430] =	vst v3;
	v3 =	vmul.f32 v62, v62;
	v2 =	vadd.f32 v2, v1;
	v1 =	vadd.f32 v62, v4  }
.LBB2_3:
0xb8: {  	p0 =	sne.s32 s0, $0x3E00  }
0xb9: {  	s30 =	sadd.s32 $0x800, s30;
	s2 =	smov.u32 s0;
	s0 =	sadd.s32 $0x200, s0  }
0xba: {  	v2 =	vadd.f32 v3, v2;
	v1 =	vadd.f32 v0, v1;
	v0 =	vmul.f32 v0, v0;
	_ =	sdelay $0x1  }
0xbb: {  	v0 =	vadd.f32 v0, v2;
	[tilespmem:s31+$0x10430] =	vst v1;
	_ =	sdelay $0x1  }
0xbc: {  	[tilespmem:s31+$0x11430] =	vst v0;
	_ =	sdelay $0x1  }
0xbd: {  	v0 =	vld [tilespmem:s30+$0xFFFFFC80]  }
0xbe: {  	v1 =	vld [tilespmem:s30+$0xFFFFFC00]  }
0xbf: {  	v2 =	vld [tilespmem:s30+$0xFFFFFD00]  }
0xc0: {  	v3 =	vld [tilespmem:s30+$0xFFFFFD80];
	_ =	sdelay $0x1  }
0xc1: {  	v4 =	vld [tilespmem:s30+$0xFFFFFE00]  }
0xc2: {  	v7 =	vmul.f32 v0, v0;
	v5 =	vmul.f32 v1, v1;
	v6 =	vadd.f32 v0, v1  }
0xc3: {  	v0 =	vmax.f32 v1, v0;
	v1 =	vld [tilespmem:s30+$0xFFFFFE80]  }
0xc4: {  	v5 =	vadd.f32 v7, v5;
	v6 =	vadd.f32 v2, v6;
	v7 =	vmul.f32 v2, v2  }
0xc5: {  	v0 =	vmax.f32 v0, v2;
	v2 =	vmul.f32 v3, v3;
	v8 =	vld [tilespmem:s30+$0xFFFFFF00]  }
0xc6: {  	v0 =	vmax.f32 v0, v3;
	v5 =	vadd.f32 v7, v5;
	v6 =	vadd.f32 v3, v6  }
0xc7: {  	v0 =	vmax.f32 v0, v4;
	v3 =	vld [tilespmem:s30+$0xFFFFFF80]  }
0xc8: {  	v2 =	vadd.f32 v2, v5;
	v5 =	vadd.f32 v4, v6;
	v4 =	vmul.f32 v4, v4  }
0xc9: {  	v0 =	vmax.f32 v0, v1;
	v6 =	vld [tilespmem:s30+$0x0]  }
0xca: {  	v2 =	vadd.f32 v4, v2;
	v4 =	vadd.f32 v1, v5;
	v1 =	vmul.f32 v1, v1  }
0xcb: {  	v0 =	vmax.f32 v0, v8  }
0xcc: {  	v1 =	vadd.f32 v1, v2;
	v2 =	vadd.f32 v8, v4;
	v4 =	vmul.f32 v8, v8;
	v5 =	vld [tilespmem:s30+$0x80]  }
0xcd: {  	v0 =	vmax.f32 v0, v3;
	v7 =	vld [tilespmem:s30+$0x100]  }
0xce: {  	v1 =	vadd.f32 v4, v1;
	v2 =	vadd.f32 v3, v2;
	v3 =	vmul.f32 v3, v3;
	v4 =	vld [tilespmem:s30+$0x180]  }
0xcf: {  	v0 =	vmax.f32 v0, v6;
	v8 =	vld [tilespmem:s30+$0x200]  }
0xd0: {  	v1 =	vadd.f32 v3, v1;
	v2 =	vadd.f32 v6, v2;
	v3 =	vmul.f32 v6, v6;
	v6 =	vld [tilespmem:s30+$0x280]  }
0xd1: {  	v9 =	vmul.f32 v5, v5;
	v0 =	vmax.f32 v0, v5;
	v10 =	vld [tilespmem:s30+$0x300]  }
0xd2: {  	v1 =	vadd.f32 v3, v1;
	v2 =	vadd.f32 v5, v2;
	v0 =	vmax.f32 v0, v7;
	v3 =	vld [tilespmem:s30+$0x380]  }
0xd3: {  	v5 =	vmul.f32 v7, v7;
	v0 =	vmax.f32 v0, v4  }
0xd4: {  	v1 =	vadd.f32 v9, v1;
	v2 =	vadd.f32 v7, v2;
	v0 =	vmax.f32 v0, v8  }
0xd5: {  	v7 =	vmul.f32 v4, v4;
	v0 =	vmax.f32 v0, v6  }
0xd6: {  	v1 =	vadd.f32 v5, v1;
	v2 =	vadd.f32 v4, v2;
	v0 =	vmax.f32 v0, v10  }
0xd7: {  	v0 =	vmax.f32 v0, v3  }
0xd8: {  	v4 =	vmul.f32 v8, v8;
	v1 =	vadd.f32 v7, v1;
	v2 =	vadd.f32 v8, v2;
	_ =	sdelay $0x1  }
0xd9: {  	v1 =	vadd.f32 v4, v1;
	v2 =	vadd.f32 v6, v2;
	v4 =	vmul.f32 v6, v6;
	_ =	sdelay $0x1  }
0xda: {  	v1 =	vadd.f32 v4, v1;
	v2 =	vadd.f32 v10, v2;
	v4 =	vmul.f32 v10, v10;
	_ =	sdelay $0x1  }
0xdb: {  	v1 =	vadd.f32 v4, v1;
	v2 =	vadd.f32 v3, v2;
	v3 =	vmul.f32 v3, v3  }
0xdc: {  	s31 =	sshra.s32 s2, $0x2  }
0xdd: {  	v1 =	vadd.f32 v3, v1;
	[tilespmem:s31+$0x10400] =	vst v2  }
0xde: {  	[tilespmem:s31+$0x12400] =	vst v0  }
0xdf: {  	[tilespmem:s31+$0x11400] =	vst v1  }
0xe0: {  	v0 =	vld [tilespmem:s30+$0xFFFFFC10]  }
0xe1: {  	v1 =	vld [tilespmem:s30+$0xFFFFFC90];
	_ =	sdelay $0x1  }
0xe2: {  	v2 =	vld [tilespmem:s30+$0xFFFFFD10];
	_ =	sdelay $0x1  }
0xe3: {  	v3 =	vmul.f32 v0, v0;
	v4 =	vld [tilespmem:s30+$0xFFFFFD90]  }
0xe4: {  	v5 =	vadd.f32 v1, v0;
	v6 =	vmul.f32 v1, v1;
	v0 =	vmax.f32 v0, v1  }
0xe5: {  	v1 =	vld [tilespmem:s30+$0xFFFFFE10]  }
0xe6: {  	v3 =	vadd.f32 v6, v3;
	v5 =	vadd.f32 v2, v5;
	v6 =	vmul.f32 v2, v2  }
0xe7: {  	v0 =	vmax.f32 v0, v2;
	v2 =	vld [tilespmem:s30+$0xFFFFFE90]  }
0xe8: {  	v3 =	vadd.f32 v6, v3;
	v5 =	vadd.f32 v4, v5;
	v6 =	vmul.f32 v4, v4  }
0xe9: {  	v0 =	vmax.f32 v0, v4;
	v4 =	vld [tilespmem:s30+$0xFFFFFF10]  }
0xea: {  	v3 =	vadd.f32 v6, v3;
	v5 =	vadd.f32 v1, v5;
	v6 =	vmul.f32 v1, v1;
	v7 =	vld [tilespmem:s30+$0xFFFFFF90]  }
0xeb: {  	v0 =	vmax.f32 v0, v1;
	v1 =	vld [tilespmem:s30+$0x10]  }
0xec: {  	v3 =	vadd.f32 v6, v3;
	v5 =	vadd.f32 v2, v5;
	v6 =	vmul.f32 v2, v2  }
0xed: {  	v0 =	vmax.f32 v0, v2  }
0xee: {  	v2 =	vadd.f32 v6, v3;
	v3 =	vadd.f32 v4, v5;
	v5 =	vmul.f32 v4, v4;
	v6 =	vld [tilespmem:s30+$0x90]  }
0xef: {  	v0 =	vmax.f32 v0, v4;
	v4 =	vld [tilespmem:s30+$0x110]  }
0xf0: {  	v2 =	vadd.f32 v5, v2;
	v3 =	vadd.f32 v7, v3;
	v5 =	vmul.f32 v7, v7;
	v8 =	vld [tilespmem:s30+$0x190]  }
0xf1: {  	v0 =	vmax.f32 v0, v7;
	v7 =	vmul.f32 v1, v1;
	v9 =	vld [tilespmem:s30+$0x210]  }
0xf2: {  	v0 =	vmax.f32 v0, v1;
	v2 =	vadd.f32 v5, v2;
	v3 =	vadd.f32 v1, v3;
	v1 =	vld [tilespmem:s30+$0x290]  }
0xf3: {  	v5 =	vmul.f32 v6, v6;
	v0 =	vmax.f32 v0, v6;
	v10 =	vld [tilespmem:s30+$0x310]  }
0xf4: {  	v2 =	vadd.f32 v7, v2;
	v3 =	vadd.f32 v6, v3;
	v0 =	vmax.f32 v0, v4;
	v6 =	vld [tilespmem:s30+$0x390]  }
0xf5: {  	v7 =	vmul.f32 v4, v4;
	v0 =	vmax.f32 v0, v8  }
0xf6: {  	v2 =	vadd.f32 v5, v2;
	v3 =	vadd.f32 v4, v3;
	v0 =	vmax.f32 v0, v9  }
0xf7: {  	v4 =	vmul.f32 v8, v8;
	v0 =	vmax.f32 v0, v1  }
0xf8: {  	v2 =	vadd.f32 v7, v2;
	v3 =	vadd.f32 v8, v3;
	v0 =	vmax.f32 v0, v10  }
0xf9: {  	v0 =	vmax.f32 v0, v6  }
0xfa: {  	v2 =	vadd.f32 v4, v2;
	v3 =	vadd.f32 v9, v3;
	v4 =	vmul.f32 v9, v9;
	[tilespmem:s31+$0x12410] =	vst v0;
	_ =	sdelay $0x1  }
0xfb: {  	v0 =	vadd.f32 v4, v2;
	v2 =	vadd.f32 v1, v3;
	v1 =	vmul.f32 v1, v1;
	_ =	sdelay $0x1  }
0xfc: {  	v0 =	vadd.f32 v1, v0;
	v1 =	vadd.f32 v10, v2;
	v2 =	vmul.f32 v10, v10;
	_ =	sdelay $0x1  }
0xfd: {  	v0 =	vadd.f32 v2, v0;
	v1 =	vadd.f32 v6, v1;
	v2 =	vmul.f32 v6, v6;
	_ =	sdelay $0x1  }
0xfe: {  	v0 =	vadd.f32 v2, v0;
	[tilespmem:s31+$0x10410] =	vst v1;
	_ =	sdelay $0x1  }
0xff: {  	[tilespmem:s31+$0x11410] =	vst v0  }
0x100: {  	v0 =	vld [tilespmem:s30+$0xFFFFFC20]  }
0x101: {  	v1 =	vld [tilespmem:s30+$0xFFFFFCA0]  }
0x102: {  	v2 =	vld [tilespmem:s30+$0xFFFFFD20]  }
0x103: {  	v3 =	vld [tilespmem:s30+$0xFFFFFF20]  }
0x104: {  	v4 =	vld [tilespmem:s30+$0xFFFFFFA0]  }
0x105: {  	v5 =	vmul.f32 v0, v0;
	v6 =	vld [tilespmem:s30+$0xFFFFFDA0]  }
0x106: {  	v7 =	vadd.f32 v1, v0;
	v8 =	vmul.f32 v1, v1;
	v0 =	vmax.f32 v0, v1;
	v1 =	vld [tilespmem:s30+$0x20]  }
0x107: {  	v9 =	vld [tilespmem:s30+$0xFFFFFE20]  }
0x108: {  	v5 =	vadd.f32 v8, v5;
	v7 =	vadd.f32 v2, v7;
	v8 =	vmul.f32 v2, v2  }
0x109: {  	v0 =	vmax.f32 v0, v2;
	v2 =	vld [tilespmem:s30+$0xFFFFFEA0]  }
0x10a: {  	v5 =	vadd.f32 v8, v5;
	v7 =	vadd.f32 v6, v7;
	v8 =	vmul.f32 v6, v6  }
0x10b: {  	v0 =	vmax.f32 v0, v6  }
0x10c: {  	v5 =	vadd.f32 v8, v5;
	v6 =	vadd.f32 v9, v7;
	v7 =	vmul.f32 v9, v9  }
0x10d: {  	v0 =	vmax.f32 v0, v9  }
0x10e: {  	v5 =	vadd.f32 v7, v5;
	v6 =	vadd.f32 v2, v6;
	v7 =	vmul.f32 v2, v2  }
0x10f: {  	v0 =	vmax.f32 v0, v2;
	v2 =	vld [tilespmem:s30+$0xA0]  }
0x110: {  	v5 =	vadd.f32 v7, v5;
	v6 =	vadd.f32 v3, v6;
	v7 =	vmul.f32 v3, v3;
	v8 =	vld [tilespmem:s30+$0x120]  }
0x111: {  	v0 =	vmax.f32 v0, v3;
	v3 =	vmul.f32 v4, v4;
	v9 =	vld [tilespmem:s30+$0x1A0]  }
0x112: {  	v0 =	vmax.f32 v0, v4;
	v5 =	vadd.f32 v7, v5;
	v6 =	vadd.f32 v4, v6;
	v4 =	vld [tilespmem:s30+$0x220]  }
0x113: {  	v0 =	vmax.f32 v0, v1;
	v7 =	vmul.f32 v1, v1;
	v10 =	vld [tilespmem:s30+$0x2A0]  }
0x114: {  	v3 =	vadd.f32 v3, v5;
	v1 =	vadd.f32 v1, v6;
	v0 =	vmax.f32 v0, v2;
	v5 =	vld [tilespmem:s30+$0x320]  }
0x115: {  	v6 =	vmul.f32 v2, v2;
	v0 =	vmax.f32 v0, v8;
	v11 =	vld [tilespmem:s30+$0x3A0]  }
0x116: {  	v3 =	vadd.f32 v7, v3;
	v1 =	vadd.f32 v2, v1;
	v0 =	vmax.f32 v0, v9  }
0x117: {  	v2 =	vmul.f32 v8, v8;
	v0 =	vmax.f32 v0, v4  }
0x118: {  	v3 =	vadd.f32 v6, v3;
	v1 =	vadd.f32 v8, v1;
	v0 =	vmax.f32 v0, v10  }
0x119: {  	v6 =	vmul.f32 v9, v9;
	v0 =	vmax.f32 v0, v5  }
0x11a: {  	v2 =	vadd.f32 v2, v3;
	v1 =	vadd.f32 v9, v1;
	v0 =	vmax.f32 v0, v11  }
0x11b: {  	[tilespmem:s31+$0x12420] =	vst v0  }
0x11c: {  	v0 =	vadd.f32 v6, v2;
	v1 =	vadd.f32 v4, v1;
	v2 =	vmul.f32 v4, v4;
	_ =	sdelay $0x1  }
0x11d: {  	v0 =	vadd.f32 v2, v0;
	v1 =	vadd.f32 v10, v1;
	v2 =	vmul.f32 v10, v10;
	_ =	sdelay $0x1  }
0x11e: {  	v0 =	vadd.f32 v2, v0;
	v1 =	vadd.f32 v5, v1;
	v2 =	vmul.f32 v5, v5;
	_ =	sdelay $0x1  }
0x11f: {  	v0 =	vadd.f32 v2, v0;
	v1 =	vadd.f32 v11, v1;
	v2 =	vmul.f32 v11, v11;
	_ =	sdelay $0x1  }
0x120: {  	v0 =	vadd.f32 v2, v0;
	[tilespmem:s31+$0x10420] =	vst v1;
	_ =	sdelay $0x1  }
0x121: {  	[tilespmem:s31+$0x11420] =	vst v0  }
0x122: {  	v0 =	vld [tilespmem:s30+$0xFFFFFC30]  }
0x123: {  	v1 =	vld [tilespmem:s30+$0xFFFFFCB0]  }
0x124: {  	v2 =	vld [tilespmem:s30+$0xFFFFFD30]  }
0x125: {  	v3 =	vld [tilespmem:s30+$0xFFFFFDB0]  }
0x126: {  	v4 =	vld [tilespmem:s30+$0xFFFFFE30]  }
0x127: {  	v5 =	vmul.f32 v0, v0;
	v6 =	vld [tilespmem:s30+$0xFFFFFEB0]  }
0x128: {  	v7 =	vadd.f32 v1, v0;
	v8 =	vmul.f32 v1, v1;
	v0 =	vmax.f32 v0, v1;
	v1 =	vld [tilespmem:s30+$0xFFFFFF30]  }
0x129: {  	v0 =	vmax.f32 v0, v2;
	v9 =	vld [tilespmem:s30+$0xFFFFFFB0]  }
0x12a: {  	v5 =	vadd.f32 v8, v5;
	v7 =	vadd.f32 v2, v7;
	v2 =	vmul.f32 v2, v2;
	v8 =	vld [tilespmem:s30+$0x30]  }
0x12b: {  	v0 =	vmax.f32 v0, v3;
	v10 =	vld [tilespmem:s30+$0xB0]  }
0x12c: {  	v2 =	vadd.f32 v2, v5;
	v5 =	vadd.f32 v3, v7;
	v3 =	vmul.f32 v3, v3;
	v7 =	vld [tilespmem:s30+$0x130]  }
0x12d: {  	v0 =	vmax.f32 v0, v4;
	v11 =	vld [tilespmem:s30+$0x1B0]  }
0x12e: {  	v2 =	vadd.f32 v3, v2;
	v3 =	vadd.f32 v4, v5;
	v4 =	vmul.f32 v4, v4;
	v5 =	vld [tilespmem:s30+$0x230]  }
0x12f: {  	v0 =	vmax.f32 v0, v6;
	v12 =	vld [tilespmem:s30+$0x2B0]  }
0x130: {  	v2 =	vadd.f32 v4, v2;
	v3 =	vadd.f32 v6, v3;
	v4 =	vmul.f32 v6, v6;
	v6 =	vld [tilespmem:s30+$0x330]  }
0x131: {  	v13 =	vmax.f32 v0, v1;
	v0 =	vld [tilespmem:s30+$0x3B0]  }
0x132: {  	v2 =	vadd.f32 v4, v2;
	v3 =	vadd.f32 v1, v3;
	v1 =	vmul.f32 v1, v1  }
0x133: {  	v4 =	vmax.f32 v13, v9  }
0x134: {  	v1 =	vadd.f32 v1, v2;
	v2 =	vadd.f32 v9, v3;
	v3 =	vmul.f32 v9, v9  }
0x135: {  	v4 =	vmax.f32 v4, v8  }
0x136: {  	v1 =	vadd.f32 v3, v1;
	v2 =	vadd.f32 v8, v2;
	v3 =	vmul.f32 v8, v8  }
0x137: {  	v4 =	vmax.f32 v4, v10;
	v8 =	vmul.f32 v10, v10  }
0x138: {  	v1 =	vadd.f32 v3, v1;
	v2 =	vadd.f32 v10, v2;
	v3 =	vmax.f32 v4, v7  }
0x139: {  	v4 =	vmul.f32 v7, v7;
	v3 =	vmax.f32 v3, v11  }
0x13a: {  	v1 =	vadd.f32 v8, v1;
	v2 =	vadd.f32 v7, v2;
	v3 =	vmax.f32 v3, v5  }
0x13b: {  	v7 =	vmul.f32 v11, v11;
	v3 =	vmax.f32 v3, v12  }
0x13c: {  	v1 =	vadd.f32 v4, v1;
	v2 =	vadd.f32 v11, v2;
	v3 =	vmax.f32 v3, v6  }
0x13d: {  	v3 =	vmax.f32 v3, v0  }
.Ltmp0:
0x13e: {  	v4 =	vmul.f32 v5, v5;
	v1 =	vadd.f32 v7, v1;
	v2 =	vadd.f32 v5, v2;
	[tilespmem:s31+$0x12430] =	vst v3;
	(pc) =	sbr.rel @p0 .LBB2_3-.Ltmp0, $3  }
0x13f: {  	_ = 	snop  }
0x140: {  	v1 =	vadd.f32 v4, v1;
	v3 =	vadd.f32 v12, v2;
	v2 =	vmul.f32 v12, v12;
	_ =	sdelay $0x1  }
0x141: {  	v2 =	vadd.f32 v2, v1;
	v1 =	vadd.f32 v6, v3;
	v3 =	vmul.f32 v6, v6  }
0x142: {  	_ = 	snop  }
0x143: {  	v2 =	vadd.f32 v3, v2;
	v3 =	vmul.f32 v0, v0  }
0x144: {  	v0 =	vadd.f32 v0, v1  }
0x145: {  	s0 =	sshll.u32 s29, $0xA;
	v1 =	vadd.f32 v3, v2  }
0x146: {  	s30 =	sadd.s32 s9, s0;
	[tilespmem:s31+$0x10430] =	vst v0  }
0x147: {  	s2 =	simm.s32 $0x0;
	s0 =	sadd.s32 s5, s30;
	[tilespmem:s31+$0x11430] =	vst v1  }
0x148: {  	[hbm4b:s0+s2] =	stream.linear.scatter [tilespmem:s20], [sflag:$0x2], $0x1000, $0x38;
	[tilespmem:$0x13400] =	vst v63  }
0x149: {  	_ =	swait.ge [sflag:s11], $0x1000  }
0x14a: {  	[sflag:s11] =	ssyncset.done $0x0  }
0x14b: {  	s10 =	sadd.s32 s6, s30;
	[sflag:s11] =	ssyncadd.s32 $0xFFFFF000  }
0x14c: {  	[hbm4b:s10+s2] =	stream.linear.scatter [tilespmem:s21], [sflag:$0x2], $0x1000, $0x38;
	[tilespmem:$0x13400] =	vst v63  }
0x14d: {  	_ =	swait.ge [sflag:s11], $0x1000  }
0x14e: {  	[sflag:s11] =	ssyncset.done $0x0  }
0x14f: {  	s10 =	sadd.s32 s8, s30;
	[sflag:s11] =	ssyncadd.s32 $0xFFFFF000  }
0x150: {  	[hbm4b:s10+s2] =	stream.linear.scatter [tilespmem:s22], [sflag:$0x2], $0x1000, $0x38;
	[tilespmem:$0x13400] =	vst v63  }
0x151: {  	_ =	swait.ge [sflag:s11], $0x1000  }
0x152: {  	[sflag:s11] =	ssyncset.done $0x0  }
0x153: {  	[sflag:s11] =	ssyncadd.s32 $0xFFFFF000  }
0x154: {  	[tilespmem:s13], [sflag:$0x1] =	stream.indirect.gather [hbm4b:s4+s12], $0x80, s23, s12, $0xb8;
	[tilespmem:$0x13400] =	vst v63  }
0x155: {  	_ = 	snop  }
0x156: {  	[tilespmem:s14], [sflag:$0x1] =	stream.indirect.gather [hbm4b:s4+s12], $0x80, s24, s12, $0xb8;
	[tilespmem:$0x13400] =	vst v63  }
0x157: {  	_ = 	snop  }
0x158: {  	[tilespmem:s16], [sflag:$0x1] =	stream.indirect.gather [hbm4b:s4+s12], $0x80, s25, s12, $0xb8;
	[tilespmem:$0x13400] =	vst v63  }
0x159: {  	_ = 	snop  }
0x15a: {  	[tilespmem:s18], [sflag:$0x1] =	stream.indirect.gather [hbm4b:s4+s12], $0x80, s26, s12, $0xb8;
	[tilespmem:$0x13400] =	vst v63  }
0x15b: {  	_ =	swait.ge [sflag:s19], $0x4000  }
0x15c: {  	[sflag:s19] =	ssyncset.done $0x0  }
0x15d: {  	[sflag:s19] =	ssyncadd.s32 $0xFFFFC000  }
0x15e: {  	_ =	swait.ge [sflag:s19], $0x4000  }
0x15f: {  	[sflag:s19] =	ssyncset.done $0x0  }
0x160: {  	[sflag:s19] =	ssyncadd.s32 $0xFFFFC000  }
0x161: {  	_ =	swait.ge [sflag:s19], $0x4000  }
0x162: {  	[sflag:s19] =	ssyncset.done $0x0  }
0x163: {  	[sflag:s19] =	ssyncadd.s32 $0xFFFFC000  }
0x164: {  	_ =	swait.ge [sflag:s19], $0x4000  }
0x165: {  	[sflag:s19] =	ssyncset.done $0x0  }
0x166: {  	s31 =	simm.s32 $0x800;
	[sflag:s19] =	ssyncadd.s32 $0xFFFFC000  }
0x167: {  	v0 =	vld [tilespmem:s31+$0xFFFFFC80]  }
0x168: {  	v1 =	vld [tilespmem:s31+$0xFFFFFC00];
	_ =	sdelay $0x1  }
0x169: {  	v2 =	vld [tilespmem:s31+$0xFFFFFD00];
	_ =	sdelay $0x1  }
0x16a: {  	v3 =	vld [tilespmem:s31+$0xFFFFFD80]  }
0x16b: {  	v4 =	vmul.f32 v1, v1;
	v6 =	vmul.f32 v0, v0  }
0x16c: {  	v7 =	vld [tilespmem:s31+$0xFFFFFE00];
	v5 =	vadd.f32 v0, v1  }
0x16d: {  	v19 =	vmul.f32 v2, v2;
	v4 =	vadd.f32 v6, v4  }
0x16e: {  	v0 =	vmax.f32 v1, v0;
	v1 =	vld [tilespmem:s31+$0xFFFFFE80];
	v5 =	vadd.f32 v2, v5  }
0x16f: {  	v8 =	vmul.f32 v3, v3;
	v4 =	vadd.f32 v19, v4  }
0x170: {  	v0 =	vmax.f32 v0, v2;
	v2 =	vld [tilespmem:s31+$0xFFFFFF00];
	v5 =	vadd.f32 v3, v5  }
0x171: {  	v20 =	vmul.f32 v7, v7;
	v4 =	vadd.f32 v8, v4  }
0x172: {  	v0 =	vmax.f32 v0, v3;
	v3 =	vld [tilespmem:s31+$0xFFFFFF80];
	v5 =	vadd.f32 v7, v5  }
0x173: {  	v21 =	vmul.f32 v1, v1;
	v4 =	vadd.f32 v20, v4  }
0x174: {  	v22 =	vld [tilespmem:s31+$0x0];
	v5 =	vadd.f32 v1, v5  }
0x175: {  	v0 =	vmax.f32 v0, v7;
	v23 =	vmul.f32 v2, v2;
	v4 =	vadd.f32 v21, v4  }
0x176: {  	v0 =	vmax.f32 v0, v1;
	v1 =	vld [tilespmem:s31+$0x80];
	v5 =	vadd.f32 v2, v5  }
0x177: {  	v24 =	vmul.f32 v3, v3;
	v4 =	vadd.f32 v23, v4  }
0x178: {  	v0 =	vmax.f32 v0, v2;
	v2 =	vld [tilespmem:s31+$0x100];
	v5 =	vadd.f32 v3, v5  }
0x179: {  	v25 =	vmul.f32 v22, v22;
	v4 =	vadd.f32 v24, v4  }
0x17a: {  	v0 =	vmax.f32 v0, v3;
	v3 =	vld [tilespmem:s31+$0x180];
	v5 =	vadd.f32 v22, v5  }
0x17b: {  	v26 =	vmul.f32 v1, v1;
	v4 =	vadd.f32 v25, v4  }
0x17c: {  	v27 =	vld [tilespmem:s31+$0x200];
	v5 =	vadd.f32 v1, v5  }
0x17d: {  	v28 =	vmul.f32 v2, v2;
	v4 =	vadd.f32 v26, v4  }
0x17e: {  	v29 =	vld [tilespmem:s31+$0x280];
	v0 =	vmax.f32 v0, v22;
	v5 =	vadd.f32 v2, v5  }
0x17f: {  	v0 =	vmax.f32 v0, v1;
	v1 =	vmul.f32 v3, v3;
	v4 =	vadd.f32 v28, v4  }
0x180: {  	v30 =	vld [tilespmem:s31+$0x300];
	v5 =	vadd.f32 v3, v5  }
0x181: {  	v1 =	vadd.f32 v1, v4;
	v4 =	vmul.f32 v27, v27  }
0x182: {  	v0 =	vmax.f32 v0, v2;
	v2 =	vadd.f32 v27, v5;
	v5 =	vld [tilespmem:s31+$0x380]  }
0x183: {  	v0 =	vmax.f32 v0, v3;
	v3 =	vmul.f32 v29, v29;
	v1 =	vadd.f32 v4, v1  }
0x184: {  	v2 =	vadd.f32 v29, v2  }
0x185: {  	v0 =	vmax.f32 v0, v27;
	v1 =	vadd.f32 v3, v1;
	v3 =	vmul.f32 v30, v30  }
0x186: {  	v0 =	vmax.f32 v0, v29;
	v2 =	vadd.f32 v30, v2  }
0x187: {  	v0 =	vmax.f32 v0, v30;
	v1 =	vadd.f32 v3, v1;
	v3 =	vmul.f32 v5, v5  }
0x188: {  	s0 =	simm.s32 $0x0;
	v0 =	vmax.f32 v0, v5;
	v2 =	vadd.f32 v5, v2  }
0x189: {  	[tilespmem:s0+$0x12400] =	vst v0;
	v1 =	vadd.f32 v3, v1  }
0x18a: {  	[tilespmem:s0+$0x10400] =	vst v2  }
0x18b: {  	[tilespmem:s0+$0x11400] =	vst v1  }
0x18c: {  	v0 =	vld [tilespmem:s31+$0xFFFFFC10]  }
0x18d: {  	v1 =	vld [tilespmem:s31+$0xFFFFFC90];
	_ =	sdelay $0x1  }
0x18e: {  	v2 =	vld [tilespmem:s31+$0xFFFFFD10];
	_ =	sdelay $0x1  }
0x18f: {  	v3 =	vld [tilespmem:s31+$0xFFFFFD90]  }
0x190: {  	v4 =	vmul.f32 v0, v0;
	v5 =	vmul.f32 v1, v1  }
0x191: {  	v32 =	vld [tilespmem:s31+$0xFFFFFE10];
	v31 =	vadd.f32 v1, v0  }
0x192: {  	v4 =	vadd.f32 v5, v4;
	v5 =	vmul.f32 v2, v2  }
0x193: {  	v33 =	vld [tilespmem:s31+$0xFFFFFE90];
	v6 =	vadd.f32 v2, v31  }
0x194: {  	v4 =	vadd.f32 v5, v4;
	v5 =	vmul.f32 v3, v3  }
0x195: {  	v9 =	vld [tilespmem:s31+$0xFFFFFF10];
	v6 =	vadd.f32 v3, v6  }
0x196: {  	v4 =	vadd.f32 v5, v4;
	v5 =	vmul.f32 v32, v32  }
0x197: {  	v10 =	vld [tilespmem:s31+$0xFFFFFF90];
	v6 =	vadd.f32 v32, v6  }
0x198: {  	v4 =	vadd.f32 v5, v4;
	v5 =	vmul.f32 v33, v33  }
0x199: {  	v11 =	vld [tilespmem:s31+$0x10];
	v6 =	vadd.f32 v33, v6  }
0x19a: {  	v4 =	vadd.f32 v5, v4;
	v5 =	vmul.f32 v9, v9  }
0x19b: {  	v12 =	vld [tilespmem:s31+$0x90];
	v6 =	vadd.f32 v9, v6  }
0x19c: {  	v4 =	vadd.f32 v5, v4;
	v5 =	vmul.f32 v10, v10  }
0x19d: {  	v13 =	vld [tilespmem:s31+$0x110];
	v6 =	vadd.f32 v10, v6  }
0x19e: {  	v4 =	vadd.f32 v5, v4;
	v5 =	vmul.f32 v11, v11  }
0x19f: {  	v0 =	vmax.f32 v0, v1;
	v1 =	vld [tilespmem:s31+$0x190];
	v6 =	vadd.f32 v11, v6  }
0x1a0: {  	v0 =	vmax.f32 v0, v2;
	v2 =	vmul.f32 v12, v12;
	v4 =	vadd.f32 v5, v4  }
0x1a1: {  	v0 =	vmax.f32 v0, v3;
	v3 =	vld [tilespmem:s31+$0x210];
	v5 =	vadd.f32 v12, v6  }
0x1a2: {  	v34 =	vmul.f32 v13, v13;
	v0 =	vmax.f32 v0, v32;
	v2 =	vadd.f32 v2, v4  }
0x1a3: {  	v0 =	vmax.f32 v0, v33;
	v4 =	vld [tilespmem:s31+$0x290];
	v5 =	vadd.f32 v13, v5  }
0x1a4: {  	v0 =	vmax.f32 v0, v9;
	v35 =	vmul.f32 v1, v1;
	v2 =	vadd.f32 v34, v2  }
0x1a5: {  	v36 =	vld [tilespmem:s31+$0x310];
	v0 =	vmax.f32 v0, v10;
	v5 =	vadd.f32 v1, v5  }
0x1a6: {  	v0 =	vmax.f32 v0, v11;
	v37 =	vmul.f32 v3, v3;
	v2 =	vadd.f32 v35, v2  }
0x1a7: {  	v38 =	vld [tilespmem:s31+$0x390];
	v0 =	vmax.f32 v0, v12;
	v5 =	vadd.f32 v3, v5  }
0x1a8: {  	v0 =	vmax.f32 v0, v13;
	v39 =	vmul.f32 v4, v4;
	v2 =	vadd.f32 v37, v2  }
0x1a9: {  	v0 =	vmax.f32 v0, v1;
	v1 =	vadd.f32 v4, v5  }
0x1aa: {  	v0 =	vmax.f32 v0, v3;
	v3 =	vmul.f32 v36, v36;
	v2 =	vadd.f32 v39, v2  }
0x1ab: {  	v0 =	vmax.f32 v0, v4;
	v1 =	vadd.f32 v36, v1  }
0x1ac: {  	v0 =	vmax.f32 v0, v36;
	v2 =	vadd.f32 v3, v2;
	v3 =	vmul.f32 v38, v38  }
0x1ad: {  	v0 =	vmax.f32 v0, v38;
	v1 =	vadd.f32 v38, v1  }
0x1ae: {  	[tilespmem:s0+$0x12410] =	vst v0;
	v0 =	vadd.f32 v3, v2  }
0x1af: {  	[tilespmem:s0+$0x10410] =	vst v1  }
0x1b0: {  	[tilespmem:s0+$0x11410] =	vst v0  }
0x1b1: {  	v0 =	vld [tilespmem:s31+$0xFFFFFC20]  }
0x1b2: {  	v1 =	vld [tilespmem:s31+$0xFFFFFCA0];
	_ =	sdelay $0x1  }
0x1b3: {  	v2 =	vld [tilespmem:s31+$0xFFFFFD20];
	_ =	sdelay $0x1  }
0x1b4: {  	v3 =	vld [tilespmem:s31+$0xFFFFFDA0]  }
0x1b5: {  	v4 =	vmul.f32 v0, v0;
	v5 =	vmul.f32 v1, v1  }
0x1b6: {  	v41 =	vld [tilespmem:s31+$0xFFFFFE20];
	v40 =	vadd.f32 v1, v0  }
0x1b7: {  	v4 =	vadd.f32 v5, v4;
	v5 =	vmul.f32 v2, v2  }
0x1b8: {  	v42 =	vld [tilespmem:s31+$0xFFFFFEA0];
	v6 =	vadd.f32 v2, v40  }
0x1b9: {  	v4 =	vadd.f32 v5, v4;
	v5 =	vmul.f32 v3, v3  }
0x1ba: {  	v43 =	vld [tilespmem:s31+$0xFFFFFF20];
	v6 =	vadd.f32 v3, v6  }
0x1bb: {  	v4 =	vadd.f32 v5, v4;
	v5 =	vmul.f32 v41, v41  }
0x1bc: {  	v44 =	vld [tilespmem:s31+$0xFFFFFFA0];
	v6 =	vadd.f32 v41, v6  }
0x1bd: {  	v4 =	vadd.f32 v5, v4;
	v5 =	vmul.f32 v42, v42  }
0x1be: {  	v45 =	vld [tilespmem:s31+$0x20];
	v6 =	vadd.f32 v42, v6  }
0x1bf: {  	v4 =	vadd.f32 v5, v4;
	v5 =	vmul.f32 v43, v43  }
0x1c0: {  	v46 =	vld [tilespmem:s31+$0xA0];
	v6 =	vadd.f32 v43, v6  }
0x1c1: {  	v47 =	vmul.f32 v44, v44;
	v4 =	vadd.f32 v5, v4  }
0x1c2: {  	v5 =	vld [tilespmem:s31+$0x120];
	v6 =	vadd.f32 v44, v6  }
0x1c3: {  	v48 =	vmul.f32 v45, v45;
	v4 =	vadd.f32 v47, v4  }
0x1c4: {  	v0 =	vmax.f32 v0, v1;
	v1 =	vld [tilespmem:s31+$0x1A0];
	v6 =	vadd.f32 v45, v6  }
0x1c5: {  	v0 =	vmax.f32 v0, v2;
	v2 =	vmul.f32 v46, v46;
	v4 =	vadd.f32 v48, v4  }
0x1c6: {  	v0 =	vmax.f32 v0, v3;
	v3 =	vld [tilespmem:s31+$0x220];
	v6 =	vadd.f32 v46, v6  }
0x1c7: {  	v0 =	vmax.f32 v0, v41;
	v49 =	vmul.f32 v5, v5;
	v2 =	vadd.f32 v2, v4  }
0x1c8: {  	v0 =	vmax.f32 v0, v42;
	v4 =	vld [tilespmem:s31+$0x2A0];
	v6 =	vadd.f32 v5, v6  }
0x1c9: {  	v0 =	vmax.f32 v0, v43;
	v50 =	vmul.f32 v1, v1;
	v2 =	vadd.f32 v49, v2  }
0x1ca: {  	v51 =	vld [tilespmem:s31+$0x320];
	v0 =	vmax.f32 v0, v44;
	v6 =	vadd.f32 v1, v6  }
0x1cb: {  	v0 =	vmax.f32 v0, v45;
	v52 =	vmul.f32 v3, v3;
	v2 =	vadd.f32 v50, v2  }
0x1cc: {  	v53 =	vld [tilespmem:s31+$0x3A0];
	v0 =	vmax.f32 v0, v46;
	v6 =	vadd.f32 v3, v6  }
0x1cd: {  	v0 =	vmax.f32 v0, v5;
	v5 =	vmul.f32 v4, v4;
	v2 =	vadd.f32 v52, v2  }
0x1ce: {  	v0 =	vmax.f32 v0, v1;
	v1 =	vadd.f32 v4, v6  }
0x1cf: {  	v0 =	vmax.f32 v0, v3;
	v3 =	vmul.f32 v51, v51;
	v2 =	vadd.f32 v5, v2  }
0x1d0: {  	v0 =	vmax.f32 v0, v4;
	v1 =	vadd.f32 v51, v1  }
0x1d1: {  	v0 =	vmax.f32 v0, v51;
	v2 =	vadd.f32 v3, v2;
	v3 =	vmul.f32 v53, v53  }
0x1d2: {  	v0 =	vmax.f32 v0, v53;
	v1 =	vadd.f32 v53, v1  }
0x1d3: {  	[tilespmem:s0+$0x12420] =	vst v0;
	v0 =	vadd.f32 v3, v2  }
0x1d4: {  	[tilespmem:s0+$0x10420] =	vst v1  }
0x1d5: {  	[tilespmem:s0+$0x11420] =	vst v0  }
0x1d6: {  	v0 =	vld [tilespmem:s31+$0xFFFFFC30]  }
0x1d7: {  	v1 =	vld [tilespmem:s31+$0xFFFFFCB0];
	_ =	sdelay $0x1  }
0x1d8: {  	v2 =	vld [tilespmem:s31+$0xFFFFFD30];
	_ =	sdelay $0x1  }
0x1d9: {  	v3 =	vld [tilespmem:s31+$0xFFFFFDB0]  }
0x1da: {  	v4 =	vmul.f32 v0, v0;
	v5 =	vadd.f32 v1, v0;
	v54 =	vmul.f32 v1, v1  }
0x1db: {  	v55 =	vld [tilespmem:s31+$0xFFFFFE30];
	v0 =	vmax.f32 v0, v1  }
0x1dc: {  	v1 =	vadd.f32 v54, v4;
	v4 =	vadd.f32 v2, v5;
	v5 =	vmul.f32 v2, v2  }
0x1dd: {  	v56 =	vld [tilespmem:s31+$0xFFFFFEB0];
	v0 =	vmax.f32 v0, v2  }
0x1de: {  	v1 =	vadd.f32 v5, v1;
	v2 =	vadd.f32 v3, v4;
	v4 =	vmul.f32 v3, v3  }
0x1df: {  	v0 =	vmax.f32 v0, v3;
	v5 =	vld [tilespmem:s31+$0xFFFFFF30]  }
0x1e0: {  	v3 =	vmul.f32 v55, v55;
	v1 =	vadd.f32 v4, v1;
	v2 =	vadd.f32 v55, v2  }
0x1e1: {  	v0 =	vmax.f32 v0, v55;
	v4 =	vld [tilespmem:s31+$0xFFFFFFB0]  }
0x1e2: {  	v1 =	vadd.f32 v3, v1;
	v2 =	vadd.f32 v56, v2;
	v3 =	vmul.f32 v56, v56  }
0x1e3: {  	v57 =	vld [tilespmem:s31+$0x30];
	v0 =	vmax.f32 v0, v56  }
0x1e4: {  	v58 =	vld [tilespmem:s31+$0xB0];
	v1 =	vadd.f32 v3, v1;
	v2 =	vadd.f32 v5, v2;
	v3 =	vmul.f32 v5, v5  }
0x1e5: {  	v0 =	vmax.f32 v0, v5  }
0x1e6: {  	v5 =	vld [tilespmem:s31+$0x130];
	v1 =	vadd.f32 v3, v1;
	v2 =	vadd.f32 v4, v2;
	v3 =	vmul.f32 v4, v4  }
0x1e7: {  	v0 =	vmax.f32 v0, v4  }
0x1e8: {  	v59 =	vld [tilespmem:s31+$0x1B0];
	v1 =	vadd.f32 v3, v1;
	v2 =	vadd.f32 v57, v2;
	v3 =	vmul.f32 v57, v57  }
0x1e9: {  	v60 =	vmul.f32 v58, v58;
	v4 =	vld [tilespmem:s31+$0x230];
	v0 =	vmax.f32 v0, v57  }
0x1ea: {  	v61 =	vld [tilespmem:s31+$0x2B0];
	v0 =	vmax.f32 v0, v58;
	v1 =	vadd.f32 v3, v1;
	v2 =	vadd.f32 v58, v2  }
0x1eb: {  	v0 =	vmax.f32 v0, v5  }
0x1ec: {  	v62 =	vld [tilespmem:s31+$0x330];
	v3 =	vmul.f32 v5, v5;
	v1 =	vadd.f32 v60, v1;
	v2 =	vadd.f32 v5, v2  }
0x1ed: {  	v63 =	vmul.f32 v59, v59;
	v0 =	vmax.f32 v0, v59  }
0x1ee: {  	v5 =	vmax.f32 v0, v4;
	v0 =	vld [tilespmem:s31+$0x3B0];
	v1 =	vadd.f32 v3, v1;
	v2 =	vadd.f32 v59, v2  }
0x1ef: {  	v3 =	vmax.f32 v5, v61  }
0x1f0: {  	v1 =	vadd.f32 v63, v1;
	v2 =	vadd.f32 v4, v2;
	v4 =	vmul.f32 v4, v4  }
0x1f1: {  	v3 =	vmax.f32 v3, v62  }
0x1f2: {  	v1 =	vadd.f32 v4, v1;
	v4 =	vadd.f32 v61, v2;
	v2 =	vmul.f32 v61, v61  }
0x1f3: {  	v3 =	vmax.f32 v3, v0  }
0x1f4: {  	s2 =	simm.s32 $0x200;
	[tilespmem:s0+$0x12430] =	vst v3;
	v3 =	vmul.f32 v62, v62;
	v2 =	vadd.f32 v2, v1;
	v1 =	vadd.f32 v62, v4  }
.LBB2_5:
0x1f5: {  	p0 =	sne.s32 s2, $0x3E00  }
0x1f6: {  	s31 =	sadd.s32 $0x800, s31;
	s10 =	smov.u32 s2;
	s2 =	sadd.s32 $0x200, s2  }
0x1f7: {  	v2 =	vadd.f32 v3, v2;
	v1 =	vadd.f32 v0, v1;
	v0 =	vmul.f32 v0, v0;
	_ =	sdelay $0x1  }
0x1f8: {  	v0 =	vadd.f32 v0, v2;
	[tilespmem:s0+$0x10430] =	vst v1;
	_ =	sdelay $0x1  }
0x1f9: {  	[tilespmem:s0+$0x11430] =	vst v0;
	_ =	sdelay $0x1  }
0x1fa: {  	v0 =	vld [tilespmem:s31+$0xFFFFFC80]  }
0x1fb: {  	v1 =	vld [tilespmem:s31+$0xFFFFFC00]  }
0x1fc: {  	v2 =	vld [tilespmem:s31+$0xFFFFFD00]  }
0x1fd: {  	v3 =	vld [tilespmem:s31+$0xFFFFFD80];
	_ =	sdelay $0x1  }
0x1fe: {  	v4 =	vld [tilespmem:s31+$0xFFFFFE00]  }
0x1ff: {  	v7 =	vmul.f32 v0, v0;
	v5 =	vmul.f32 v1, v1;
	v6 =	vadd.f32 v0, v1  }
0x200: {  	v0 =	vmax.f32 v1, v0;
	v1 =	vld [tilespmem:s31+$0xFFFFFE80]  }
0x201: {  	v5 =	vadd.f32 v7, v5;
	v6 =	vadd.f32 v2, v6;
	v7 =	vmul.f32 v2, v2  }
0x202: {  	v0 =	vmax.f32 v0, v2;
	v2 =	vmul.f32 v3, v3;
	v8 =	vld [tilespmem:s31+$0xFFFFFF00]  }
0x203: {  	v0 =	vmax.f32 v0, v3;
	v5 =	vadd.f32 v7, v5;
	v6 =	vadd.f32 v3, v6  }
0x204: {  	v0 =	vmax.f32 v0, v4;
	v3 =	vld [tilespmem:s31+$0xFFFFFF80]  }
0x205: {  	v2 =	vadd.f32 v2, v5;
	v5 =	vadd.f32 v4, v6;
	v4 =	vmul.f32 v4, v4  }
0x206: {  	v0 =	vmax.f32 v0, v1;
	v6 =	vld [tilespmem:s31+$0x0]  }
0x207: {  	v2 =	vadd.f32 v4, v2;
	v4 =	vadd.f32 v1, v5;
	v1 =	vmul.f32 v1, v1  }
0x208: {  	v0 =	vmax.f32 v0, v8  }
0x209: {  	v1 =	vadd.f32 v1, v2;
	v2 =	vadd.f32 v8, v4;
	v4 =	vmul.f32 v8, v8;
	v5 =	vld [tilespmem:s31+$0x80]  }
0x20a: {  	v0 =	vmax.f32 v0, v3;
	v7 =	vld [tilespmem:s31+$0x100]  }
0x20b: {  	v1 =	vadd.f32 v4, v1;
	v2 =	vadd.f32 v3, v2;
	v3 =	vmul.f32 v3, v3;
	v4 =	vld [tilespmem:s31+$0x180]  }
0x20c: {  	v0 =	vmax.f32 v0, v6;
	v8 =	vld [tilespmem:s31+$0x200]  }
0x20d: {  	v1 =	vadd.f32 v3, v1;
	v2 =	vadd.f32 v6, v2;
	v3 =	vmul.f32 v6, v6;
	v6 =	vld [tilespmem:s31+$0x280]  }
0x20e: {  	v9 =	vmul.f32 v5, v5;
	v0 =	vmax.f32 v0, v5;
	v10 =	vld [tilespmem:s31+$0x300]  }
0x20f: {  	v1 =	vadd.f32 v3, v1;
	v2 =	vadd.f32 v5, v2;
	v0 =	vmax.f32 v0, v7;
	v3 =	vld [tilespmem:s31+$0x380]  }
0x210: {  	v5 =	vmul.f32 v7, v7;
	v0 =	vmax.f32 v0, v4  }
0x211: {  	v1 =	vadd.f32 v9, v1;
	v2 =	vadd.f32 v7, v2;
	v0 =	vmax.f32 v0, v8  }
0x212: {  	v7 =	vmul.f32 v4, v4;
	v0 =	vmax.f32 v0, v6  }
0x213: {  	v1 =	vadd.f32 v5, v1;
	v2 =	vadd.f32 v4, v2;
	v0 =	vmax.f32 v0, v10  }
0x214: {  	v0 =	vmax.f32 v0, v3  }
0x215: {  	v4 =	vmul.f32 v8, v8;
	v1 =	vadd.f32 v7, v1;
	v2 =	vadd.f32 v8, v2;
	_ =	sdelay $0x1  }
0x216: {  	v1 =	vadd.f32 v4, v1;
	v2 =	vadd.f32 v6, v2;
	v4 =	vmul.f32 v6, v6;
	_ =	sdelay $0x1  }
0x217: {  	v1 =	vadd.f32 v4, v1;
	v2 =	vadd.f32 v10, v2;
	v4 =	vmul.f32 v10, v10;
	_ =	sdelay $0x1  }
0x218: {  	v1 =	vadd.f32 v4, v1;
	v2 =	vadd.f32 v3, v2;
	v3 =	vmul.f32 v3, v3  }
0x219: {  	s0 =	sshra.s32 s10, $0x2  }
0x21a: {  	v1 =	vadd.f32 v3, v1;
	[tilespmem:s0+$0x10400] =	vst v2  }
0x21b: {  	[tilespmem:s0+$0x12400] =	vst v0  }
0x21c: {  	[tilespmem:s0+$0x11400] =	vst v1  }
0x21d: {  	v0 =	vld [tilespmem:s31+$0xFFFFFC10]  }
0x21e: {  	v1 =	vld [tilespmem:s31+$0xFFFFFC90];
	_ =	sdelay $0x1  }
0x21f: {  	v2 =	vld [tilespmem:s31+$0xFFFFFD10];
	_ =	sdelay $0x1  }
0x220: {  	v3 =	vmul.f32 v0, v0;
	v4 =	vld [tilespmem:s31+$0xFFFFFD90]  }
0x221: {  	v5 =	vadd.f32 v1, v0;
	v6 =	vmul.f32 v1, v1;
	v0 =	vmax.f32 v0, v1  }
0x222: {  	v1 =	vld [tilespmem:s31+$0xFFFFFE10]  }
0x223: {  	v3 =	vadd.f32 v6, v3;
	v5 =	vadd.f32 v2, v5;
	v6 =	vmul.f32 v2, v2  }
0x224: {  	v0 =	vmax.f32 v0, v2;
	v2 =	vld [tilespmem:s31+$0xFFFFFE90]  }
0x225: {  	v3 =	vadd.f32 v6, v3;
	v5 =	vadd.f32 v4, v5;
	v6 =	vmul.f32 v4, v4  }
0x226: {  	v0 =	vmax.f32 v0, v4;
	v4 =	vld [tilespmem:s31+$0xFFFFFF10]  }
0x227: {  	v3 =	vadd.f32 v6, v3;
	v5 =	vadd.f32 v1, v5;
	v6 =	vmul.f32 v1, v1;
	v7 =	vld [tilespmem:s31+$0xFFFFFF90]  }
0x228: {  	v0 =	vmax.f32 v0, v1;
	v1 =	vld [tilespmem:s31+$0x10]  }
0x229: {  	v3 =	vadd.f32 v6, v3;
	v5 =	vadd.f32 v2, v5;
	v6 =	vmul.f32 v2, v2  }
0x22a: {  	v0 =	vmax.f32 v0, v2  }
0x22b: {  	v2 =	vadd.f32 v6, v3;
	v3 =	vadd.f32 v4, v5;
	v5 =	vmul.f32 v4, v4;
	v6 =	vld [tilespmem:s31+$0x90]  }
0x22c: {  	v0 =	vmax.f32 v0, v4;
	v4 =	vld [tilespmem:s31+$0x110]  }
0x22d: {  	v2 =	vadd.f32 v5, v2;
	v3 =	vadd.f32 v7, v3;
	v5 =	vmul.f32 v7, v7;
	v8 =	vld [tilespmem:s31+$0x190]  }
0x22e: {  	v0 =	vmax.f32 v0, v7;
	v7 =	vmul.f32 v1, v1;
	v9 =	vld [tilespmem:s31+$0x210]  }
0x22f: {  	v0 =	vmax.f32 v0, v1;
	v2 =	vadd.f32 v5, v2;
	v3 =	vadd.f32 v1, v3;
	v1 =	vld [tilespmem:s31+$0x290]  }
0x230: {  	v5 =	vmul.f32 v6, v6;
	v0 =	vmax.f32 v0, v6;
	v10 =	vld [tilespmem:s31+$0x310]  }
0x231: {  	v2 =	vadd.f32 v7, v2;
	v3 =	vadd.f32 v6, v3;
	v0 =	vmax.f32 v0, v4;
	v6 =	vld [tilespmem:s31+$0x390]  }
0x232: {  	v7 =	vmul.f32 v4, v4;
	v0 =	vmax.f32 v0, v8  }
0x233: {  	v2 =	vadd.f32 v5, v2;
	v3 =	vadd.f32 v4, v3;
	v0 =	vmax.f32 v0, v9  }
0x234: {  	v4 =	vmul.f32 v8, v8;
	v0 =	vmax.f32 v0, v1  }
0x235: {  	v2 =	vadd.f32 v7, v2;
	v3 =	vadd.f32 v8, v3;
	v0 =	vmax.f32 v0, v10  }
0x236: {  	v0 =	vmax.f32 v0, v6  }
0x237: {  	v2 =	vadd.f32 v4, v2;
	v3 =	vadd.f32 v9, v3;
	v4 =	vmul.f32 v9, v9;
	[tilespmem:s0+$0x12410] =	vst v0;
	_ =	sdelay $0x1  }
0x238: {  	v0 =	vadd.f32 v4, v2;
	v2 =	vadd.f32 v1, v3;
	v1 =	vmul.f32 v1, v1;
	_ =	sdelay $0x1  }
0x239: {  	v0 =	vadd.f32 v1, v0;
	v1 =	vadd.f32 v10, v2;
	v2 =	vmul.f32 v10, v10;
	_ =	sdelay $0x1  }
0x23a: {  	v0 =	vadd.f32 v2, v0;
	v1 =	vadd.f32 v6, v1;
	v2 =	vmul.f32 v6, v6;
	_ =	sdelay $0x1  }
0x23b: {  	v0 =	vadd.f32 v2, v0;
	[tilespmem:s0+$0x10410] =	vst v1;
	_ =	sdelay $0x1  }
0x23c: {  	[tilespmem:s0+$0x11410] =	vst v0  }
0x23d: {  	v0 =	vld [tilespmem:s31+$0xFFFFFC20]  }
0x23e: {  	v1 =	vld [tilespmem:s31+$0xFFFFFCA0]  }
0x23f: {  	v2 =	vld [tilespmem:s31+$0xFFFFFD20]  }
0x240: {  	v3 =	vld [tilespmem:s31+$0xFFFFFF20]  }
0x241: {  	v4 =	vld [tilespmem:s31+$0xFFFFFFA0]  }
0x242: {  	v5 =	vmul.f32 v0, v0;
	v6 =	vld [tilespmem:s31+$0xFFFFFDA0]  }
0x243: {  	v7 =	vadd.f32 v1, v0;
	v8 =	vmul.f32 v1, v1;
	v0 =	vmax.f32 v0, v1;
	v1 =	vld [tilespmem:s31+$0x20]  }
0x244: {  	v9 =	vld [tilespmem:s31+$0xFFFFFE20]  }
0x245: {  	v5 =	vadd.f32 v8, v5;
	v7 =	vadd.f32 v2, v7;
	v8 =	vmul.f32 v2, v2  }
0x246: {  	v0 =	vmax.f32 v0, v2;
	v2 =	vld [tilespmem:s31+$0xFFFFFEA0]  }
0x247: {  	v5 =	vadd.f32 v8, v5;
	v7 =	vadd.f32 v6, v7;
	v8 =	vmul.f32 v6, v6  }
0x248: {  	v0 =	vmax.f32 v0, v6  }
0x249: {  	v5 =	vadd.f32 v8, v5;
	v6 =	vadd.f32 v9, v7;
	v7 =	vmul.f32 v9, v9  }
0x24a: {  	v0 =	vmax.f32 v0, v9  }
0x24b: {  	v5 =	vadd.f32 v7, v5;
	v6 =	vadd.f32 v2, v6;
	v7 =	vmul.f32 v2, v2  }
0x24c: {  	v0 =	vmax.f32 v0, v2;
	v2 =	vld [tilespmem:s31+$0xA0]  }
0x24d: {  	v5 =	vadd.f32 v7, v5;
	v6 =	vadd.f32 v3, v6;
	v7 =	vmul.f32 v3, v3;
	v8 =	vld [tilespmem:s31+$0x120]  }
0x24e: {  	v0 =	vmax.f32 v0, v3;
	v3 =	vmul.f32 v4, v4;
	v9 =	vld [tilespmem:s31+$0x1A0]  }
0x24f: {  	v0 =	vmax.f32 v0, v4;
	v5 =	vadd.f32 v7, v5;
	v6 =	vadd.f32 v4, v6;
	v4 =	vld [tilespmem:s31+$0x220]  }
0x250: {  	v0 =	vmax.f32 v0, v1;
	v7 =	vmul.f32 v1, v1;
	v10 =	vld [tilespmem:s31+$0x2A0]  }
0x251: {  	v3 =	vadd.f32 v3, v5;
	v1 =	vadd.f32 v1, v6;
	v0 =	vmax.f32 v0, v2;
	v5 =	vld [tilespmem:s31+$0x320]  }
0x252: {  	v6 =	vmul.f32 v2, v2;
	v0 =	vmax.f32 v0, v8;
	v11 =	vld [tilespmem:s31+$0x3A0]  }
0x253: {  	v3 =	vadd.f32 v7, v3;
	v1 =	vadd.f32 v2, v1;
	v0 =	vmax.f32 v0, v9  }
0x254: {  	v2 =	vmul.f32 v8, v8;
	v0 =	vmax.f32 v0, v4  }
0x255: {  	v3 =	vadd.f32 v6, v3;
	v1 =	vadd.f32 v8, v1;
	v0 =	vmax.f32 v0, v10  }
0x256: {  	v6 =	vmul.f32 v9, v9;
	v0 =	vmax.f32 v0, v5  }
0x257: {  	v2 =	vadd.f32 v2, v3;
	v1 =	vadd.f32 v9, v1;
	v0 =	vmax.f32 v0, v11  }
0x258: {  	[tilespmem:s0+$0x12420] =	vst v0  }
0x259: {  	v0 =	vadd.f32 v6, v2;
	v1 =	vadd.f32 v4, v1;
	v2 =	vmul.f32 v4, v4;
	_ =	sdelay $0x1  }
0x25a: {  	v0 =	vadd.f32 v2, v0;
	v1 =	vadd.f32 v10, v1;
	v2 =	vmul.f32 v10, v10;
	_ =	sdelay $0x1  }
0x25b: {  	v0 =	vadd.f32 v2, v0;
	v1 =	vadd.f32 v5, v1;
	v2 =	vmul.f32 v5, v5;
	_ =	sdelay $0x1  }
0x25c: {  	v0 =	vadd.f32 v2, v0;
	v1 =	vadd.f32 v11, v1;
	v2 =	vmul.f32 v11, v11;
	_ =	sdelay $0x1  }
0x25d: {  	v0 =	vadd.f32 v2, v0;
	[tilespmem:s0+$0x10420] =	vst v1;
	_ =	sdelay $0x1  }
0x25e: {  	[tilespmem:s0+$0x11420] =	vst v0  }
0x25f: {  	v0 =	vld [tilespmem:s31+$0xFFFFFC30]  }
0x260: {  	v1 =	vld [tilespmem:s31+$0xFFFFFCB0]  }
0x261: {  	v2 =	vld [tilespmem:s31+$0xFFFFFD30]  }
0x262: {  	v3 =	vld [tilespmem:s31+$0xFFFFFDB0]  }
0x263: {  	v4 =	vld [tilespmem:s31+$0xFFFFFE30]  }
0x264: {  	v5 =	vmul.f32 v0, v0;
	v6 =	vld [tilespmem:s31+$0xFFFFFEB0]  }
0x265: {  	v7 =	vadd.f32 v1, v0;
	v8 =	vmul.f32 v1, v1;
	v0 =	vmax.f32 v0, v1;
	v1 =	vld [tilespmem:s31+$0xFFFFFF30]  }
0x266: {  	v0 =	vmax.f32 v0, v2;
	v9 =	vld [tilespmem:s31+$0xFFFFFFB0]  }
0x267: {  	v5 =	vadd.f32 v8, v5;
	v7 =	vadd.f32 v2, v7;
	v2 =	vmul.f32 v2, v2;
	v8 =	vld [tilespmem:s31+$0x30]  }
0x268: {  	v0 =	vmax.f32 v0, v3;
	v10 =	vld [tilespmem:s31+$0xB0]  }
0x269: {  	v2 =	vadd.f32 v2, v5;
	v5 =	vadd.f32 v3, v7;
	v3 =	vmul.f32 v3, v3;
	v7 =	vld [tilespmem:s31+$0x130]  }
0x26a: {  	v0 =	vmax.f32 v0, v4;
	v11 =	vld [tilespmem:s31+$0x1B0]  }
0x26b: {  	v2 =	vadd.f32 v3, v2;
	v3 =	vadd.f32 v4, v5;
	v4 =	vmul.f32 v4, v4;
	v5 =	vld [tilespmem:s31+$0x230]  }
0x26c: {  	v0 =	vmax.f32 v0, v6;
	v12 =	vld [tilespmem:s31+$0x2B0]  }
0x26d: {  	v2 =	vadd.f32 v4, v2;
	v3 =	vadd.f32 v6, v3;
	v4 =	vmul.f32 v6, v6;
	v6 =	vld [tilespmem:s31+$0x330]  }
0x26e: {  	v13 =	vmax.f32 v0, v1;
	v0 =	vld [tilespmem:s31+$0x3B0]  }
0x26f: {  	v2 =	vadd.f32 v4, v2;
	v3 =	vadd.f32 v1, v3;
	v1 =	vmul.f32 v1, v1  }
0x270: {  	v4 =	vmax.f32 v13, v9  }
0x271: {  	v1 =	vadd.f32 v1, v2;
	v2 =	vadd.f32 v9, v3;
	v3 =	vmul.f32 v9, v9  }
0x272: {  	v4 =	vmax.f32 v4, v8  }
0x273: {  	v1 =	vadd.f32 v3, v1;
	v2 =	vadd.f32 v8, v2;
	v3 =	vmul.f32 v8, v8  }
0x274: {  	v4 =	vmax.f32 v4, v10;
	v8 =	vmul.f32 v10, v10  }
0x275: {  	v1 =	vadd.f32 v3, v1;
	v2 =	vadd.f32 v10, v2;
	v3 =	vmax.f32 v4, v7  }
0x276: {  	v4 =	vmul.f32 v7, v7;
	v3 =	vmax.f32 v3, v11  }
0x277: {  	v1 =	vadd.f32 v8, v1;
	v2 =	vadd.f32 v7, v2;
	v3 =	vmax.f32 v3, v5  }
0x278: {  	v7 =	vmul.f32 v11, v11;
	v3 =	vmax.f32 v3, v12  }
0x279: {  	v1 =	vadd.f32 v4, v1;
	v2 =	vadd.f32 v11, v2;
	v3 =	vmax.f32 v3, v6  }
0x27a: {  	v3 =	vmax.f32 v3, v0  }
.Ltmp1:
0x27b: {  	v4 =	vmul.f32 v5, v5;
	v1 =	vadd.f32 v7, v1;
	v2 =	vadd.f32 v5, v2;
	[tilespmem:s0+$0x12430] =	vst v3;
	(pc) =	sbr.rel @p0 .LBB2_5-.Ltmp1, $3  }
0x27c: {  	_ = 	snop  }
0x27d: {  	v1 =	vadd.f32 v4, v1;
	v3 =	vadd.f32 v12, v2;
	v2 =	vmul.f32 v12, v12;
	_ =	sdelay $0x1  }
0x27e: {  	v2 =	vadd.f32 v2, v1;
	v1 =	vadd.f32 v6, v3;
	v3 =	vmul.f32 v6, v6  }
0x27f: {  	_ = 	snop  }
0x280: {  	v61 =	vmul.f32 v0, v0;
	v2 =	vadd.f32 v3, v2  }
0x281: {  	v62 =	vadd.f32 v0, v1  }
0x282: {  	v63 =	vadd.f32 v61, v2  }
0x283: {  	s2 =	sor.u32 $0x200, s30;
	[tilespmem:s0+$0x10430] =	vst v62  }
0x284: {  	s10 =	sadd.s32 s5, s2;
	[tilespmem:s0+$0x11430] =	vst v63  }
0x285: {  	[hbm4b:s10+s3] =	stream.linear.scatter [tilespmem:s20], [sflag:$0x2], $0x1000, $0x38;
	[tilespmem:$0x13400] =	vst v63  }
0x286: {  	_ =	swait.ge [sflag:s11], $0x1000  }
0x287: {  	[sflag:s11] =	ssyncset.done $0x0  }
0x288: {  	s30 =	sadd.s32 s6, s2;
	[sflag:s11] =	ssyncadd.s32 $0xFFFFF000  }
0x289: {  	[hbm4b:s30+s3] =	stream.linear.scatter [tilespmem:s21], [sflag:$0x2], $0x1000, $0x38;
	[tilespmem:$0x13400] =	vst v63  }
0x28a: {  	s29 =	sadd.s32 $0x1, s29;
	_ =	swait.ge [sflag:s11], $0x1000  }
0x28b: {  	p0 =	sne.s32 s29, $0x5;
	[sflag:s11] =	ssyncset.done $0x0  }
.Ltmp2:
0x28c: {  	s31 =	sadd.s32 s8, s2;
	[sflag:s11] =	ssyncadd.s32 $0xFFFFF000;
	(pc) =	sbr.rel @p0 .LBB2_2-.Ltmp2, $4  }
0x28d: {  	[hbm4b:s31+s3] =	stream.linear.scatter [tilespmem:s22], [sflag:$0x2], $0x1000, $0x38;
	[tilespmem:$0x13400] =	vst v63  }
0x28e: {  	_ =	swait.ge [sflag:s11], $0x1000  }
0x28f: {  	[sflag:s11] =	ssyncset.done $0x0  }
0x290: {  	[sflag:s11] =	ssyncadd.s32 $0xFFFFF000  }
0x291: {  	s28 =	sadd.s32 $0x1, s28;
	s0 =	rddreg [dreg:$0x3]  }
0x292: {  	p0 =	sne.s32 s28, s0  }
.Ltmp3:
0x293: {  	_ = 	snop;
	(pc) =	sbr.rel @p0 .LBB2_1-.Ltmp3, $1  }
0x294: {  	_ =	sdelay $0x3  }
0x295: {  	_ =	sfence.sel $0x180000  }
0x296: {  	[bflag:$0x0] =	sbarrier.arrive $0xFFFF  }
0x297: {  	_ =	strace $0x90000047  }
0x298: {  	s0 =	stileid.u32;
	[bflag:$0x2] =	sbarrier.arrive $0xFFFF  }
0x299: {  	p0 =	sne.s32 s0, $0x0;
	s0 =	rddreg [dreg:$0x2]  }
0x29a: {  	s0 =	sadd.s32 @!p0 $0x100000, s0  }
0x29b: {  	[sflag:s0] =	ssyncadd.tile.s32 @!p0 $0x1;
	_ =	shalt  }
.Lfunc_end2:
_tile_overlayer_lowered:
.L_overlay_start_2:
0x29c: {  	(tag) =	ssettag $0x2  }
0x29d: {  	s0 =	rddreg [dreg:$0x0];
	s2 =	stileid.u32  }
0x29e: {  	s1 =	rddreg [dreg:$0x1];
	p0 =	sne.s32 s2, $0x0  }
0x29f: {  	s3 =	rddreg [dreg:$0x2];
	[bflag:$0x3] =	sbarrier.arrive $0xFFFF;
	s2 =	simm.s32 @!p0 $0x1C02  }
0x2a0: {  	[timem:s3], [sflag:s2] =	dma.local @!p0 [hbm:s0], s1  }
0x2a1: {  	s0 =	simm.s32 @!p0 $0x2  }
0x2a2: {  	_ =	swait.ge @!p0 [sflag:s0], s1  }
0x2a3: {  	s1 =	ssub.s32 @!p0 $0x0, s1;
	[sflag:s0] =	ssyncset.done @!p0 $0x0  }
0x2a4: {  	[sflag:s0] =	ssyncadd.s32 @!p0 s1  }
0x2a5: {  	[bflag:$0x3] =	sbarrier.arrive $0xFFFF  }
0x2a6: {  	_ =	shalt  }

</sc_bundles>
